<compile_context>
chip_gen: v7x
topology: tpu7x:2x2x1
jax: 0.10.2.dev20260603
libtpu: 0.0.44.dev20260713+nightly
codegen_flags: <defaults>
</compile_context>

<pallas_src>
import functools

import jax
import jax.numpy as jnp
from jax import lax
from jax.experimental import pallas as pl
from jax.experimental.pallas import tpu as pltpu
from jax.experimental.pallas import tpu_sc as plsc

SIZE2 = 256
DENSE_COLS = 256
NNZ = 1048576

L = 16
NWORKERS = 32
PER_W = NNZ // NWORKERS
CHUNK = 4096
NCHUNK = PER_W // CHUNK

TC_BLK = 16


def _sc_accum_body(idx_hbm, vals_hbm, out_hbm,
                   acc_v, rc_v, vals_v, sems):
    wid = lax.axis_index("s") * 2 + lax.axis_index("c")
    base = wid * PER_W

    def start(k):
        buf = k % 2
        off = base + k * CHUNK
        pltpu.async_copy(idx_hbm.at[:, pl.ds(off, CHUNK)], rc_v.at[buf],
                         sems.at[buf])
        pltpu.async_copy(vals_hbm.at[pl.ds(off, CHUNK)], vals_v.at[buf],
                         sems.at[buf])

    def drain(k):
        buf = k % 2
        off = base + k * CHUNK
        pltpu.make_async_copy(idx_hbm.at[:, pl.ds(off, CHUNK)], rc_v.at[buf],
                              sems.at[buf]).wait()
        pltpu.make_async_copy(vals_hbm.at[pl.ds(off, CHUNK)], vals_v.at[buf],
                              sems.at[buf]).wait()

    start(0)

    @plsc.parallel_loop(0, SIZE2, unroll=2)
    def _zero(r):
        for cb in range(DENSE_COLS // L):
            acc_v[r, pl.ds(cb * L, L)] = jnp.zeros((L,), jnp.float32)

    for k in range(NCHUNK):
        if k + 1 < NCHUNK:
            start(k + 1)
        drain(k)
        buf = k % 2

        @plsc.parallel_loop(0, CHUNK // L, unroll=4)
        def _scatter(i):
            r = rc_v[buf, 0, pl.ds(i * L, L)]
            c = rc_v[buf, 1, pl.ds(i * L, L)]
            v = vals_v[buf, pl.ds(i * L, L)]
            plsc.addupdate_scatter(acc_v, [r, c], v)

    pltpu.sync_copy(acc_v, out_hbm.at[wid])


def _sc_accum(idx, vals):
    mesh = plsc.VectorSubcoreMesh(core_axis_name="c", subcore_axis_name="s")
    kern = functools.partial(
        pl.kernel,
        mesh=mesh,
        compiler_params=pltpu.CompilerParams(needs_layout_passes=False),
        out_type=jax.ShapeDtypeStruct((NWORKERS, SIZE2, DENSE_COLS),
                                      jnp.float32),
        scratch_types=[
            pltpu.VMEM((SIZE2, DENSE_COLS), jnp.float32),
            pltpu.VMEM((2, 2, CHUNK), jnp.int32),
            pltpu.VMEM((2, CHUNK), jnp.float32),
            pltpu.SemaphoreType.DMA((2,)),
        ],
    )(_sc_accum_body)
    return kern(idx, vals)


def _tc_body(partials_ref, xs_ref, b_ref, out_ref, small_ref):
    @pl.when(pl.program_id(0) == 0)
    def _():
        a = jnp.sum(partials_ref[...], axis=0)
        small_ref[...] = (
            jnp.dot(a, xs_ref[...], preferred_element_type=jnp.float32,
                    precision=lax.Precision.HIGHEST)
            + b_ref[...]
        )
    out_ref[...] = jnp.broadcast_to(small_ref[...][None],
                                    (TC_BLK, SIZE2, DENSE_COLS))


def _tc_finish(partials, xs, bb):
    return pl.pallas_call(
        _tc_body,
        grid=(SIZE2 // TC_BLK,),
        in_specs=[
            pl.BlockSpec((NWORKERS, SIZE2, DENSE_COLS), lambda i: (0, 0, 0)),
            pl.BlockSpec((SIZE2, DENSE_COLS), lambda i: (0, 0)),
            pl.BlockSpec((1, DENSE_COLS), lambda i: (0, 0)),
        ],
        out_specs=pl.BlockSpec((TC_BLK, SIZE2, DENSE_COLS), lambda i: (i, 0, 0)),
        out_shape=jax.ShapeDtypeStruct((SIZE2, SIZE2, DENSE_COLS), jnp.float32),
        scratch_shapes=[pltpu.VMEM((SIZE2, DENSE_COLS), jnp.float32)],
    )(partials, xs, bb)


def kernel(x, indices, values, b):
    idx = indices.astype(jnp.int32)
    vals = values.astype(jnp.float32)
    partials = _sc_accum(idx, vals)
    xs = lax.slice(x, (0, 0), (SIZE2, DENSE_COLS))
    bb = b.reshape(1, DENSE_COLS)
    return _tc_finish(partials, xs, bb)

# --- scband reference (transcript-rebuilt; emitter-appended) ---
"""Pipeline reference for scband-sparse-linear-46282567582161 (READ-ONLY COPY).

The authoritative reference and input builder live on the scoring server;
editing this copy changes nothing except your own understanding.
"""

import jax, jax.numpy as jnp
import numpy as np

SIZE1 = 16384
SIZE2 = 256
DENSE_COLS = 256
NNZ = 1048576

def setup_inputs(seed: int = 0) -> dict:
    key = jax.random.key(seed)
    k1, k2, k3, k4 = jax.random.split(key, 4)
    x = jax.random.normal(k1, (SIZE1, DENSE_COLS), dtype=jnp.float32)
    # indices[0] = row ids (< SIZE2), indices[1] = col ids (< SIZE1); both drawn < 256 to stay in-range for both
    indices = jax.random.randint(k2, (2, NNZ), 0, SIZE2, dtype=jnp.int64)
    # parameter: values, init uniform_() in [0,1) (last init in __init__ wins)
    values = jax.random.uniform(k3, (NNZ,), dtype=jnp.float32)
    # parameter: bias b, uniform in [-1/NNZ, 1/NNZ)
    b = jax.random.uniform(k4, (SIZE2,), minval=-1.0 / NNZ, maxval=1.0 / NNZ, dtype=jnp.float32)
    return {"x": x, "indices": indices, "values": values, "b": b}

def reference(x, indices, values, b):
    row = indices[0]
    col = indices[1]
    # torch_sparse.spmm(indices, values, m=SIZE2, n=SIZE1, x): out[r] += values * x[c]
    gathered = jnp.take(x, col, axis=0) * values[:, None]
    out = jnp.zeros((SIZE2, x.shape[1]), dtype=x.dtype).at[row].add(gathered)
    # x = x + self.b.reshape(x.shape[1:]).repeat(x.shape[0], 1, 1)
    bias = b.reshape(out.shape[1:])  # (DENSE_COLS,) requires SIZE2 == DENSE_COLS
    bias3 = jnp.broadcast_to(bias[None, None, :], (out.shape[0], 1, bias.shape[0]))  # torch repeat(size2,1,1)
    # broadcasting (SIZE2, DENSE_COLS) + (SIZE2, 1, DENSE_COLS) -> (SIZE2, SIZE2, DENSE_COLS)
    return out + bias3

if __name__ == "__main__":
    import jax
    _d = setup_inputs()
    print(jax.jit(kernel)(*tuple(_d.values())))

</pallas_src>

<mosaic_0001>
#map = affine_map<(d0, d1) -> (0, 0)>
#map1 = affine_map<(d0, d1) -> (0)>
#map2 = affine_map<(d0, d1) -> (0, 0, 0)>
module attributes {stable_mosaic.version = 14 : i64} {
  func.func @_sc_accum_body(%arg0: i32, %arg1: i32, %arg2: memref<2x1048576xi32, #tpu.memory_space<hbm>>, %arg3: memref<1048576xf32, #tpu.memory_space<hbm>>, %arg4: memref<32x256x256xf32, #tpu.memory_space<hbm>>, %arg5: memref<256x256xf32, #tpu.memory_space<vmem>>, %arg6: memref<2x2x4096xi32, #tpu.memory_space<vmem>>, %arg7: memref<2x4096xf32, #tpu.memory_space<vmem>>, %arg8: memref<2x!tpu.dma_semaphore, #tpu.memory_space<semaphore_mem>>) attributes {dimension_semantics = [#tpu.dimension_semantics<core_parallel>, #tpu.dimension_semantics<subcore_parallel>], iteration_bounds = array<i64: 2, 16>, scalar_prefetch = 0 : i64, scratch_operands = 4 : i64, tpu.core_type = #tpu.core_type<sc_vector_subcore>, window_params = [{transform_indices = #map}, {transform_indices = #map1}, {transform_indices = #map2}]} {
    %mul3A = arith.constant 2 : i32
    %mul3A_0 = arith.muli %arg1, %mul3A : i32
    %add3A = arith.addi %mul3A_0, %arg0 : i32
    %mul3A_1 = arith.constant 32768 : i32
    %mul3A_2 = arith.muli %add3A, %mul3A_1 : i32
    %add3A_3 = arith.constant 0 : i32
    %add3A_4 = arith.addi %mul3A_2, %add3A_3 : i32
    %dma_start3A = arith.constant 0 : i32
    %dma_start3A_5 = arith.constant 0 : i32
    %dma_start3A_6 = arith.constant 0 : i32
    %dma_start3A_7 = arith.constant 0 : i32
    %dma_start3A_8 = tpu.memref_slice %arg6[%dma_start3A, %dma_start3A_6, %dma_start3A_7] : memref<2x2x4096xi32, #tpu.memory_space<vmem>> -> memref<1x2x4096xi32, #tpu.memory_space<vmem>>
    %dma_start3A_9 = tpu.memref_squeeze %dma_start3A_8 : memref<1x2x4096xi32, #tpu.memory_space<vmem>> -> memref<2x4096xi32, #tpu.memory_space<vmem>>
    %dma_start3A_10 = arith.constant 0 : i32
    %dma_start3A_11 = tpu.memref_slice %arg2[%dma_start3A_10, %add3A_4] : memref<2x1048576xi32, #tpu.memory_space<hbm>> -> memref<2x4096xi32, #tpu.memory_space<hbm>>
    %dma_start3A_12 = tpu.memref_slice %arg8[%dma_start3A_5] : memref<2x!tpu.dma_semaphore, #tpu.memory_space<semaphore_mem>> -> memref<1x!tpu.dma_semaphore, #tpu.memory_space<semaphore_mem>>
    %dma_start3A_13 = tpu.memref_squeeze %dma_start3A_12 : memref<1x!tpu.dma_semaphore, #tpu.memory_space<semaphore_mem>> -> memref<!tpu.dma_semaphore, #tpu.memory_space<semaphore_mem>>
    %dma_start3A_14 = arith.constant 0 : i32
    %dma_start3A_15 = arith.constant 0 : i32
    %dma_start3A_16 = tpu.memref_slice %arg6[%dma_start3A, %dma_start3A_14, %dma_start3A_15] : memref<2x2x4096xi32, #tpu.memory_space<vmem>> -> memref<1x2x4096xi32, #tpu.memory_space<vmem>>
    %dma_start3A_17 = tpu.memref_squeeze %dma_start3A_16 : memref<1x2x4096xi32, #tpu.memory_space<vmem>> -> memref<2x4096xi32, #tpu.memory_space<vmem>>
    %dma_start3A_18 = arith.constant 0 : i32
    %dma_start3A_19 = tpu.memref_slice %arg2[%dma_start3A_18, %add3A_4] : memref<2x1048576xi32, #tpu.memory_space<hbm>> -> memref<2x4096xi32, #tpu.memory_space<hbm>>
    tpu.enqueue_dma source(%dma_start3A_19 : memref<2x4096xi32, #tpu.memory_space<hbm>>) target(%dma_start3A_17 : memref<2x4096xi32, #tpu.memory_space<vmem>>) target_semaphore(%dma_start3A_13 : memref<!tpu.dma_semaphore, #tpu.memory_space<semaphore_mem>>)
    %dma_start3A_20 = arith.constant 0 : i32
    %dma_start3A_21 = arith.constant 0 : i32
    %dma_start3A_22 = arith.constant 0 : i32
    %dma_start3A_23 = tpu.memref_slice %arg7[%dma_start3A_20, %dma_start3A_22] : memref<2x4096xf32, #tpu.memory_space<vmem>> -> memref<1x4096xf32, #tpu.memory_space<vmem>>
    %dma_start3A_24 = tpu.memref_squeeze %dma_start3A_23 : memref<1x4096xf32, #tpu.memory_space<vmem>> -> memref<4096xf32, #tpu.memory_space<vmem>>
    %dma_start3A_25 = tpu.memref_slice %arg3[%add3A_4] : memref<1048576xf32, #tpu.memory_space<hbm>> -> memref<4096xf32, #tpu.memory_space<hbm>>
    %dma_start3A_26 = tpu.memref_slice %arg8[%dma_start3A_21] : memref<2x!tpu.dma_semaphore, #tpu.memory_space<semaphore_mem>> -> memref<1x!tpu.dma_semaphore, #tpu.memory_space<semaphore_mem>>
    %dma_start3A_27 = tpu.memref_squeeze %dma_start3A_26 : memref<1x!tpu.dma_semaphore, #tpu.memory_space<semaphore_mem>> -> memref<!tpu.dma_semaphore, #tpu.memory_space<semaphore_mem>>
    %dma_start3A_28 = arith.constant 0 : i32
    %dma_start3A_29 = tpu.memref_slice %arg7[%dma_start3A_20, %dma_start3A_28] : memref<2x4096xf32, #tpu.memory_space<vmem>> -> memref<1x4096xf32, #tpu.memory_space<vmem>>
    %dma_start3A_30 = tpu.memref_squeeze %dma_start3A_29 : memref<1x4096xf32, #tpu.memory_space<vmem>> -> memref<4096xf32, #tpu.memory_space<vmem>>
    %dma_start3A_31 = tpu.memref_slice %arg3[%add3A_4] : memref<1048576xf32, #tpu.memory_space<hbm>> -> memref<4096xf32, #tpu.memory_space<hbm>>
    tpu.enqueue_dma source(%dma_start3A_31 : memref<4096xf32, #tpu.memory_space<hbm>>) target(%dma_start3A_30 : memref<4096xf32, #tpu.memory_space<vmem>>) target_semaphore(%dma_start3A_27 : memref<!tpu.dma_semaphore, #tpu.memory_space<semaphore_mem>>)
    %parallel_loop3A = arith.constant 0 : i32
    %parallel_loop3A_32 = arith.constant 256 : i32
    %parallel_loop3A_33 = arith.constant 1 : i32
    scf.for %parallel_loop3A_507 = %parallel_loop3A to %parallel_loop3A_32 step %parallel_loop3A_33  : i32 {
      %parallel_loop3A_508 = arith.constant 0.000000e+00 : f32
      %parallel_loop3A_509 = vector.broadcast %parallel_loop3A_508 : f32 to vector<16xf32>
      %parallel_loop3A_510 = arith.index_cast %parallel_loop3A_507 : i32 to index
      %parallel_loop3A_511 = arith.constant 0 : index
      %parallel_loop3A_512 = tpu.vector_load %arg5[%parallel_loop3A_510, %parallel_loop3A_511] {strides = array<i32>} : memref<256x256xf32, #tpu.memory_space<vmem>>, vector<16xf32>,
      tpu.vector_store %arg5[%parallel_loop3A_510, %parallel_loop3A_511], %parallel_loop3A_509 {strides = array<i32>} : memref<256x256xf32, #tpu.memory_space<vmem>>, vector<16xf32>,
      %parallel_loop3A_513 = arith.constant 0.000000e+00 : f32
      %parallel_loop3A_514 = vector.broadcast %parallel_loop3A_513 : f32 to vector<16xf32>
      %parallel_loop3A_515 = arith.index_cast %parallel_loop3A_507 : i32 to index
      %parallel_loop3A_516 = arith.constant 16 : index
      %parallel_loop3A_517 = tpu.vector_load %arg5[%parallel_loop3A_515, %parallel_loop3A_516] {strides = array<i32>} : memref<256x256xf32, #tpu.memory_space<vmem>>, vector<16xf32>,
      tpu.vector_store %arg5[%parallel_loop3A_515, %parallel_loop3A_516], %parallel_loop3A_514 {strides = array<i32>} : memref<256x256xf32, #tpu.memory_space<vmem>>, vector<16xf32>,
      %parallel_loop3A_518 = arith.constant 0.000000e+00 : f32
      %parallel_loop3A_519 = vector.broadcast %parallel_loop3A_518 : f32 to vector<16xf32>
      %parallel_loop3A_520 = arith.index_cast %parallel_loop3A_507 : i32 to index
      %parallel_loop3A_521 = arith.constant 32 : index
      %parallel_loop3A_522 = tpu.vector_load %arg5[%parallel_loop3A_520, %parallel_loop3A_521] {strides = array<i32>} : memref<256x256xf32, #tpu.memory_space<vmem>>, vector<16xf32>,
      tpu.vector_store %arg5[%parallel_loop3A_520, %parallel_loop3A_521], %parallel_loop3A_519 {strides = array<i32>} : memref<256x256xf32, #tpu.memory_space<vmem>>, vector<16xf32>,
      %parallel_loop3A_523 = arith.constant 0.000000e+00 : f32
      %parallel_loop3A_524 = vector.broadcast %parallel_loop3A_523 : f32 to vector<16xf32>
      %parallel_loop3A_525 = arith.index_cast %parallel_loop3A_507 : i32 to index
      %parallel_loop3A_526 = arith.constant 48 : index
      %parallel_loop3A_527 = tpu.vector_load %arg5[%parallel_loop3A_525, %parallel_loop3A_526] {strides = array<i32>} : memref<256x256xf32, #tpu.memory_space<vmem>>, vector<16xf32>,
      tpu.vector_store %arg5[%parallel_loop3A_525, %parallel_loop3A_526], %parallel_loop3A_524 {strides = array<i32>} : memref<256x256xf32, #tpu.memory_space<vmem>>, vector<16xf32>,
      %parallel_loop3A_528 = arith.constant 0.000000e+00 : f32
      %parallel_loop3A_529 = vector.broadcast %parallel_loop3A_528 : f32 to vector<16xf32>
      %parallel_loop3A_530 = arith.index_cast %parallel_loop3A_507 : i32 to index
      %parallel_loop3A_531 = arith.constant 64 : index
      %parallel_loop3A_532 = tpu.vector_load %arg5[%parallel_loop3A_530, %parallel_loop3A_531] {strides = array<i32>} : memref<256x256xf32, #tpu.memory_space<vmem>>, vector<16xf32>,
      tpu.vector_store %arg5[%parallel_loop3A_530, %parallel_loop3A_531], %parallel_loop3A_529 {strides = array<i32>} : memref<256x256xf32, #tpu.memory_space<vmem>>, vector<16xf32>,
      %parallel_loop3A_533 = arith.constant 0.000000e+00 : f32
      %parallel_loop3A_534 = vector.broadcast %parallel_loop3A_533 : f32 to vector<16xf32>
      %parallel_loop3A_535 = arith.index_cast %parallel_loop3A_507 : i32 to index
      %parallel_loop3A_536 = arith.constant 80 : index
      %parallel_loop3A_537 = tpu.vector_load %arg5[%parallel_loop3A_535, %parallel_loop3A_536] {strides = array<i32>} : memref<256x256xf32, #tpu.memory_space<vmem>>, vector<16xf32>,
      tpu.vector_store %arg5[%parallel_loop3A_535, %parallel_loop3A_536], %parallel_loop3A_534 {strides = array<i32>} : memref<256x256xf32, #tpu.memory_space<vmem>>, vector<16xf32>,
      %parallel_loop3A_538 = arith.constant 0.000000e+00 : f32
      %parallel_loop3A_539 = vector.broadcast %parallel_loop3A_538 : f32 to vector<16xf32>
      %parallel_loop3A_540 = arith.index_cast %parallel_loop3A_507 : i32 to index
      %parallel_loop3A_541 = arith.constant 96 : index
      %parallel_loop3A_542 = tpu.vector_load %arg5[%parallel_loop3A_540, %parallel_loop3A_541] {strides = array<i32>} : memref<256x256xf32, #tpu.memory_space<vmem>>, vector<16xf32>,
      tpu.vector_store %arg5[%parallel_loop3A_540, %parallel_loop3A_541], %parallel_loop3A_539 {strides = array<i32>} : memref<256x256xf32, #tpu.memory_space<vmem>>, vector<16xf32>,
      %parallel_loop3A_543 = arith.constant 0.000000e+00 : f32
      %parallel_loop3A_544 = vector.broadcast %parallel_loop3A_543 : f32 to vector<16xf32>
      %parallel_loop3A_545 = arith.index_cast %parallel_loop3A_507 : i32 to index
      %parallel_loop3A_546 = arith.constant 112 : index
      %parallel_loop3A_547 = tpu.vector_load %arg5[%parallel_loop3A_545, %parallel_loop3A_546] {strides = array<i32>} : memref<256x256xf32, #tpu.memory_space<vmem>>, vector<16xf32>,
      tpu.vector_store %arg5[%parallel_loop3A_545, %parallel_loop3A_546], %parallel_loop3A_544 {strides = array<i32>} : memref<256x256xf32, #tpu.memory_space<vmem>>, vector<16xf32>,
      %parallel_loop3A_548 = arith.constant 0.000000e+00 : f32
      %parallel_loop3A_549 = vector.broadcast %parallel_loop3A_548 : f32 to vector<16xf32>
      %parallel_loop3A_550 = arith.index_cast %parallel_loop3A_507 : i32 to index
      %parallel_loop3A_551 = arith.constant 128 : index
      %parallel_loop3A_552 = tpu.vector_load %arg5[%parallel_loop3A_550, %parallel_loop3A_551] {strides = array<i32>} : memref<256x256xf32, #tpu.memory_space<vmem>>, vector<16xf32>,
      tpu.vector_store %arg5[%parallel_loop3A_550, %parallel_loop3A_551], %parallel_loop3A_549 {strides = array<i32>} : memref<256x256xf32, #tpu.memory_space<vmem>>, vector<16xf32>,
      %parallel_loop3A_553 = arith.constant 0.000000e+00 : f32
      %parallel_loop3A_554 = vector.broadcast %parallel_loop3A_553 : f32 to vector<16xf32>
      %parallel_loop3A_555 = arith.index_cast %parallel_loop3A_507 : i32 to index
      %parallel_loop3A_556 = arith.constant 144 : index
      %parallel_loop3A_557 = tpu.vector_load %arg5[%parallel_loop3A_555, %parallel_loop3A_556] {strides = array<i32>} : memref<256x256xf32, #tpu.memory_space<vmem>>, vector<16xf32>,
      tpu.vector_store %arg5[%parallel_loop3A_555, %parallel_loop3A_556], %parallel_loop3A_554 {strides = array<i32>} : memref<256x256xf32, #tpu.memory_space<vmem>>, vector<16xf32>,
      %parallel_loop3A_558 = arith.constant 0.000000e+00 : f32
      %parallel_loop3A_559 = vector.broadcast %parallel_loop3A_558 : f32 to vector<16xf32>
      %parallel_loop3A_560 = arith.index_cast %parallel_loop3A_507 : i32 to index
      %parallel_loop3A_561 = arith.constant 160 : index
      %parallel_loop3A_562 = tpu.vector_load %arg5[%parallel_loop3A_560, %parallel_loop3A_561] {strides = array<i32>} : memref<256x256xf32, #tpu.memory_space<vmem>>, vector<16xf32>,
      tpu.vector_store %arg5[%parallel_loop3A_560, %parallel_loop3A_561], %parallel_loop3A_559 {strides = array<i32>} : memref<256x256xf32, #tpu.memory_space<vmem>>, vector<16xf32>,
      %parallel_loop3A_563 = arith.constant 0.000000e+00 : f32
      %parallel_loop3A_564 = vector.broadcast %parallel_loop3A_563 : f32 to vector<16xf32>
      %parallel_loop3A_565 = arith.index_cast %parallel_loop3A_507 : i32 to index
      %parallel_loop3A_566 = arith.constant 176 : index
      %parallel_loop3A_567 = tpu.vector_load %arg5[%parallel_loop3A_565, %parallel_loop3A_566] {strides = array<i32>} : memref<256x256xf32, #tpu.memory_space<vmem>>, vector<16xf32>,
      tpu.vector_store %arg5[%parallel_loop3A_565, %parallel_loop3A_566], %parallel_loop3A_564 {strides = array<i32>} : memref<256x256xf32, #tpu.memory_space<vmem>>, vector<16xf32>,
      %parallel_loop3A_568 = arith.constant 0.000000e+00 : f32
      %parallel_loop3A_569 = vector.broadcast %parallel_loop3A_568 : f32 to vector<16xf32>
      %parallel_loop3A_570 = arith.index_cast %parallel_loop3A_507 : i32 to index
      %parallel_loop3A_571 = arith.constant 192 : index
      %parallel_loop3A_572 = tpu.vector_load %arg5[%parallel_loop3A_570, %parallel_loop3A_571] {strides = array<i32>} : memref<256x256xf32, #tpu.memory_space<vmem>>, vector<16xf32>,
      tpu.vector_store %arg5[%parallel_loop3A_570, %parallel_loop3A_571], %parallel_loop3A_569 {strides = array<i32>} : memref<256x256xf32, #tpu.memory_space<vmem>>, vector<16xf32>,
      %parallel_loop3A_573 = arith.constant 0.000000e+00 : f32
      %parallel_loop3A_574 = vector.broadcast %parallel_loop3A_573 : f32 to vector<16xf32>
      %parallel_loop3A_575 = arith.index_cast %parallel_loop3A_507 : i32 to index
      %parallel_loop3A_576 = arith.constant 208 : index
      %parallel_loop3A_577 = tpu.vector_load %arg5[%parallel_loop3A_575, %parallel_loop3A_576] {strides = array<i32>} : memref<256x256xf32, #tpu.memory_space<vmem>>, vector<16xf32>,
      tpu.vector_store %arg5[%parallel_loop3A_575, %parallel_loop3A_576], %parallel_loop3A_574 {strides = array<i32>} : memref<256x256xf32, #tpu.memory_space<vmem>>, vector<16xf32>,
      %parallel_loop3A_578 = arith.constant 0.000000e+00 : f32
      %parallel_loop3A_579 = vector.broadcast %parallel_loop3A_578 : f32 to vector<16xf32>
      %parallel_loop3A_580 = arith.index_cast %parallel_loop3A_507 : i32 to index
      %parallel_loop3A_581 = arith.constant 224 : index
      %parallel_loop3A_582 = tpu.vector_load %arg5[%parallel_loop3A_580, %parallel_loop3A_581] {strides = array<i32>} : memref<256x256xf32, #tpu.memory_space<vmem>>, vector<16xf32>,
      tpu.vector_store %arg5[%parallel_loop3A_580, %parallel_loop3A_581], %parallel_loop3A_579 {strides = array<i32>} : memref<256x256xf32, #tpu.memory_space<vmem>>, vector<16xf32>,
      %parallel_loop3A_583 = arith.constant 0.000000e+00 : f32
      %parallel_loop3A_584 = vector.broadcast %parallel_loop3A_583 : f32 to vector<16xf32>
      %parallel_loop3A_585 = arith.index_cast %parallel_loop3A_507 : i32 to index
      %parallel_loop3A_586 = arith.constant 240 : index
      %parallel_loop3A_587 = tpu.vector_load %arg5[%parallel_loop3A_585, %parallel_loop3A_586] {strides = array<i32>} : memref<256x256xf32, #tpu.memory_space<vmem>>, vector<16xf32>,
      tpu.vector_store %arg5[%parallel_loop3A_585, %parallel_loop3A_586], %parallel_loop3A_584 {strides = array<i32>} : memref<256x256xf32, #tpu.memory_space<vmem>>, vector<16xf32>,
    } {sc.loop_unroll_factor = 2 : i64, sc.parallel_access}
    %add3A_34 = arith.constant 4096 : i32
    %add3A_35 = arith.addi %mul3A_2, %add3A_34 : i32
    %dma_start3A_36 = arith.constant 1 : i32
    %dma_start3A_37 = arith.constant 1 : i32
    %dma_start3A_38 = arith.constant 0 : i32
    %dma_start3A_39 = arith.constant 0 : i32
    %dma_start3A_40 = tpu.memref_slice %arg6[%dma_start3A_36, %dma_start3A_38, %dma_start3A_39] : memref<2x2x4096xi32, #tpu.memory_space<vmem>> -> memref<1x2x4096xi32, #tpu.memory_space<vmem>>
    %dma_start3A_41 = tpu.memref_squeeze %dma_start3A_40 : memref<1x2x4096xi32, #tpu.memory_space<vmem>> -> memref<2x4096xi32, #tpu.memory_space<vmem>>
    %dma_start3A_42 = arith.constant 0 : i32
    %dma_start3A_43 = tpu.memref_slice %arg2[%dma_start3A_42, %add3A_35] : memref<2x1048576xi32, #tpu.memory_space<hbm>> -> memref<2x4096xi32, #tpu.memory_space<hbm>>
    %dma_start3A_44 = tpu.memref_slice %arg8[%dma_start3A_37] : memref<2x!tpu.dma_semaphore, #tpu.memory_space<semaphore_mem>> -> memref<1x!tpu.dma_semaphore, #tpu.memory_space<semaphore_mem>>
    %dma_start3A_45 = tpu.memref_squeeze %dma_start3A_44 : memref<1x!tpu.dma_semaphore, #tpu.memory_space<semaphore_mem>> -> memref<!tpu.dma_semaphore, #tpu.memory_space<semaphore_mem>>
    %dma_start3A_46 = arith.constant 0 : i32
    %dma_start3A_47 = arith.constant 0 : i32
    %dma_start3A_48 = tpu.memref_slice %arg6[%dma_start3A_36, %dma_start3A_46, %dma_start3A_47] : memref<2x2x4096xi32, #tpu.memory_space<vmem>> -> memref<1x2x4096xi32, #tpu.memory_space<vmem>>
    %dma_start3A_49 = tpu.memref_squeeze %dma_start3A_48 : memref<1x2x4096xi32, #tpu.memory_space<vmem>> -> memref<2x4096xi32, #tpu.memory_space<vmem>>
    %dma_start3A_50 = arith.constant 0 : i32
    %dma_start3A_51 = tpu.memref_slice %arg2[%dma_start3A_50, %add3A_35] : memref<2x1048576xi32, #tpu.memory_space<hbm>> -> memref<2x4096xi32, #tpu.memory_space<hbm>>
    tpu.enqueue_dma source(%dma_start3A_51 : memref<2x4096xi32, #tpu.memory_space<hbm>>) target(%dma_start3A_49 : memref<2x4096xi32, #tpu.memory_space<vmem>>) target_semaphore(%dma_start3A_45 : memref<!tpu.dma_semaphore, #tpu.memory_space<semaphore_mem>>)
    %dma_start3A_52 = arith.constant 1 : i32
    %dma_start3A_53 = arith.constant 1 : i32
    %dma_start3A_54 = arith.constant 0 : i32
    %dma_start3A_55 = tpu.memref_slice %arg7[%dma_start3A_52, %dma_start3A_54] : memref<2x4096xf32, #tpu.memory_space<vmem>> -> memref<1x4096xf32, #tpu.memory_space<vmem>>
    %dma_start3A_56 = tpu.memref_squeeze %dma_start3A_55 : memref<1x4096xf32, #tpu.memory_space<vmem>> -> memref<4096xf32, #tpu.memory_space<vmem>>
    %dma_start3A_57 = tpu.memref_slice %arg3[%add3A_35] : memref<1048576xf32, #tpu.memory_space<hbm>> -> memref<4096xf32, #tpu.memory_space<hbm>>
    %dma_start3A_58 = tpu.memref_slice %arg8[%dma_start3A_53] : memref<2x!tpu.dma_semaphore, #tpu.memory_space<semaphore_mem>> -> memref<1x!tpu.dma_semaphore, #tpu.memory_space<semaphore_mem>>
    %dma_start3A_59 = tpu.memref_squeeze %dma_start3A_58 : memref<1x!tpu.dma_semaphore, #tpu.memory_space<semaphore_mem>> -> memref<!tpu.dma_semaphore, #tpu.memory_space<semaphore_mem>>
    %dma_start3A_60 = arith.constant 0 : i32
    %dma_start3A_61 = tpu.memref_slice %arg7[%dma_start3A_52, %dma_start3A_60] : memref<2x4096xf32, #tpu.memory_space<vmem>> -> memref<1x4096xf32, #tpu.memory_space<vmem>>
    %dma_start3A_62 = tpu.memref_squeeze %dma_start3A_61 : memref<1x4096xf32, #tpu.memory_space<vmem>> -> memref<4096xf32, #tpu.memory_space<vmem>>
    %dma_start3A_63 = tpu.memref_slice %arg3[%add3A_35] : memref<1048576xf32, #tpu.memory_space<hbm>> -> memref<4096xf32, #tpu.memory_space<hbm>>
    tpu.enqueue_dma source(%dma_start3A_63 : memref<4096xf32, #tpu.memory_space<hbm>>) target(%dma_start3A_62 : memref<4096xf32, #tpu.memory_space<vmem>>) target_semaphore(%dma_start3A_59 : memref<!tpu.dma_semaphore, #tpu.memory_space<semaphore_mem>>)
    %add3A_64 = arith.constant 0 : i32
    %add3A_65 = arith.addi %mul3A_2, %add3A_64 : i32
    %dma_wait3A = arith.constant 0 : i32
    %dma_wait3A_66 = arith.constant 0 : i32
    %dma_wait3A_67 = arith.constant 0 : i32
    %dma_wait3A_68 = arith.constant 0 : i32
    %dma_wait3A_69 = tpu.memref_slice %arg6[%dma_wait3A, %dma_wait3A_67, %dma_wait3A_68] : memref<2x2x4096xi32, #tpu.memory_space<vmem>> -> memref<1x2x4096xi32, #tpu.memory_space<vmem>>
    %dma_wait3A_70 = tpu.memref_squeeze %dma_wait3A_69 : memref<1x2x4096xi32, #tpu.memory_space<vmem>> -> memref<2x4096xi32, #tpu.memory_space<vmem>>
    %dma_wait3A_71 = arith.constant 0 : i32
    %dma_wait3A_72 = tpu.memref_slice %arg2[%dma_wait3A_71, %add3A_65] : memref<2x1048576xi32, #tpu.memory_space<hbm>> -> memref<2x4096xi32, #tpu.memory_space<hbm>>
    %dma_wait3A_73 = tpu.memref_slice %arg8[%dma_wait3A_66] : memref<2x!tpu.dma_semaphore, #tpu.memory_space<semaphore_mem>> -> memref<1x!tpu.dma_semaphore, #tpu.memory_space<semaphore_mem>>
    %dma_wait3A_74 = tpu.memref_squeeze %dma_wait3A_73 : memref<1x!tpu.dma_semaphore, #tpu.memory_space<semaphore_mem>> -> memref<!tpu.dma_semaphore, #tpu.memory_space<semaphore_mem>>
    %dma_wait3A_75 = arith.constant 0 : i32
    %dma_wait3A_76 = arith.constant 0 : i32
    %dma_wait3A_77 = tpu.memref_slice %arg6[%dma_wait3A, %dma_wait3A_75, %dma_wait3A_76] : memref<2x2x4096xi32, #tpu.memory_space<vmem>> -> memref<1x2x4096xi32, #tpu.memory_space<vmem>>
    %dma_wait3A_78 = tpu.memref_squeeze %dma_wait3A_77 : memref<1x2x4096xi32, #tpu.memory_space<vmem>> -> memref<2x4096xi32, #tpu.memory_space<vmem>>
    %dma_wait3A_79 = arith.constant 0 : i32
    %dma_wait3A_80 = tpu.memref_slice %arg2[%dma_wait3A_79, %add3A_65] : memref<2x1048576xi32, #tpu.memory_space<hbm>> -> memref<2x4096xi32, #tpu.memory_space<hbm>>
    tpu.wait_dma2 semaphore(%dma_wait3A_74 : memref<!tpu.dma_semaphore, #tpu.memory_space<semaphore_mem>>) src(%dma_wait3A_80 : memref<2x4096xi32, #tpu.memory_space<hbm>>) dst(%dma_wait3A_78 : memref<2x4096xi32, #tpu.memory_space<vmem>>)
    %dma_wait3A_81 = arith.constant 0 : i32
    %dma_wait3A_82 = arith.constant 0 : i32
    %dma_wait3A_83 = arith.constant 0 : i32
    %dma_wait3A_84 = tpu.memref_slice %arg7[%dma_wait3A_81, %dma_wait3A_83] : memref<2x4096xf32, #tpu.memory_space<vmem>> -> memref<1x4096xf32, #tpu.memory_space<vmem>>
    %dma_wait3A_85 = tpu.memref_squeeze %dma_wait3A_84 : memref<1x4096xf32, #tpu.memory_space<vmem>> -> memref<4096xf32, #tpu.memory_space<vmem>>
    %dma_wait3A_86 = tpu.memref_slice %arg3[%add3A_65] : memref<1048576xf32, #tpu.memory_space<hbm>> -> memref<4096xf32, #tpu.memory_space<hbm>>
    %dma_wait3A_87 = tpu.memref_slice %arg8[%dma_wait3A_82] : memref<2x!tpu.dma_semaphore, #tpu.memory_space<semaphore_mem>> -> memref<1x!tpu.dma_semaphore, #tpu.memory_space<semaphore_mem>>
    %dma_wait3A_88 = tpu.memref_squeeze %dma_wait3A_87 : memref<1x!tpu.dma_semaphore, #tpu.memory_space<semaphore_mem>> -> memref<!tpu.dma_semaphore, #tpu.memory_space<semaphore_mem>>
    %dma_wait3A_89 = arith.constant 0 : i32
    %dma_wait3A_90 = tpu.memref_slice %arg7[%dma_wait3A_81, %dma_wait3A_89] : memref<2x4096xf32, #tpu.memory_space<vmem>> -> memref<1x4096xf32, #tpu.memory_space<vmem>>
    %dma_wait3A_91 = tpu.memref_squeeze %dma_wait3A_90 : memref<1x4096xf32, #tpu.memory_space<vmem>> -> memref<4096xf32, #tpu.memory_space<vmem>>
    %dma_wait3A_92 = tpu.memref_slice %arg3[%add3A_65] : memref<1048576xf32, #tpu.memory_space<hbm>> -> memref<4096xf32, #tpu.memory_space<hbm>>
    tpu.wait_dma2 semaphore(%dma_wait3A_88 : memref<!tpu.dma_semaphore, #tpu.memory_space<semaphore_mem>>) src(%dma_wait3A_92 : memref<4096xf32, #tpu.memory_space<hbm>>) dst(%dma_wait3A_91 : memref<4096xf32, #tpu.memory_space<vmem>>)
    %parallel_loop3A_93 = arith.constant 0 : i32
    %parallel_loop3A_94 = arith.constant 256 : i32
    %parallel_loop3A_95 = arith.constant 1 : i32
    scf.for %parallel_loop3A_507 = %parallel_loop3A_93 to %parallel_loop3A_94 step %parallel_loop3A_95  : i32 {
      %parallel_loop3A_508 = arith.constant 16 : i32
      %parallel_loop3A_509 = arith.muli %parallel_loop3A_507, %parallel_loop3A_508 : i32
      %parallel_loop3A_510 = arith.constant 0 : i32
      %parallel_loop3A_511 = arith.constant 0 : i32
      %parallel_loop3A_512 = arith.index_cast %parallel_loop3A_510 : i32 to index
      %parallel_loop3A_513 = arith.index_cast %parallel_loop3A_511 : i32 to index
      %parallel_loop3A_514 = arith.index_cast %parallel_loop3A_509 : i32 to index
      %parallel_loop3A_515 = tpu.vector_load %arg6[%parallel_loop3A_512, %parallel_loop3A_513, %parallel_loop3A_514] {strides = array<i32>} : memref<2x2x4096xi32, #tpu.memory_space<vmem>>, vector<16xi32>,
      %parallel_loop3A_516 = arith.constant 16 : i32
      %parallel_loop3A_517 = arith.muli %parallel_loop3A_507, %parallel_loop3A_516 : i32
      %parallel_loop3A_518 = arith.constant 0 : i32
      %parallel_loop3A_519 = arith.constant 1 : i32
      %parallel_loop3A_520 = arith.index_cast %parallel_loop3A_518 : i32 to index
      %parallel_loop3A_521 = arith.index_cast %parallel_loop3A_519 : i32 to index
      %parallel_loop3A_522 = arith.index_cast %parallel_loop3A_517 : i32 to index
      %parallel_loop3A_523 = tpu.vector_load %arg6[%parallel_loop3A_520, %parallel_loop3A_521, %parallel_loop3A_522] {strides = array<i32>} : memref<2x2x4096xi32, #tpu.memory_space<vmem>>, vector<16xi32>,
      %parallel_loop3A_524 = arith.constant 16 : i32
      %parallel_loop3A_525 = arith.muli %parallel_loop3A_507, %parallel_loop3A_524 : i32
      %parallel_loop3A_526 = arith.constant 0 : i32
      %parallel_loop3A_527 = arith.index_cast %parallel_loop3A_526 : i32 to index
      %parallel_loop3A_528 = arith.index_cast %parallel_loop3A_525 : i32 to index
      %parallel_loop3A_529 = tpu.vector_load %arg7[%parallel_loop3A_527, %parallel_loop3A_528] {strides = array<i32>} : memref<2x4096xf32, #tpu.memory_space<vmem>>, vector<16xf32>,
      tpu.vector_store_idx %arg5[%parallel_loop3A_515, %parallel_loop3A_523], %parallel_loop3A_529 {add = true} : memref<256x256xf32, #tpu.memory_space<vmem>>[vector<16xi32>, vector<16xi32>], vector<16xf32>,
    } {sc.loop_unroll_factor = 4 : i64, sc.parallel_access}
    %add3A_96 = arith.constant 8192 : i32
    %add3A_97 = arith.addi %mul3A_2, %add3A_96 : i32
    %dma_start3A_98 = arith.constant 0 : i32
    %dma_start3A_99 = arith.constant 0 : i32
    %dma_start3A_100 = arith.constant 0 : i32
    %dma_start3A_101 = arith.constant 0 : i32
    %dma_start3A_102 = tpu.memref_slice %arg6[%dma_start3A_98, %dma_start3A_100, %dma_start3A_101] : memref<2x2x4096xi32, #tpu.memory_space<vmem>> -> memref<1x2x4096xi32, #tpu.memory_space<vmem>>
    %dma_start3A_103 = tpu.memref_squeeze %dma_start3A_102 : memref<1x2x4096xi32, #tpu.memory_space<vmem>> -> memref<2x4096xi32, #tpu.memory_space<vmem>>
    %dma_start3A_104 = arith.constant 0 : i32
    %dma_start3A_105 = tpu.memref_slice %arg2[%dma_start3A_104, %add3A_97] : memref<2x1048576xi32, #tpu.memory_space<hbm>> -> memref<2x4096xi32, #tpu.memory_space<hbm>>
    %dma_start3A_106 = tpu.memref_slice %arg8[%dma_start3A_99] : memref<2x!tpu.dma_semaphore, #tpu.memory_space<semaphore_mem>> -> memref<1x!tpu.dma_semaphore, #tpu.memory_space<semaphore_mem>>
    %dma_start3A_107 = tpu.memref_squeeze %dma_start3A_106 : memref<1x!tpu.dma_semaphore, #tpu.memory_space<semaphore_mem>> -> memref<!tpu.dma_semaphore, #tpu.memory_space<semaphore_mem>>
    %dma_start3A_108 = arith.constant 0 : i32
    %dma_start3A_109 = arith.constant 0 : i32
    %dma_start3A_110 = tpu.memref_slice %arg6[%dma_start3A_98, %dma_start3A_108, %dma_start3A_109] : memref<2x2x4096xi32, #tpu.memory_space<vmem>> -> memref<1x2x4096xi32, #tpu.memory_space<vmem>>
    %dma_start3A_111 = tpu.memref_squeeze %dma_start3A_110 : memref<1x2x4096xi32, #tpu.memory_space<vmem>> -> memref<2x4096xi32, #tpu.memory_space<vmem>>
    %dma_start3A_112 = arith.constant 0 : i32
    %dma_start3A_113 = tpu.memref_slice %arg2[%dma_start3A_112, %add3A_97] : memref<2x1048576xi32, #tpu.memory_space<hbm>> -> memref<2x4096xi32, #tpu.memory_space<hbm>>
    tpu.enqueue_dma source(%dma_start3A_113 : memref<2x4096xi32, #tpu.memory_space<hbm>>) target(%dma_start3A_111 : memref<2x4096xi32, #tpu.memory_space<vmem>>) target_semaphore(%dma_start3A_107 : memref<!tpu.dma_semaphore, #tpu.memory_space<semaphore_mem>>)
    %dma_start3A_114 = arith.constant 0 : i32
    %dma_start3A_115 = arith.constant 0 : i32
    %dma_start3A_116 = arith.constant 0 : i32
    %dma_start3A_117 = tpu.memref_slice %arg7[%dma_start3A_114, %dma_start3A_116] : memref<2x4096xf32, #tpu.memory_space<vmem>> -> memref<1x4096xf32, #tpu.memory_space<vmem>>
    %dma_start3A_118 = tpu.memref_squeeze %dma_start3A_117 : memref<1x4096xf32, #tpu.memory_space<vmem>> -> memref<4096xf32, #tpu.memory_space<vmem>>
    %dma_start3A_119 = tpu.memref_slice %arg3[%add3A_97] : memref<1048576xf32, #tpu.memory_space<hbm>> -> memref<4096xf32, #tpu.memory_space<hbm>>
    %dma_start3A_120 = tpu.memref_slice %arg8[%dma_start3A_115] : memref<2x!tpu.dma_semaphore, #tpu.memory_space<semaphore_mem>> -> memref<1x!tpu.dma_semaphore, #tpu.memory_space<semaphore_mem>>
    %dma_start3A_121 = tpu.memref_squeeze %dma_start3A_120 : memref<1x!tpu.dma_semaphore, #tpu.memory_space<semaphore_mem>> -> memref<!tpu.dma_semaphore, #tpu.memory_space<semaphore_mem>>
    %dma_start3A_122 = arith.constant 0 : i32
    %dma_start3A_123 = tpu.memref_slice %arg7[%dma_start3A_114, %dma_start3A_122] : memref<2x4096xf32, #tpu.memory_space<vmem>> -> memref<1x4096xf32, #tpu.memory_space<vmem>>
    %dma_start3A_124 = tpu.memref_squeeze %dma_start3A_123 : memref<1x4096xf32, #tpu.memory_space<vmem>> -> memref<4096xf32, #tpu.memory_space<vmem>>
    %dma_start3A_125 = tpu.memref_slice %arg3[%add3A_97] : memref<1048576xf32, #tpu.memory_space<hbm>> -> memref<4096xf32, #tpu.memory_space<hbm>>
    tpu.enqueue_dma source(%dma_start3A_125 : memref<4096xf32, #tpu.memory_space<hbm>>) target(%dma_start3A_124 : memref<4096xf32, #tpu.memory_space<vmem>>) target_semaphore(%dma_start3A_121 : memref<!tpu.dma_semaphore, #tpu.memory_space<semaphore_mem>>)
    %add3A_126 = arith.constant 4096 : i32
    %add3A_127 = arith.addi %mul3A_2, %add3A_126 : i32
    %dma_wait3A_128 = arith.constant 1 : i32
    %dma_wait3A_129 = arith.constant 1 : i32
    %dma_wait3A_130 = arith.constant 0 : i32
    %dma_wait3A_131 = arith.constant 0 : i32
    %dma_wait3A_132 = tpu.memref_slice %arg6[%dma_wait3A_128, %dma_wait3A_130, %dma_wait3A_131] : memref<2x2x4096xi32, #tpu.memory_space<vmem>> -> memref<1x2x4096xi32, #tpu.memory_space<vmem>>
    %dma_wait3A_133 = tpu.memref_squeeze %dma_wait3A_132 : memref<1x2x4096xi32, #tpu.memory_space<vmem>> -> memref<2x4096xi32, #tpu.memory_space<vmem>>
    %dma_wait3A_134 = arith.constant 0 : i32
    %dma_wait3A_135 = tpu.memref_slice %arg2[%dma_wait3A_134, %add3A_127] : memref<2x1048576xi32, #tpu.memory_space<hbm>> -> memref<2x4096xi32, #tpu.memory_space<hbm>>
    %dma_wait3A_136 = tpu.memref_slice %arg8[%dma_wait3A_129] : memref<2x!tpu.dma_semaphore, #tpu.memory_space<semaphore_mem>> -> memref<1x!tpu.dma_semaphore, #tpu.memory_space<semaphore_mem>>
    %dma_wait3A_137 = tpu.memref_squeeze %dma_wait3A_136 : memref<1x!tpu.dma_semaphore, #tpu.memory_space<semaphore_mem>> -> memref<!tpu.dma_semaphore, #tpu.memory_space<semaphore_mem>>
    %dma_wait3A_138 = arith.constant 0 : i32
    %dma_wait3A_139 = arith.constant 0 : i32
    %dma_wait3A_140 = tpu.memref_slice %arg6[%dma_wait3A_128, %dma_wait3A_138, %dma_wait3A_139] : memref<2x2x4096xi32, #tpu.memory_space<vmem>> -> memref<1x2x4096xi32, #tpu.memory_space<vmem>>
    %dma_wait3A_141 = tpu.memref_squeeze %dma_wait3A_140 : memref<1x2x4096xi32, #tpu.memory_space<vmem>> -> memref<2x4096xi32, #tpu.memory_space<vmem>>
    %dma_wait3A_142 = arith.constant 0 : i32
    %dma_wait3A_143 = tpu.memref_slice %arg2[%dma_wait3A_142, %add3A_127] : memref<2x1048576xi32, #tpu.memory_space<hbm>> -> memref<2x4096xi32, #tpu.memory_space<hbm>>
    tpu.wait_dma2 semaphore(%dma_wait3A_137 : memref<!tpu.dma_semaphore, #tpu.memory_space<semaphore_mem>>) src(%dma_wait3A_143 : memref<2x4096xi32, #tpu.memory_space<hbm>>) dst(%dma_wait3A_141 : memref<2x4096xi32, #tpu.memory_space<vmem>>)
    %dma_wait3A_144 = arith.constant 1 : i32
    %dma_wait3A_145 = arith.constant 1 : i32
    %dma_wait3A_146 = arith.constant 0 : i32
    %dma_wait3A_147 = tpu.memref_slice %arg7[%dma_wait3A_144, %dma_wait3A_146] : memref<2x4096xf32, #tpu.memory_space<vmem>> -> memref<1x4096xf32, #tpu.memory_space<vmem>>
    %dma_wait3A_148 = tpu.memref_squeeze %dma_wait3A_147 : memref<1x4096xf32, #tpu.memory_space<vmem>> -> memref<4096xf32, #tpu.memory_space<vmem>>
    %dma_wait3A_149 = tpu.memref_slice %arg3[%add3A_127] : memref<1048576xf32, #tpu.memory_space<hbm>> -> memref<4096xf32, #tpu.memory_space<hbm>>
    %dma_wait3A_150 = tpu.memref_slice %arg8[%dma_wait3A_145] : memref<2x!tpu.dma_semaphore, #tpu.memory_space<semaphore_mem>> -> memref<1x!tpu.dma_semaphore, #tpu.memory_space<semaphore_mem>>
    %dma_wait3A_151 = tpu.memref_squeeze %dma_wait3A_150 : memref<1x!tpu.dma_semaphore, #tpu.memory_space<semaphore_mem>> -> memref<!tpu.dma_semaphore, #tpu.memory_space<semaphore_mem>>
    %dma_wait3A_152 = arith.constant 0 : i32
    %dma_wait3A_153 = tpu.memref_slice %arg7[%dma_wait3A_144, %dma_wait3A_152] : memref<2x4096xf32, #tpu.memory_space<vmem>> -> memref<1x4096xf32, #tpu.memory_space<vmem>>
    %dma_wait3A_154 = tpu.memref_squeeze %dma_wait3A_153 : memref<1x4096xf32, #tpu.memory_space<vmem>> -> memref<4096xf32, #tpu.memory_space<vmem>>
    %dma_wait3A_155 = tpu.memref_slice %arg3[%add3A_127] : memref<1048576xf32, #tpu.memory_space<hbm>> -> memref<4096xf32, #tpu.memory_space<hbm>>
    tpu.wait_dma2 semaphore(%dma_wait3A_151 : memref<!tpu.dma_semaphore, #tpu.memory_space<semaphore_mem>>) src(%dma_wait3A_155 : memref<4096xf32, #tpu.memory_space<hbm>>) dst(%dma_wait3A_154 : memref<4096xf32, #tpu.memory_space<vmem>>)
    %parallel_loop3A_156 = arith.constant 0 : i32
    %parallel_loop3A_157 = arith.constant 256 : i32
    %parallel_loop3A_158 = arith.constant 1 : i32
    scf.for %parallel_loop3A_507 = %parallel_loop3A_156 to %parallel_loop3A_157 step %parallel_loop3A_158  : i32 {
      %parallel_loop3A_508 = arith.constant 16 : i32
      %parallel_loop3A_509 = arith.muli %parallel_loop3A_507, %parallel_loop3A_508 : i32
      %parallel_loop3A_510 = arith.constant 1 : i32
      %parallel_loop3A_511 = arith.constant 0 : i32
      %parallel_loop3A_512 = arith.index_cast %parallel_loop3A_510 : i32 to index
      %parallel_loop3A_513 = arith.index_cast %parallel_loop3A_511 : i32 to index
      %parallel_loop3A_514 = arith.index_cast %parallel_loop3A_509 : i32 to index
      %parallel_loop3A_515 = tpu.vector_load %arg6[%parallel_loop3A_512, %parallel_loop3A_513, %parallel_loop3A_514] {strides = array<i32>} : memref<2x2x4096xi32, #tpu.memory_space<vmem>>, vector<16xi32>,
      %parallel_loop3A_516 = arith.constant 16 : i32
      %parallel_loop3A_517 = arith.muli %parallel_loop3A_507, %parallel_loop3A_516 : i32
      %parallel_loop3A_518 = arith.constant 1 : i32
      %parallel_loop3A_519 = arith.constant 1 : i32
      %parallel_loop3A_520 = arith.index_cast %parallel_loop3A_518 : i32 to index
      %parallel_loop3A_521 = arith.index_cast %parallel_loop3A_519 : i32 to index
      %parallel_loop3A_522 = arith.index_cast %parallel_loop3A_517 : i32 to index
      %parallel_loop3A_523 = tpu.vector_load %arg6[%parallel_loop3A_520, %parallel_loop3A_521, %parallel_loop3A_522] {strides = array<i32>} : memref<2x2x4096xi32, #tpu.memory_space<vmem>>, vector<16xi32>,
      %parallel_loop3A_524 = arith.constant 16 : i32
      %parallel_loop3A_525 = arith.muli %parallel_loop3A_507, %parallel_loop3A_524 : i32
      %parallel_loop3A_526 = arith.constant 1 : i32
      %parallel_loop3A_527 = arith.index_cast %parallel_loop3A_526 : i32 to index
      %parallel_loop3A_528 = arith.index_cast %parallel_loop3A_525 : i32 to index
      %parallel_loop3A_529 = tpu.vector_load %arg7[%parallel_loop3A_527, %parallel_loop3A_528] {strides = array<i32>} : memref<2x4096xf32, #tpu.memory_space<vmem>>, vector<16xf32>,
      tpu.vector_store_idx %arg5[%parallel_loop3A_515, %parallel_loop3A_523], %parallel_loop3A_529 {add = true} : memref<256x256xf32, #tpu.memory_space<vmem>>[vector<16xi32>, vector<16xi32>], vector<16xf32>,
    } {sc.loop_unroll_factor = 4 : i64, sc.parallel_access}
    %add3A_159 = arith.constant 12288 : i32
    %add3A_160 = arith.addi %mul3A_2, %add3A_159 : i32
    %dma_start3A_161 = arith.constant 1 : i32
    %dma_start3A_162 = arith.constant 1 : i32
    %dma_start3A_163 = arith.constant 0 : i32
    %dma_start3A_164 = arith.constant 0 : i32
    %dma_start3A_165 = tpu.memref_slice %arg6[%dma_start3A_161, %dma_start3A_163, %dma_start3A_164] : memref<2x2x4096xi32, #tpu.memory_space<vmem>> -> memref<1x2x4096xi32, #tpu.memory_space<vmem>>
    %dma_start3A_166 = tpu.memref_squeeze %dma_start3A_165 : memref<1x2x4096xi32, #tpu.memory_space<vmem>> -> memref<2x4096xi32, #tpu.memory_space<vmem>>
    %dma_start3A_167 = arith.constant 0 : i32
    %dma_start3A_168 = tpu.memref_slice %arg2[%dma_start3A_167, %add3A_160] : memref<2x1048576xi32, #tpu.memory_space<hbm>> -> memref<2x4096xi32, #tpu.memory_space<hbm>>
    %dma_start3A_169 = tpu.memref_slice %arg8[%dma_start3A_162] : memref<2x!tpu.dma_semaphore, #tpu.memory_space<semaphore_mem>> -> memref<1x!tpu.dma_semaphore, #tpu.memory_space<semaphore_mem>>
    %dma_start3A_170 = tpu.memref_squeeze %dma_start3A_169 : memref<1x!tpu.dma_semaphore, #tpu.memory_space<semaphore_mem>> -> memref<!tpu.dma_semaphore, #tpu.memory_space<semaphore_mem>>
    %dma_start3A_171 = arith.constant 0 : i32
    %dma_start3A_172 = arith.constant 0 : i32
    %dma_start3A_173 = tpu.memref_slice %arg6[%dma_start3A_161, %dma_start3A_171, %dma_start3A_172] : memref<2x2x4096xi32, #tpu.memory_space<vmem>> -> memref<1x2x4096xi32, #tpu.memory_space<vmem>>
    %dma_start3A_174 = tpu.memref_squeeze %dma_start3A_173 : memref<1x2x4096xi32, #tpu.memory_space<vmem>> -> memref<2x4096xi32, #tpu.memory_space<vmem>>
    %dma_start3A_175 = arith.constant 0 : i32
    %dma_start3A_176 = tpu.memref_slice %arg2[%dma_start3A_175, %add3A_160] : memref<2x1048576xi32, #tpu.memory_space<hbm>> -> memref<2x4096xi32, #tpu.memory_space<hbm>>
    tpu.enqueue_dma source(%dma_start3A_176 : memref<2x4096xi32, #tpu.memory_space<hbm>>) target(%dma_start3A_174 : memref<2x4096xi32, #tpu.memory_space<vmem>>) target_semaphore(%dma_start3A_170 : memref<!tpu.dma_semaphore, #tpu.memory_space<semaphore_mem>>)
    %dma_start3A_177 = arith.constant 1 : i32
    %dma_start3A_178 = arith.constant 1 : i32
    %dma_start3A_179 = arith.constant 0 : i32
    %dma_start3A_180 = tpu.memref_slice %arg7[%dma_start3A_177, %dma_start3A_179] : memref<2x4096xf32, #tpu.memory_space<vmem>> -> memref<1x4096xf32, #tpu.memory_space<vmem>>
    %dma_start3A_181 = tpu.memref_squeeze %dma_start3A_180 : memref<1x4096xf32, #tpu.memory_space<vmem>> -> memref<4096xf32, #tpu.memory_space<vmem>>
    %dma_start3A_182 = tpu.memref_slice %arg3[%add3A_160] : memref<1048576xf32, #tpu.memory_space<hbm>> -> memref<4096xf32, #tpu.memory_space<hbm>>
    %dma_start3A_183 = tpu.memref_slice %arg8[%dma_start3A_178] : memref<2x!tpu.dma_semaphore, #tpu.memory_space<semaphore_mem>> -> memref<1x!tpu.dma_semaphore, #tpu.memory_space<semaphore_mem>>
    %dma_start3A_184 = tpu.memref_squeeze %dma_start3A_183 : memref<1x!tpu.dma_semaphore, #tpu.memory_space<semaphore_mem>> -> memref<!tpu.dma_semaphore, #tpu.memory_space<semaphore_mem>>
    %dma_start3A_185 = arith.constant 0 : i32
    %dma_start3A_186 = tpu.memref_slice %arg7[%dma_start3A_177, %dma_start3A_185] : memref<2x4096xf32, #tpu.memory_space<vmem>> -> memref<1x4096xf32, #tpu.memory_space<vmem>>
    %dma_start3A_187 = tpu.memref_squeeze %dma_start3A_186 : memref<1x4096xf32, #tpu.memory_space<vmem>> -> memref<4096xf32, #tpu.memory_space<vmem>>
    %dma_start3A_188 = tpu.memref_slice %arg3[%add3A_160] : memref<1048576xf32, #tpu.memory_space<hbm>> -> memref<4096xf32, #tpu.memory_space<hbm>>
    tpu.enqueue_dma source(%dma_start3A_188 : memref<4096xf32, #tpu.memory_space<hbm>>) target(%dma_start3A_187 : memref<4096xf32, #tpu.memory_space<vmem>>) target_semaphore(%dma_start3A_184 : memref<!tpu.dma_semaphore, #tpu.memory_space<semaphore_mem>>)
    %add3A_189 = arith.constant 8192 : i32
    %add3A_190 = arith.addi %mul3A_2, %add3A_189 : i32
    %dma_wait3A_191 = arith.constant 0 : i32
    %dma_wait3A_192 = arith.constant 0 : i32
    %dma_wait3A_193 = arith.constant 0 : i32
    %dma_wait3A_194 = arith.constant 0 : i32
    %dma_wait3A_195 = tpu.memref_slice %arg6[%dma_wait3A_191, %dma_wait3A_193, %dma_wait3A_194] : memref<2x2x4096xi32, #tpu.memory_space<vmem>> -> memref<1x2x4096xi32, #tpu.memory_space<vmem>>
    %dma_wait3A_196 = tpu.memref_squeeze %dma_wait3A_195 : memref<1x2x4096xi32, #tpu.memory_space<vmem>> -> memref<2x4096xi32, #tpu.memory_space<vmem>>
    %dma_wait3A_197 = arith.constant 0 : i32
    %dma_wait3A_198 = tpu.memref_slice %arg2[%dma_wait3A_197, %add3A_190] : memref<2x1048576xi32, #tpu.memory_space<hbm>> -> memref<2x4096xi32, #tpu.memory_space<hbm>>
    %dma_wait3A_199 = tpu.memref_slice %arg8[%dma_wait3A_192] : memref<2x!tpu.dma_semaphore, #tpu.memory_space<semaphore_mem>> -> memref<1x!tpu.dma_semaphore, #tpu.memory_space<semaphore_mem>>
    %dma_wait3A_200 = tpu.memref_squeeze %dma_wait3A_199 : memref<1x!tpu.dma_semaphore, #tpu.memory_space<semaphore_mem>> -> memref<!tpu.dma_semaphore, #tpu.memory_space<semaphore_mem>>
    %dma_wait3A_201 = arith.constant 0 : i32
    %dma_wait3A_202 = arith.constant 0 : i32
    %dma_wait3A_203 = tpu.memref_slice %arg6[%dma_wait3A_191, %dma_wait3A_201, %dma_wait3A_202] : memref<2x2x4096xi32, #tpu.memory_space<vmem>> -> memref<1x2x4096xi32, #tpu.memory_space<vmem>>
    %dma_wait3A_204 = tpu.memref_squeeze %dma_wait3A_203 : memref<1x2x4096xi32, #tpu.memory_space<vmem>> -> memref<2x4096xi32, #tpu.memory_space<vmem>>
    %dma_wait3A_205 = arith.constant 0 : i32
    %dma_wait3A_206 = tpu.memref_slice %arg2[%dma_wait3A_205, %add3A_190] : memref<2x1048576xi32, #tpu.memory_space<hbm>> -> memref<2x4096xi32, #tpu.memory_space<hbm>>
    tpu.wait_dma2 semaphore(%dma_wait3A_200 : memref<!tpu.dma_semaphore, #tpu.memory_space<semaphore_mem>>) src(%dma_wait3A_206 : memref<2x4096xi32, #tpu.memory_space<hbm>>) dst(%dma_wait3A_204 : memref<2x4096xi32, #tpu.memory_space<vmem>>)
    %dma_wait3A_207 = arith.constant 0 : i32
    %dma_wait3A_208 = arith.constant 0 : i32
    %dma_wait3A_209 = arith.constant 0 : i32
    %dma_wait3A_210 = tpu.memref_slice %arg7[%dma_wait3A_207, %dma_wait3A_209] : memref<2x4096xf32, #tpu.memory_space<vmem>> -> memref<1x4096xf32, #tpu.memory_space<vmem>>
    %dma_wait3A_211 = tpu.memref_squeeze %dma_wait3A_210 : memref<1x4096xf32, #tpu.memory_space<vmem>> -> memref<4096xf32, #tpu.memory_space<vmem>>
    %dma_wait3A_212 = tpu.memref_slice %arg3[%add3A_190] : memref<1048576xf32, #tpu.memory_space<hbm>> -> memref<4096xf32, #tpu.memory_space<hbm>>
    %dma_wait3A_213 = tpu.memref_slice %arg8[%dma_wait3A_208] : memref<2x!tpu.dma_semaphore, #tpu.memory_space<semaphore_mem>> -> memref<1x!tpu.dma_semaphore, #tpu.memory_space<semaphore_mem>>
    %dma_wait3A_214 = tpu.memref_squeeze %dma_wait3A_213 : memref<1x!tpu.dma_semaphore, #tpu.memory_space<semaphore_mem>> -> memref<!tpu.dma_semaphore, #tpu.memory_space<semaphore_mem>>
    %dma_wait3A_215 = arith.constant 0 : i32
    %dma_wait3A_216 = tpu.memref_slice %arg7[%dma_wait3A_207, %dma_wait3A_215] : memref<2x4096xf32, #tpu.memory_space<vmem>> -> memref<1x4096xf32, #tpu.memory_space<vmem>>
    %dma_wait3A_217 = tpu.memref_squeeze %dma_wait3A_216 : memref<1x4096xf32, #tpu.memory_space<vmem>> -> memref<4096xf32, #tpu.memory_space<vmem>>
    %dma_wait3A_218 = tpu.memref_slice %arg3[%add3A_190] : memref<1048576xf32, #tpu.memory_space<hbm>> -> memref<4096xf32, #tpu.memory_space<hbm>>
    tpu.wait_dma2 semaphore(%dma_wait3A_214 : memref<!tpu.dma_semaphore, #tpu.memory_space<semaphore_mem>>) src(%dma_wait3A_218 : memref<4096xf32, #tpu.memory_space<hbm>>) dst(%dma_wait3A_217 : memref<4096xf32, #tpu.memory_space<vmem>>)
    %parallel_loop3A_219 = arith.constant 0 : i32
    %parallel_loop3A_220 = arith.constant 256 : i32
    %parallel_loop3A_221 = arith.constant 1 : i32
    scf.for %parallel_loop3A_507 = %parallel_loop3A_219 to %parallel_loop3A_220 step %parallel_loop3A_221  : i32 {
      %parallel_loop3A_508 = arith.constant 16 : i32
      %parallel_loop3A_509 = arith.muli %parallel_loop3A_507, %parallel_loop3A_508 : i32
      %parallel_loop3A_510 = arith.constant 0 : i32
      %parallel_loop3A_511 = arith.constant 0 : i32
      %parallel_loop3A_512 = arith.index_cast %parallel_loop3A_510 : i32 to index
      %parallel_loop3A_513 = arith.index_cast %parallel_loop3A_511 : i32 to index
      %parallel_loop3A_514 = arith.index_cast %parallel_loop3A_509 : i32 to index
      %parallel_loop3A_515 = tpu.vector_load %arg6[%parallel_loop3A_512, %parallel_loop3A_513, %parallel_loop3A_514] {strides = array<i32>} : memref<2x2x4096xi32, #tpu.memory_space<vmem>>, vector<16xi32>,
      %parallel_loop3A_516 = arith.constant 16 : i32
      %parallel_loop3A_517 = arith.muli %parallel_loop3A_507, %parallel_loop3A_516 : i32
      %parallel_loop3A_518 = arith.constant 0 : i32
      %parallel_loop3A_519 = arith.constant 1 : i32
      %parallel_loop3A_520 = arith.index_cast %parallel_loop3A_518 : i32 to index
      %parallel_loop3A_521 = arith.index_cast %parallel_loop3A_519 : i32 to index
      %parallel_loop3A_522 = arith.index_cast %parallel_loop3A_517 : i32 to index
      %parallel_loop3A_523 = tpu.vector_load %arg6[%parallel_loop3A_520, %parallel_loop3A_521, %parallel_loop3A_522] {strides = array<i32>} : memref<2x2x4096xi32, #tpu.memory_space<vmem>>, vector<16xi32>,
      %parallel_loop3A_524 = arith.constant 16 : i32
      %parallel_loop3A_525 = arith.muli %parallel_loop3A_507, %parallel_loop3A_524 : i32
      %parallel_loop3A_526 = arith.constant 0 : i32
      %parallel_loop3A_527 = arith.index_cast %parallel_loop3A_526 : i32 to index
      %parallel_loop3A_528 = arith.index_cast %parallel_loop3A_525 : i32 to index
      %parallel_loop3A_529 = tpu.vector_load %arg7[%parallel_loop3A_527, %parallel_loop3A_528] {strides = array<i32>} : memref<2x4096xf32, #tpu.memory_space<vmem>>, vector<16xf32>,
      tpu.vector_store_idx %arg5[%parallel_loop3A_515, %parallel_loop3A_523], %parallel_loop3A_529 {add = true} : memref<256x256xf32, #tpu.memory_space<vmem>>[vector<16xi32>, vector<16xi32>], vector<16xf32>,
    } {sc.loop_unroll_factor = 4 : i64, sc.parallel_access}
    %add3A_222 = arith.constant 16384 : i32
    %add3A_223 = arith.addi %mul3A_2, %add3A_222 : i32
    %dma_start3A_224 = arith.constant 0 : i32
    %dma_start3A_225 = arith.constant 0 : i32
    %dma_start3A_226 = arith.constant 0 : i32
    %dma_start3A_227 = arith.constant 0 : i32
    %dma_start3A_228 = tpu.memref_slice %arg6[%dma_start3A_224, %dma_start3A_226, %dma_start3A_227] : memref<2x2x4096xi32, #tpu.memory_space<vmem>> -> memref<1x2x4096xi32, #tpu.memory_space<vmem>>
    %dma_start3A_229 = tpu.memref_squeeze %dma_start3A_228 : memref<1x2x4096xi32, #tpu.memory_space<vmem>> -> memref<2x4096xi32, #tpu.memory_space<vmem>>
    %dma_start3A_230 = arith.constant 0 : i32
    %dma_start3A_231 = tpu.memref_slice %arg2[%dma_start3A_230, %add3A_223] : memref<2x1048576xi32, #tpu.memory_space<hbm>> -> memref<2x4096xi32, #tpu.memory_space<hbm>>
    %dma_start3A_232 = tpu.memref_slice %arg8[%dma_start3A_225] : memref<2x!tpu.dma_semaphore, #tpu.memory_space<semaphore_mem>> -> memref<1x!tpu.dma_semaphore, #tpu.memory_space<semaphore_mem>>
    %dma_start3A_233 = tpu.memref_squeeze %dma_start3A_232 : memref<1x!tpu.dma_semaphore, #tpu.memory_space<semaphore_mem>> -> memref<!tpu.dma_semaphore, #tpu.memory_space<semaphore_mem>>
    %dma_start3A_234 = arith.constant 0 : i32
    %dma_start3A_235 = arith.constant 0 : i32
    %dma_start3A_236 = tpu.memref_slice %arg6[%dma_start3A_224, %dma_start3A_234, %dma_start3A_235] : memref<2x2x4096xi32, #tpu.memory_space<vmem>> -> memref<1x2x4096xi32, #tpu.memory_space<vmem>>
    %dma_start3A_237 = tpu.memref_squeeze %dma_start3A_236 : memref<1x2x4096xi32, #tpu.memory_space<vmem>> -> memref<2x4096xi32, #tpu.memory_space<vmem>>
    %dma_start3A_238 = arith.constant 0 : i32
    %dma_start3A_239 = tpu.memref_slice %arg2[%dma_start3A_238, %add3A_223] : memref<2x1048576xi32, #tpu.memory_space<hbm>> -> memref<2x4096xi32, #tpu.memory_space<hbm>>
    tpu.enqueue_dma source(%dma_start3A_239 : memref<2x4096xi32, #tpu.memory_space<hbm>>) target(%dma_start3A_237 : memref<2x4096xi32, #tpu.memory_space<vmem>>) target_semaphore(%dma_start3A_233 : memref<!tpu.dma_semaphore, #tpu.memory_space<semaphore_mem>>)
    %dma_start3A_240 = arith.constant 0 : i32
    %dma_start3A_241 = arith.constant 0 : i32
    %dma_start3A_242 = arith.constant 0 : i32
    %dma_start3A_243 = tpu.memref_slice %arg7[%dma_start3A_240, %dma_start3A_242] : memref<2x4096xf32, #tpu.memory_space<vmem>> -> memref<1x4096xf32, #tpu.memory_space<vmem>>
    %dma_start3A_244 = tpu.memref_squeeze %dma_start3A_243 : memref<1x4096xf32, #tpu.memory_space<vmem>> -> memref<4096xf32, #tpu.memory_space<vmem>>
    %dma_start3A_245 = tpu.memref_slice %arg3[%add3A_223] : memref<1048576xf32, #tpu.memory_space<hbm>> -> memref<4096xf32, #tpu.memory_space<hbm>>
    %dma_start3A_246 = tpu.memref_slice %arg8[%dma_start3A_241] : memref<2x!tpu.dma_semaphore, #tpu.memory_space<semaphore_mem>> -> memref<1x!tpu.dma_semaphore, #tpu.memory_space<semaphore_mem>>
    %dma_start3A_247 = tpu.memref_squeeze %dma_start3A_246 : memref<1x!tpu.dma_semaphore, #tpu.memory_space<semaphore_mem>> -> memref<!tpu.dma_semaphore, #tpu.memory_space<semaphore_mem>>
    %dma_start3A_248 = arith.constant 0 : i32
    %dma_start3A_249 = tpu.memref_slice %arg7[%dma_start3A_240, %dma_start3A_248] : memref<2x4096xf32, #tpu.memory_space<vmem>> -> memref<1x4096xf32, #tpu.memory_space<vmem>>
    %dma_start3A_250 = tpu.memref_squeeze %dma_start3A_249 : memref<1x4096xf32, #tpu.memory_space<vmem>> -> memref<4096xf32, #tpu.memory_space<vmem>>
    %dma_start3A_251 = tpu.memref_slice %arg3[%add3A_223] : memref<1048576xf32, #tpu.memory_space<hbm>> -> memref<4096xf32, #tpu.memory_space<hbm>>
    tpu.enqueue_dma source(%dma_start3A_251 : memref<4096xf32, #tpu.memory_space<hbm>>) target(%dma_start3A_250 : memref<4096xf32, #tpu.memory_space<vmem>>) target_semaphore(%dma_start3A_247 : memref<!tpu.dma_semaphore, #tpu.memory_space<semaphore_mem>>)
    %add3A_252 = arith.constant 12288 : i32
    %add3A_253 = arith.addi %mul3A_2, %add3A_252 : i32
    %dma_wait3A_254 = arith.constant 1 : i32
    %dma_wait3A_255 = arith.constant 1 : i32
    %dma_wait3A_256 = arith.constant 0 : i32
    %dma_wait3A_257 = arith.constant 0 : i32
    %dma_wait3A_258 = tpu.memref_slice %arg6[%dma_wait3A_254, %dma_wait3A_256, %dma_wait3A_257] : memref<2x2x4096xi32, #tpu.memory_space<vmem>> -> memref<1x2x4096xi32, #tpu.memory_space<vmem>>
    %dma_wait3A_259 = tpu.memref_squeeze %dma_wait3A_258 : memref<1x2x4096xi32, #tpu.memory_space<vmem>> -> memref<2x4096xi32, #tpu.memory_space<vmem>>
    %dma_wait3A_260 = arith.constant 0 : i32
    %dma_wait3A_261 = tpu.memref_slice %arg2[%dma_wait3A_260, %add3A_253] : memref<2x1048576xi32, #tpu.memory_space<hbm>> -> memref<2x4096xi32, #tpu.memory_space<hbm>>
    %dma_wait3A_262 = tpu.memref_slice %arg8[%dma_wait3A_255] : memref<2x!tpu.dma_semaphore, #tpu.memory_space<semaphore_mem>> -> memref<1x!tpu.dma_semaphore, #tpu.memory_space<semaphore_mem>>
    %dma_wait3A_263 = tpu.memref_squeeze %dma_wait3A_262 : memref<1x!tpu.dma_semaphore, #tpu.memory_space<semaphore_mem>> -> memref<!tpu.dma_semaphore, #tpu.memory_space<semaphore_mem>>
    %dma_wait3A_264 = arith.constant 0 : i32
    %dma_wait3A_265 = arith.constant 0 : i32
    %dma_wait3A_266 = tpu.memref_slice %arg6[%dma_wait3A_254, %dma_wait3A_264, %dma_wait3A_265] : memref<2x2x4096xi32, #tpu.memory_space<vmem>> -> memref<1x2x4096xi32, #tpu.memory_space<vmem>>
    %dma_wait3A_267 = tpu.memref_squeeze %dma_wait3A_266 : memref<1x2x4096xi32, #tpu.memory_space<vmem>> -> memref<2x4096xi32, #tpu.memory_space<vmem>>
    %dma_wait3A_268 = arith.constant 0 : i32
    %dma_wait3A_269 = tpu.memref_slice %arg2[%dma_wait3A_268, %add3A_253] : memref<2x1048576xi32, #tpu.memory_space<hbm>> -> memref<2x4096xi32, #tpu.memory_space<hbm>>
    tpu.wait_dma2 semaphore(%dma_wait3A_263 : memref<!tpu.dma_semaphore, #tpu.memory_space<semaphore_mem>>) src(%dma_wait3A_269 : memref<2x4096xi32, #tpu.memory_space<hbm>>) dst(%dma_wait3A_267 : memref<2x4096xi32, #tpu.memory_space<vmem>>)
    %dma_wait3A_270 = arith.constant 1 : i32
    %dma_wait3A_271 = arith.constant 1 : i32
    %dma_wait3A_272 = arith.constant 0 : i32
    %dma_wait3A_273 = tpu.memref_slice %arg7[%dma_wait3A_270, %dma_wait3A_272] : memref<2x4096xf32, #tpu.memory_space<vmem>> -> memref<1x4096xf32, #tpu.memory_space<vmem>>
    %dma_wait3A_274 = tpu.memref_squeeze %dma_wait3A_273 : memref<1x4096xf32, #tpu.memory_space<vmem>> -> memref<4096xf32, #tpu.memory_space<vmem>>
    %dma_wait3A_275 = tpu.memref_slice %arg3[%add3A_253] : memref<1048576xf32, #tpu.memory_space<hbm>> -> memref<4096xf32, #tpu.memory_space<hbm>>
    %dma_wait3A_276 = tpu.memref_slice %arg8[%dma_wait3A_271] : memref<2x!tpu.dma_semaphore, #tpu.memory_space<semaphore_mem>> -> memref<1x!tpu.dma_semaphore, #tpu.memory_space<semaphore_mem>>
    %dma_wait3A_277 = tpu.memref_squeeze %dma_wait3A_276 : memref<1x!tpu.dma_semaphore, #tpu.memory_space<semaphore_mem>> -> memref<!tpu.dma_semaphore, #tpu.memory_space<semaphore_mem>>
    %dma_wait3A_278 = arith.constant 0 : i32
    %dma_wait3A_279 = tpu.memref_slice %arg7[%dma_wait3A_270, %dma_wait3A_278] : memref<2x4096xf32, #tpu.memory_space<vmem>> -> memref<1x4096xf32, #tpu.memory_space<vmem>>
    %dma_wait3A_280 = tpu.memref_squeeze %dma_wait3A_279 : memref<1x4096xf32, #tpu.memory_space<vmem>> -> memref<4096xf32, #tpu.memory_space<vmem>>
    %dma_wait3A_281 = tpu.memref_slice %arg3[%add3A_253] : memref<1048576xf32, #tpu.memory_space<hbm>> -> memref<4096xf32, #tpu.memory_space<hbm>>
    tpu.wait_dma2 semaphore(%dma_wait3A_277 : memref<!tpu.dma_semaphore, #tpu.memory_space<semaphore_mem>>) src(%dma_wait3A_281 : memref<4096xf32, #tpu.memory_space<hbm>>) dst(%dma_wait3A_280 : memref<4096xf32, #tpu.memory_space<vmem>>)
    %parallel_loop3A_282 = arith.constant 0 : i32
    %parallel_loop3A_283 = arith.constant 256 : i32
    %parallel_loop3A_284 = arith.constant 1 : i32
    scf.for %parallel_loop3A_507 = %parallel_loop3A_282 to %parallel_loop3A_283 step %parallel_loop3A_284  : i32 {
      %parallel_loop3A_508 = arith.constant 16 : i32
      %parallel_loop3A_509 = arith.muli %parallel_loop3A_507, %parallel_loop3A_508 : i32
      %parallel_loop3A_510 = arith.constant 1 : i32
      %parallel_loop3A_511 = arith.constant 0 : i32
      %parallel_loop3A_512 = arith.index_cast %parallel_loop3A_510 : i32 to index
      %parallel_loop3A_513 = arith.index_cast %parallel_loop3A_511 : i32 to index
      %parallel_loop3A_514 = arith.index_cast %parallel_loop3A_509 : i32 to index
      %parallel_loop3A_515 = tpu.vector_load %arg6[%parallel_loop3A_512, %parallel_loop3A_513, %parallel_loop3A_514] {strides = array<i32>} : memref<2x2x4096xi32, #tpu.memory_space<vmem>>, vector<16xi32>,
      %parallel_loop3A_516 = arith.constant 16 : i32
      %parallel_loop3A_517 = arith.muli %parallel_loop3A_507, %parallel_loop3A_516 : i32
      %parallel_loop3A_518 = arith.constant 1 : i32
      %parallel_loop3A_519 = arith.constant 1 : i32
      %parallel_loop3A_520 = arith.index_cast %parallel_loop3A_518 : i32 to index
      %parallel_loop3A_521 = arith.index_cast %parallel_loop3A_519 : i32 to index
      %parallel_loop3A_522 = arith.index_cast %parallel_loop3A_517 : i32 to index
      %parallel_loop3A_523 = tpu.vector_load %arg6[%parallel_loop3A_520, %parallel_loop3A_521, %parallel_loop3A_522] {strides = array<i32>} : memref<2x2x4096xi32, #tpu.memory_space<vmem>>, vector<16xi32>,
      %parallel_loop3A_524 = arith.constant 16 : i32
      %parallel_loop3A_525 = arith.muli %parallel_loop3A_507, %parallel_loop3A_524 : i32
      %parallel_loop3A_526 = arith.constant 1 : i32
      %parallel_loop3A_527 = arith.index_cast %parallel_loop3A_526 : i32 to index
      %parallel_loop3A_528 = arith.index_cast %parallel_loop3A_525 : i32 to index
      %parallel_loop3A_529 = tpu.vector_load %arg7[%parallel_loop3A_527, %parallel_loop3A_528] {strides = array<i32>} : memref<2x4096xf32, #tpu.memory_space<vmem>>, vector<16xf32>,
      tpu.vector_store_idx %arg5[%parallel_loop3A_515, %parallel_loop3A_523], %parallel_loop3A_529 {add = true} : memref<256x256xf32, #tpu.memory_space<vmem>>[vector<16xi32>, vector<16xi32>], vector<16xf32>,
    } {sc.loop_unroll_factor = 4 : i64, sc.parallel_access}
    %add3A_285 = arith.constant 20480 : i32
    %add3A_286 = arith.addi %mul3A_2, %add3A_285 : i32
    %dma_start3A_287 = arith.constant 1 : i32
    %dma_start3A_288 = arith.constant 1 : i32
    %dma_start3A_289 = arith.constant 0 : i32
    %dma_start3A_290 = arith.constant 0 : i32
    %dma_start3A_291 = tpu.memref_slice %arg6[%dma_start3A_287, %dma_start3A_289, %dma_start3A_290] : memref<2x2x4096xi32, #tpu.memory_space<vmem>> -> memref<1x2x4096xi32, #tpu.memory_space<vmem>>
    %dma_start3A_292 = tpu.memref_squeeze %dma_start3A_291 : memref<1x2x4096xi32, #tpu.memory_space<vmem>> -> memref<2x4096xi32, #tpu.memory_space<vmem>>
    %dma_start3A_293 = arith.constant 0 : i32
    %dma_start3A_294 = tpu.memref_slice %arg2[%dma_start3A_293, %add3A_286] : memref<2x1048576xi32, #tpu.memory_space<hbm>> -> memref<2x4096xi32, #tpu.memory_space<hbm>>
    %dma_start3A_295 = tpu.memref_slice %arg8[%dma_start3A_288] : memref<2x!tpu.dma_semaphore, #tpu.memory_space<semaphore_mem>> -> memref<1x!tpu.dma_semaphore, #tpu.memory_space<semaphore_mem>>
    %dma_start3A_296 = tpu.memref_squeeze %dma_start3A_295 : memref<1x!tpu.dma_semaphore, #tpu.memory_space<semaphore_mem>> -> memref<!tpu.dma_semaphore, #tpu.memory_space<semaphore_mem>>
    %dma_start3A_297 = arith.constant 0 : i32
    %dma_start3A_298 = arith.constant 0 : i32
    %dma_start3A_299 = tpu.memref_slice %arg6[%dma_start3A_287, %dma_start3A_297, %dma_start3A_298] : memref<2x2x4096xi32, #tpu.memory_space<vmem>> -> memref<1x2x4096xi32, #tpu.memory_space<vmem>>
    %dma_start3A_300 = tpu.memref_squeeze %dma_start3A_299 : memref<1x2x4096xi32, #tpu.memory_space<vmem>> -> memref<2x4096xi32, #tpu.memory_space<vmem>>
    %dma_start3A_301 = arith.constant 0 : i32
    %dma_start3A_302 = tpu.memref_slice %arg2[%dma_start3A_301, %add3A_286] : memref<2x1048576xi32, #tpu.memory_space<hbm>> -> memref<2x4096xi32, #tpu.memory_space<hbm>>
    tpu.enqueue_dma source(%dma_start3A_302 : memref<2x4096xi32, #tpu.memory_space<hbm>>) target(%dma_start3A_300 : memref<2x4096xi32, #tpu.memory_space<vmem>>) target_semaphore(%dma_start3A_296 : memref<!tpu.dma_semaphore, #tpu.memory_space<semaphore_mem>>)
    %dma_start3A_303 = arith.constant 1 : i32
    %dma_start3A_304 = arith.constant 1 : i32
    %dma_start3A_305 = arith.constant 0 : i32
    %dma_start3A_306 = tpu.memref_slice %arg7[%dma_start3A_303, %dma_start3A_305] : memref<2x4096xf32, #tpu.memory_space<vmem>> -> memref<1x4096xf32, #tpu.memory_space<vmem>>
    %dma_start3A_307 = tpu.memref_squeeze %dma_start3A_306 : memref<1x4096xf32, #tpu.memory_space<vmem>> -> memref<4096xf32, #tpu.memory_space<vmem>>
    %dma_start3A_308 = tpu.memref_slice %arg3[%add3A_286] : memref<1048576xf32, #tpu.memory_space<hbm>> -> memref<4096xf32, #tpu.memory_space<hbm>>
    %dma_start3A_309 = tpu.memref_slice %arg8[%dma_start3A_304] : memref<2x!tpu.dma_semaphore, #tpu.memory_space<semaphore_mem>> -> memref<1x!tpu.dma_semaphore, #tpu.memory_space<semaphore_mem>>
    %dma_start3A_310 = tpu.memref_squeeze %dma_start3A_309 : memref<1x!tpu.dma_semaphore, #tpu.memory_space<semaphore_mem>> -> memref<!tpu.dma_semaphore, #tpu.memory_space<semaphore_mem>>
    %dma_start3A_311 = arith.constant 0 : i32
    %dma_start3A_312 = tpu.memref_slice %arg7[%dma_start3A_303, %dma_start3A_311] : memref<2x4096xf32, #tpu.memory_space<vmem>> -> memref<1x4096xf32, #tpu.memory_space<vmem>>
    %dma_start3A_313 = tpu.memref_squeeze %dma_start3A_312 : memref<1x4096xf32, #tpu.memory_space<vmem>> -> memref<4096xf32, #tpu.memory_space<vmem>>
    %dma_start3A_314 = tpu.memref_slice %arg3[%add3A_286] : memref<1048576xf32, #tpu.memory_space<hbm>> -> memref<4096xf32, #tpu.memory_space<hbm>>
    tpu.enqueue_dma source(%dma_start3A_314 : memref<4096xf32, #tpu.memory_space<hbm>>) target(%dma_start3A_313 : memref<4096xf32, #tpu.memory_space<vmem>>) target_semaphore(%dma_start3A_310 : memref<!tpu.dma_semaphore, #tpu.memory_space<semaphore_mem>>)
    %add3A_315 = arith.constant 16384 : i32
    %add3A_316 = arith.addi %mul3A_2, %add3A_315 : i32
    %dma_wait3A_317 = arith.constant 0 : i32
    %dma_wait3A_318 = arith.constant 0 : i32
    %dma_wait3A_319 = arith.constant 0 : i32
    %dma_wait3A_320 = arith.constant 0 : i32
    %dma_wait3A_321 = tpu.memref_slice %arg6[%dma_wait3A_317, %dma_wait3A_319, %dma_wait3A_320] : memref<2x2x4096xi32, #tpu.memory_space<vmem>> -> memref<1x2x4096xi32, #tpu.memory_space<vmem>>
    %dma_wait3A_322 = tpu.memref_squeeze %dma_wait3A_321 : memref<1x2x4096xi32, #tpu.memory_space<vmem>> -> memref<2x4096xi32, #tpu.memory_space<vmem>>
    %dma_wait3A_323 = arith.constant 0 : i32
    %dma_wait3A_324 = tpu.memref_slice %arg2[%dma_wait3A_323, %add3A_316] : memref<2x1048576xi32, #tpu.memory_space<hbm>> -> memref<2x4096xi32, #tpu.memory_space<hbm>>
    %dma_wait3A_325 = tpu.memref_slice %arg8[%dma_wait3A_318] : memref<2x!tpu.dma_semaphore, #tpu.memory_space<semaphore_mem>> -> memref<1x!tpu.dma_semaphore, #tpu.memory_space<semaphore_mem>>
    %dma_wait3A_326 = tpu.memref_squeeze %dma_wait3A_325 : memref<1x!tpu.dma_semaphore, #tpu.memory_space<semaphore_mem>> -> memref<!tpu.dma_semaphore, #tpu.memory_space<semaphore_mem>>
    %dma_wait3A_327 = arith.constant 0 : i32
    %dma_wait3A_328 = arith.constant 0 : i32
    %dma_wait3A_329 = tpu.memref_slice %arg6[%dma_wait3A_317, %dma_wait3A_327, %dma_wait3A_328] : memref<2x2x4096xi32, #tpu.memory_space<vmem>> -> memref<1x2x4096xi32, #tpu.memory_space<vmem>>
    %dma_wait3A_330 = tpu.memref_squeeze %dma_wait3A_329 : memref<1x2x4096xi32, #tpu.memory_space<vmem>> -> memref<2x4096xi32, #tpu.memory_space<vmem>>
    %dma_wait3A_331 = arith.constant 0 : i32
    %dma_wait3A_332 = tpu.memref_slice %arg2[%dma_wait3A_331, %add3A_316] : memref<2x1048576xi32, #tpu.memory_space<hbm>> -> memref<2x4096xi32, #tpu.memory_space<hbm>>
    tpu.wait_dma2 semaphore(%dma_wait3A_326 : memref<!tpu.dma_semaphore, #tpu.memory_space<semaphore_mem>>) src(%dma_wait3A_332 : memref<2x4096xi32, #tpu.memory_space<hbm>>) dst(%dma_wait3A_330 : memref<2x4096xi32, #tpu.memory_space<vmem>>)
    %dma_wait3A_333 = arith.constant 0 : i32
    %dma_wait3A_334 = arith.constant 0 : i32
    %dma_wait3A_335 = arith.constant 0 : i32
    %dma_wait3A_336 = tpu.memref_slice %arg7[%dma_wait3A_333, %dma_wait3A_335] : memref<2x4096xf32, #tpu.memory_space<vmem>> -> memref<1x4096xf32, #tpu.memory_space<vmem>>
    %dma_wait3A_337 = tpu.memref_squeeze %dma_wait3A_336 : memref<1x4096xf32, #tpu.memory_space<vmem>> -> memref<4096xf32, #tpu.memory_space<vmem>>
    %dma_wait3A_338 = tpu.memref_slice %arg3[%add3A_316] : memref<1048576xf32, #tpu.memory_space<hbm>> -> memref<4096xf32, #tpu.memory_space<hbm>>
    %dma_wait3A_339 = tpu.memref_slice %arg8[%dma_wait3A_334] : memref<2x!tpu.dma_semaphore, #tpu.memory_space<semaphore_mem>> -> memref<1x!tpu.dma_semaphore, #tpu.memory_space<semaphore_mem>>
    %dma_wait3A_340 = tpu.memref_squeeze %dma_wait3A_339 : memref<1x!tpu.dma_semaphore, #tpu.memory_space<semaphore_mem>> -> memref<!tpu.dma_semaphore, #tpu.memory_space<semaphore_mem>>
    %dma_wait3A_341 = arith.constant 0 : i32
    %dma_wait3A_342 = tpu.memref_slice %arg7[%dma_wait3A_333, %dma_wait3A_341] : memref<2x4096xf32, #tpu.memory_space<vmem>> -> memref<1x4096xf32, #tpu.memory_space<vmem>>
    %dma_wait3A_343 = tpu.memref_squeeze %dma_wait3A_342 : memref<1x4096xf32, #tpu.memory_space<vmem>> -> memref<4096xf32, #tpu.memory_space<vmem>>
    %dma_wait3A_344 = tpu.memref_slice %arg3[%add3A_316] : memref<1048576xf32, #tpu.memory_space<hbm>> -> memref<4096xf32, #tpu.memory_space<hbm>>
    tpu.wait_dma2 semaphore(%dma_wait3A_340 : memref<!tpu.dma_semaphore, #tpu.memory_space<semaphore_mem>>) src(%dma_wait3A_344 : memref<4096xf32, #tpu.memory_space<hbm>>) dst(%dma_wait3A_343 : memref<4096xf32, #tpu.memory_space<vmem>>)
    %parallel_loop3A_345 = arith.constant 0 : i32
    %parallel_loop3A_346 = arith.constant 256 : i32
    %parallel_loop3A_347 = arith.constant 1 : i32
    scf.for %parallel_loop3A_507 = %parallel_loop3A_345 to %parallel_loop3A_346 step %parallel_loop3A_347  : i32 {
      %parallel_loop3A_508 = arith.constant 16 : i32
      %parallel_loop3A_509 = arith.muli %parallel_loop3A_507, %parallel_loop3A_508 : i32
      %parallel_loop3A_510 = arith.constant 0 : i32
      %parallel_loop3A_511 = arith.constant 0 : i32
      %parallel_loop3A_512 = arith.index_cast %parallel_loop3A_510 : i32 to index
      %parallel_loop3A_513 = arith.index_cast %parallel_loop3A_511 : i32 to index
      %parallel_loop3A_514 = arith.index_cast %parallel_loop3A_509 : i32 to index
      %parallel_loop3A_515 = tpu.vector_load %arg6[%parallel_loop3A_512, %parallel_loop3A_513, %parallel_loop3A_514] {strides = array<i32>} : memref<2x2x4096xi32, #tpu.memory_space<vmem>>, vector<16xi32>,
      %parallel_loop3A_516 = arith.constant 16 : i32
      %parallel_loop3A_517 = arith.muli %parallel_loop3A_507, %parallel_loop3A_516 : i32
      %parallel_loop3A_518 = arith.constant 0 : i32
      %parallel_loop3A_519 = arith.constant 1 : i32
      %parallel_loop3A_520 = arith.index_cast %parallel_loop3A_518 : i32 to index
      %parallel_loop3A_521 = arith.index_cast %parallel_loop3A_519 : i32 to index
      %parallel_loop3A_522 = arith.index_cast %parallel_loop3A_517 : i32 to index
      %parallel_loop3A_523 = tpu.vector_load %arg6[%parallel_loop3A_520, %parallel_loop3A_521, %parallel_loop3A_522] {strides = array<i32>} : memref<2x2x4096xi32, #tpu.memory_space<vmem>>, vector<16xi32>,
      %parallel_loop3A_524 = arith.constant 16 : i32
      %parallel_loop3A_525 = arith.muli %parallel_loop3A_507, %parallel_loop3A_524 : i32
      %parallel_loop3A_526 = arith.constant 0 : i32
      %parallel_loop3A_527 = arith.index_cast %parallel_loop3A_526 : i32 to index
      %parallel_loop3A_528 = arith.index_cast %parallel_loop3A_525 : i32 to index
      %parallel_loop3A_529 = tpu.vector_load %arg7[%parallel_loop3A_527, %parallel_loop3A_528] {strides = array<i32>} : memref<2x4096xf32, #tpu.memory_space<vmem>>, vector<16xf32>,
      tpu.vector_store_idx %arg5[%parallel_loop3A_515, %parallel_loop3A_523], %parallel_loop3A_529 {add = true} : memref<256x256xf32, #tpu.memory_space<vmem>>[vector<16xi32>, vector<16xi32>], vector<16xf32>,
    } {sc.loop_unroll_factor = 4 : i64, sc.parallel_access}
    %add3A_348 = arith.constant 24576 : i32
    %add3A_349 = arith.addi %mul3A_2, %add3A_348 : i32
    %dma_start3A_350 = arith.constant 0 : i32
    %dma_start3A_351 = arith.constant 0 : i32
    %dma_start3A_352 = arith.constant 0 : i32
    %dma_start3A_353 = arith.constant 0 : i32
    %dma_start3A_354 = tpu.memref_slice %arg6[%dma_start3A_350, %dma_start3A_352, %dma_start3A_353] : memref<2x2x4096xi32, #tpu.memory_space<vmem>> -> memref<1x2x4096xi32, #tpu.memory_space<vmem>>
    %dma_start3A_355 = tpu.memref_squeeze %dma_start3A_354 : memref<1x2x4096xi32, #tpu.memory_space<vmem>> -> memref<2x4096xi32, #tpu.memory_space<vmem>>
    %dma_start3A_356 = arith.constant 0 : i32
    %dma_start3A_357 = tpu.memref_slice %arg2[%dma_start3A_356, %add3A_349] : memref<2x1048576xi32, #tpu.memory_space<hbm>> -> memref<2x4096xi32, #tpu.memory_space<hbm>>
    %dma_start3A_358 = tpu.memref_slice %arg8[%dma_start3A_351] : memref<2x!tpu.dma_semaphore, #tpu.memory_space<semaphore_mem>> -> memref<1x!tpu.dma_semaphore, #tpu.memory_space<semaphore_mem>>
    %dma_start3A_359 = tpu.memref_squeeze %dma_start3A_358 : memref<1x!tpu.dma_semaphore, #tpu.memory_space<semaphore_mem>> -> memref<!tpu.dma_semaphore, #tpu.memory_space<semaphore_mem>>
    %dma_start3A_360 = arith.constant 0 : i32
    %dma_start3A_361 = arith.constant 0 : i32
    %dma_start3A_362 = tpu.memref_slice %arg6[%dma_start3A_350, %dma_start3A_360, %dma_start3A_361] : memref<2x2x4096xi32, #tpu.memory_space<vmem>> -> memref<1x2x4096xi32, #tpu.memory_space<vmem>>
    %dma_start3A_363 = tpu.memref_squeeze %dma_start3A_362 : memref<1x2x4096xi32, #tpu.memory_space<vmem>> -> memref<2x4096xi32, #tpu.memory_space<vmem>>
    %dma_start3A_364 = arith.constant 0 : i32
    %dma_start3A_365 = tpu.memref_slice %arg2[%dma_start3A_364, %add3A_349] : memref<2x1048576xi32, #tpu.memory_space<hbm>> -> memref<2x4096xi32, #tpu.memory_space<hbm>>
    tpu.enqueue_dma source(%dma_start3A_365 : memref<2x4096xi32, #tpu.memory_space<hbm>>) target(%dma_start3A_363 : memref<2x4096xi32, #tpu.memory_space<vmem>>) target_semaphore(%dma_start3A_359 : memref<!tpu.dma_semaphore, #tpu.memory_space<semaphore_mem>>)
    %dma_start3A_366 = arith.constant 0 : i32
    %dma_start3A_367 = arith.constant 0 : i32
    %dma_start3A_368 = arith.constant 0 : i32
    %dma_start3A_369 = tpu.memref_slice %arg7[%dma_start3A_366, %dma_start3A_368] : memref<2x4096xf32, #tpu.memory_space<vmem>> -> memref<1x4096xf32, #tpu.memory_space<vmem>>
    %dma_start3A_370 = tpu.memref_squeeze %dma_start3A_369 : memref<1x4096xf32, #tpu.memory_space<vmem>> -> memref<4096xf32, #tpu.memory_space<vmem>>
    %dma_start3A_371 = tpu.memref_slice %arg3[%add3A_349] : memref<1048576xf32, #tpu.memory_space<hbm>> -> memref<4096xf32, #tpu.memory_space<hbm>>
    %dma_start3A_372 = tpu.memref_slice %arg8[%dma_start3A_367] : memref<2x!tpu.dma_semaphore, #tpu.memory_space<semaphore_mem>> -> memref<1x!tpu.dma_semaphore, #tpu.memory_space<semaphore_mem>>
    %dma_start3A_373 = tpu.memref_squeeze %dma_start3A_372 : memref<1x!tpu.dma_semaphore, #tpu.memory_space<semaphore_mem>> -> memref<!tpu.dma_semaphore, #tpu.memory_space<semaphore_mem>>
    %dma_start3A_374 = arith.constant 0 : i32
    %dma_start3A_375 = tpu.memref_slice %arg7[%dma_start3A_366, %dma_start3A_374] : memref<2x4096xf32, #tpu.memory_space<vmem>> -> memref<1x4096xf32, #tpu.memory_space<vmem>>
    %dma_start3A_376 = tpu.memref_squeeze %dma_start3A_375 : memref<1x4096xf32, #tpu.memory_space<vmem>> -> memref<4096xf32, #tpu.memory_space<vmem>>
    %dma_start3A_377 = tpu.memref_slice %arg3[%add3A_349] : memref<1048576xf32, #tpu.memory_space<hbm>> -> memref<4096xf32, #tpu.memory_space<hbm>>
    tpu.enqueue_dma source(%dma_start3A_377 : memref<4096xf32, #tpu.memory_space<hbm>>) target(%dma_start3A_376 : memref<4096xf32, #tpu.memory_space<vmem>>) target_semaphore(%dma_start3A_373 : memref<!tpu.dma_semaphore, #tpu.memory_space<semaphore_mem>>)
    %add3A_378 = arith.constant 20480 : i32
    %add3A_379 = arith.addi %mul3A_2, %add3A_378 : i32
    %dma_wait3A_380 = arith.constant 1 : i32
    %dma_wait3A_381 = arith.constant 1 : i32
    %dma_wait3A_382 = arith.constant 0 : i32
    %dma_wait3A_383 = arith.constant 0 : i32
    %dma_wait3A_384 = tpu.memref_slice %arg6[%dma_wait3A_380, %dma_wait3A_382, %dma_wait3A_383] : memref<2x2x4096xi32, #tpu.memory_space<vmem>> -> memref<1x2x4096xi32, #tpu.memory_space<vmem>>
    %dma_wait3A_385 = tpu.memref_squeeze %dma_wait3A_384 : memref<1x2x4096xi32, #tpu.memory_space<vmem>> -> memref<2x4096xi32, #tpu.memory_space<vmem>>
    %dma_wait3A_386 = arith.constant 0 : i32
    %dma_wait3A_387 = tpu.memref_slice %arg2[%dma_wait3A_386, %add3A_379] : memref<2x1048576xi32, #tpu.memory_space<hbm>> -> memref<2x4096xi32, #tpu.memory_space<hbm>>
    %dma_wait3A_388 = tpu.memref_slice %arg8[%dma_wait3A_381] : memref<2x!tpu.dma_semaphore, #tpu.memory_space<semaphore_mem>> -> memref<1x!tpu.dma_semaphore, #tpu.memory_space<semaphore_mem>>
    %dma_wait3A_389 = tpu.memref_squeeze %dma_wait3A_388 : memref<1x!tpu.dma_semaphore, #tpu.memory_space<semaphore_mem>> -> memref<!tpu.dma_semaphore, #tpu.memory_space<semaphore_mem>>
    %dma_wait3A_390 = arith.constant 0 : i32
    %dma_wait3A_391 = arith.constant 0 : i32
    %dma_wait3A_392 = tpu.memref_slice %arg6[%dma_wait3A_380, %dma_wait3A_390, %dma_wait3A_391] : memref<2x2x4096xi32, #tpu.memory_space<vmem>> -> memref<1x2x4096xi32, #tpu.memory_space<vmem>>
    %dma_wait3A_393 = tpu.memref_squeeze %dma_wait3A_392 : memref<1x2x4096xi32, #tpu.memory_space<vmem>> -> memref<2x4096xi32, #tpu.memory_space<vmem>>
    %dma_wait3A_394 = arith.constant 0 : i32
    %dma_wait3A_395 = tpu.memref_slice %arg2[%dma_wait3A_394, %add3A_379] : memref<2x1048576xi32, #tpu.memory_space<hbm>> -> memref<2x4096xi32, #tpu.memory_space<hbm>>
    tpu.wait_dma2 semaphore(%dma_wait3A_389 : memref<!tpu.dma_semaphore, #tpu.memory_space<semaphore_mem>>) src(%dma_wait3A_395 : memref<2x4096xi32, #tpu.memory_space<hbm>>) dst(%dma_wait3A_393 : memref<2x4096xi32, #tpu.memory_space<vmem>>)
    %dma_wait3A_396 = arith.constant 1 : i32
    %dma_wait3A_397 = arith.constant 1 : i32
    %dma_wait3A_398 = arith.constant 0 : i32
    %dma_wait3A_399 = tpu.memref_slice %arg7[%dma_wait3A_396, %dma_wait3A_398] : memref<2x4096xf32, #tpu.memory_space<vmem>> -> memref<1x4096xf32, #tpu.memory_space<vmem>>
    %dma_wait3A_400 = tpu.memref_squeeze %dma_wait3A_399 : memref<1x4096xf32, #tpu.memory_space<vmem>> -> memref<4096xf32, #tpu.memory_space<vmem>>
    %dma_wait3A_401 = tpu.memref_slice %arg3[%add3A_379] : memref<1048576xf32, #tpu.memory_space<hbm>> -> memref<4096xf32, #tpu.memory_space<hbm>>
    %dma_wait3A_402 = tpu.memref_slice %arg8[%dma_wait3A_397] : memref<2x!tpu.dma_semaphore, #tpu.memory_space<semaphore_mem>> -> memref<1x!tpu.dma_semaphore, #tpu.memory_space<semaphore_mem>>
    %dma_wait3A_403 = tpu.memref_squeeze %dma_wait3A_402 : memref<1x!tpu.dma_semaphore, #tpu.memory_space<semaphore_mem>> -> memref<!tpu.dma_semaphore, #tpu.memory_space<semaphore_mem>>
    %dma_wait3A_404 = arith.constant 0 : i32
    %dma_wait3A_405 = tpu.memref_slice %arg7[%dma_wait3A_396, %dma_wait3A_404] : memref<2x4096xf32, #tpu.memory_space<vmem>> -> memref<1x4096xf32, #tpu.memory_space<vmem>>
    %dma_wait3A_406 = tpu.memref_squeeze %dma_wait3A_405 : memref<1x4096xf32, #tpu.memory_space<vmem>> -> memref<4096xf32, #tpu.memory_space<vmem>>
    %dma_wait3A_407 = tpu.memref_slice %arg3[%add3A_379] : memref<1048576xf32, #tpu.memory_space<hbm>> -> memref<4096xf32, #tpu.memory_space<hbm>>
    tpu.wait_dma2 semaphore(%dma_wait3A_403 : memref<!tpu.dma_semaphore, #tpu.memory_space<semaphore_mem>>) src(%dma_wait3A_407 : memref<4096xf32, #tpu.memory_space<hbm>>) dst(%dma_wait3A_406 : memref<4096xf32, #tpu.memory_space<vmem>>)
    %parallel_loop3A_408 = arith.constant 0 : i32
    %parallel_loop3A_409 = arith.constant 256 : i32
    %parallel_loop3A_410 = arith.constant 1 : i32
    scf.for %parallel_loop3A_507 = %parallel_loop3A_408 to %parallel_loop3A_409 step %parallel_loop3A_410  : i32 {
      %parallel_loop3A_508 = arith.constant 16 : i32
      %parallel_loop3A_509 = arith.muli %parallel_loop3A_507, %parallel_loop3A_508 : i32
      %parallel_loop3A_510 = arith.constant 1 : i32
      %parallel_loop3A_511 = arith.constant 0 : i32
      %parallel_loop3A_512 = arith.index_cast %parallel_loop3A_510 : i32 to index
      %parallel_loop3A_513 = arith.index_cast %parallel_loop3A_511 : i32 to index
      %parallel_loop3A_514 = arith.index_cast %parallel_loop3A_509 : i32 to index
      %parallel_loop3A_515 = tpu.vector_load %arg6[%parallel_loop3A_512, %parallel_loop3A_513, %parallel_loop3A_514] {strides = array<i32>} : memref<2x2x4096xi32, #tpu.memory_space<vmem>>, vector<16xi32>,
      %parallel_loop3A_516 = arith.constant 16 : i32
      %parallel_loop3A_517 = arith.muli %parallel_loop3A_507, %parallel_loop3A_516 : i32
      %parallel_loop3A_518 = arith.constant 1 : i32
      %parallel_loop3A_519 = arith.constant 1 : i32
      %parallel_loop3A_520 = arith.index_cast %parallel_loop3A_518 : i32 to index
      %parallel_loop3A_521 = arith.index_cast %parallel_loop3A_519 : i32 to index
      %parallel_loop3A_522 = arith.index_cast %parallel_loop3A_517 : i32 to index
      %parallel_loop3A_523 = tpu.vector_load %arg6[%parallel_loop3A_520, %parallel_loop3A_521, %parallel_loop3A_522] {strides = array<i32>} : memref<2x2x4096xi32, #tpu.memory_space<vmem>>, vector<16xi32>,
      %parallel_loop3A_524 = arith.constant 16 : i32
      %parallel_loop3A_525 = arith.muli %parallel_loop3A_507, %parallel_loop3A_524 : i32
      %parallel_loop3A_526 = arith.constant 1 : i32
      %parallel_loop3A_527 = arith.index_cast %parallel_loop3A_526 : i32 to index
      %parallel_loop3A_528 = arith.index_cast %parallel_loop3A_525 : i32 to index
      %parallel_loop3A_529 = tpu.vector_load %arg7[%parallel_loop3A_527, %parallel_loop3A_528] {strides = array<i32>} : memref<2x4096xf32, #tpu.memory_space<vmem>>, vector<16xf32>,
      tpu.vector_store_idx %arg5[%parallel_loop3A_515, %parallel_loop3A_523], %parallel_loop3A_529 {add = true} : memref<256x256xf32, #tpu.memory_space<vmem>>[vector<16xi32>, vector<16xi32>], vector<16xf32>,
    } {sc.loop_unroll_factor = 4 : i64, sc.parallel_access}
    %add3A_411 = arith.constant 28672 : i32
    %add3A_412 = arith.addi %mul3A_2, %add3A_411 : i32
    %dma_start3A_413 = arith.constant 1 : i32
    %dma_start3A_414 = arith.constant 1 : i32
    %dma_start3A_415 = arith.constant 0 : i32
    %dma_start3A_416 = arith.constant 0 : i32
    %dma_start3A_417 = tpu.memref_slice %arg6[%dma_start3A_413, %dma_start3A_415, %dma_start3A_416] : memref<2x2x4096xi32, #tpu.memory_space<vmem>> -> memref<1x2x4096xi32, #tpu.memory_space<vmem>>
    %dma_start3A_418 = tpu.memref_squeeze %dma_start3A_417 : memref<1x2x4096xi32, #tpu.memory_space<vmem>> -> memref<2x4096xi32, #tpu.memory_space<vmem>>
    %dma_start3A_419 = arith.constant 0 : i32
    %dma_start3A_420 = tpu.memref_slice %arg2[%dma_start3A_419, %add3A_412] : memref<2x1048576xi32, #tpu.memory_space<hbm>> -> memref<2x4096xi32, #tpu.memory_space<hbm>>
    %dma_start3A_421 = tpu.memref_slice %arg8[%dma_start3A_414] : memref<2x!tpu.dma_semaphore, #tpu.memory_space<semaphore_mem>> -> memref<1x!tpu.dma_semaphore, #tpu.memory_space<semaphore_mem>>
    %dma_start3A_422 = tpu.memref_squeeze %dma_start3A_421 : memref<1x!tpu.dma_semaphore, #tpu.memory_space<semaphore_mem>> -> memref<!tpu.dma_semaphore, #tpu.memory_space<semaphore_mem>>
    %dma_start3A_423 = arith.constant 0 : i32
    %dma_start3A_424 = arith.constant 0 : i32
    %dma_start3A_425 = tpu.memref_slice %arg6[%dma_start3A_413, %dma_start3A_423, %dma_start3A_424] : memref<2x2x4096xi32, #tpu.memory_space<vmem>> -> memref<1x2x4096xi32, #tpu.memory_space<vmem>>
    %dma_start3A_426 = tpu.memref_squeeze %dma_start3A_425 : memref<1x2x4096xi32, #tpu.memory_space<vmem>> -> memref<2x4096xi32, #tpu.memory_space<vmem>>
    %dma_start3A_427 = arith.constant 0 : i32
    %dma_start3A_428 = tpu.memref_slice %arg2[%dma_start3A_427, %add3A_412] : memref<2x1048576xi32, #tpu.memory_space<hbm>> -> memref<2x4096xi32, #tpu.memory_space<hbm>>
    tpu.enqueue_dma source(%dma_start3A_428 : memref<2x4096xi32, #tpu.memory_space<hbm>>) target(%dma_start3A_426 : memref<2x4096xi32, #tpu.memory_space<vmem>>) target_semaphore(%dma_start3A_422 : memref<!tpu.dma_semaphore, #tpu.memory_space<semaphore_mem>>)
    %dma_start3A_429 = arith.constant 1 : i32
    %dma_start3A_430 = arith.constant 1 : i32
    %dma_start3A_431 = arith.constant 0 : i32
    %dma_start3A_432 = tpu.memref_slice %arg7[%dma_start3A_429, %dma_start3A_431] : memref<2x4096xf32, #tpu.memory_space<vmem>> -> memref<1x4096xf32, #tpu.memory_space<vmem>>
    %dma_start3A_433 = tpu.memref_squeeze %dma_start3A_432 : memref<1x4096xf32, #tpu.memory_space<vmem>> -> memref<4096xf32, #tpu.memory_space<vmem>>
    %dma_start3A_434 = tpu.memref_slice %arg3[%add3A_412] : memref<1048576xf32, #tpu.memory_space<hbm>> -> memref<4096xf32, #tpu.memory_space<hbm>>
    %dma_start3A_435 = tpu.memref_slice %arg8[%dma_start3A_430] : memref<2x!tpu.dma_semaphore, #tpu.memory_space<semaphore_mem>> -> memref<1x!tpu.dma_semaphore, #tpu.memory_space<semaphore_mem>>
    %dma_start3A_436 = tpu.memref_squeeze %dma_start3A_435 : memref<1x!tpu.dma_semaphore, #tpu.memory_space<semaphore_mem>> -> memref<!tpu.dma_semaphore, #tpu.memory_space<semaphore_mem>>
    %dma_start3A_437 = arith.constant 0 : i32
    %dma_start3A_438 = tpu.memref_slice %arg7[%dma_start3A_429, %dma_start3A_437] : memref<2x4096xf32, #tpu.memory_space<vmem>> -> memref<1x4096xf32, #tpu.memory_space<vmem>>
    %dma_start3A_439 = tpu.memref_squeeze %dma_start3A_438 : memref<1x4096xf32, #tpu.memory_space<vmem>> -> memref<4096xf32, #tpu.memory_space<vmem>>
    %dma_start3A_440 = tpu.memref_slice %arg3[%add3A_412] : memref<1048576xf32, #tpu.memory_space<hbm>> -> memref<4096xf32, #tpu.memory_space<hbm>>
    tpu.enqueue_dma source(%dma_start3A_440 : memref<4096xf32, #tpu.memory_space<hbm>>) target(%dma_start3A_439 : memref<4096xf32, #tpu.memory_space<vmem>>) target_semaphore(%dma_start3A_436 : memref<!tpu.dma_semaphore, #tpu.memory_space<semaphore_mem>>)
    %add3A_441 = arith.constant 24576 : i32
    %add3A_442 = arith.addi %mul3A_2, %add3A_441 : i32
    %dma_wait3A_443 = arith.constant 0 : i32
    %dma_wait3A_444 = arith.constant 0 : i32
    %dma_wait3A_445 = arith.constant 0 : i32
    %dma_wait3A_446 = arith.constant 0 : i32
    %dma_wait3A_447 = tpu.memref_slice %arg6[%dma_wait3A_443, %dma_wait3A_445, %dma_wait3A_446] : memref<2x2x4096xi32, #tpu.memory_space<vmem>> -> memref<1x2x4096xi32, #tpu.memory_space<vmem>>
    %dma_wait3A_448 = tpu.memref_squeeze %dma_wait3A_447 : memref<1x2x4096xi32, #tpu.memory_space<vmem>> -> memref<2x4096xi32, #tpu.memory_space<vmem>>
    %dma_wait3A_449 = arith.constant 0 : i32
    %dma_wait3A_450 = tpu.memref_slice %arg2[%dma_wait3A_449, %add3A_442] : memref<2x1048576xi32, #tpu.memory_space<hbm>> -> memref<2x4096xi32, #tpu.memory_space<hbm>>
    %dma_wait3A_451 = tpu.memref_slice %arg8[%dma_wait3A_444] : memref<2x!tpu.dma_semaphore, #tpu.memory_space<semaphore_mem>> -> memref<1x!tpu.dma_semaphore, #tpu.memory_space<semaphore_mem>>
    %dma_wait3A_452 = tpu.memref_squeeze %dma_wait3A_451 : memref<1x!tpu.dma_semaphore, #tpu.memory_space<semaphore_mem>> -> memref<!tpu.dma_semaphore, #tpu.memory_space<semaphore_mem>>
    %dma_wait3A_453 = arith.constant 0 : i32
    %dma_wait3A_454 = arith.constant 0 : i32
    %dma_wait3A_455 = tpu.memref_slice %arg6[%dma_wait3A_443, %dma_wait3A_453, %dma_wait3A_454] : memref<2x2x4096xi32, #tpu.memory_space<vmem>> -> memref<1x2x4096xi32, #tpu.memory_space<vmem>>
    %dma_wait3A_456 = tpu.memref_squeeze %dma_wait3A_455 : memref<1x2x4096xi32, #tpu.memory_space<vmem>> -> memref<2x4096xi32, #tpu.memory_space<vmem>>
    %dma_wait3A_457 = arith.constant 0 : i32
    %dma_wait3A_458 = tpu.memref_slice %arg2[%dma_wait3A_457, %add3A_442] : memref<2x1048576xi32, #tpu.memory_space<hbm>> -> memref<2x4096xi32, #tpu.memory_space<hbm>>
    tpu.wait_dma2 semaphore(%dma_wait3A_452 : memref<!tpu.dma_semaphore, #tpu.memory_space<semaphore_mem>>) src(%dma_wait3A_458 : memref<2x4096xi32, #tpu.memory_space<hbm>>) dst(%dma_wait3A_456 : memref<2x4096xi32, #tpu.memory_space<vmem>>)
    %dma_wait3A_459 = arith.constant 0 : i32
    %dma_wait3A_460 = arith.constant 0 : i32
    %dma_wait3A_461 = arith.constant 0 : i32
    %dma_wait3A_462 = tpu.memref_slice %arg7[%dma_wait3A_459, %dma_wait3A_461] : memref<2x4096xf32, #tpu.memory_space<vmem>> -> memref<1x4096xf32, #tpu.memory_space<vmem>>
    %dma_wait3A_463 = tpu.memref_squeeze %dma_wait3A_462 : memref<1x4096xf32, #tpu.memory_space<vmem>> -> memref<4096xf32, #tpu.memory_space<vmem>>
    %dma_wait3A_464 = tpu.memref_slice %arg3[%add3A_442] : memref<1048576xf32, #tpu.memory_space<hbm>> -> memref<4096xf32, #tpu.memory_space<hbm>>
    %dma_wait3A_465 = tpu.memref_slice %arg8[%dma_wait3A_460] : memref<2x!tpu.dma_semaphore, #tpu.memory_space<semaphore_mem>> -> memref<1x!tpu.dma_semaphore, #tpu.memory_space<semaphore_mem>>
    %dma_wait3A_466 = tpu.memref_squeeze %dma_wait3A_465 : memref<1x!tpu.dma_semaphore, #tpu.memory_space<semaphore_mem>> -> memref<!tpu.dma_semaphore, #tpu.memory_space<semaphore_mem>>
    %dma_wait3A_467 = arith.constant 0 : i32
    %dma_wait3A_468 = tpu.memref_slice %arg7[%dma_wait3A_459, %dma_wait3A_467] : memref<2x4096xf32, #tpu.memory_space<vmem>> -> memref<1x4096xf32, #tpu.memory_space<vmem>>
    %dma_wait3A_469 = tpu.memref_squeeze %dma_wait3A_468 : memref<1x4096xf32, #tpu.memory_space<vmem>> -> memref<4096xf32, #tpu.memory_space<vmem>>
    %dma_wait3A_470 = tpu.memref_slice %arg3[%add3A_442] : memref<1048576xf32, #tpu.memory_space<hbm>> -> memref<4096xf32, #tpu.memory_space<hbm>>
    tpu.wait_dma2 semaphore(%dma_wait3A_466 : memref<!tpu.dma_semaphore, #tpu.memory_space<semaphore_mem>>) src(%dma_wait3A_470 : memref<4096xf32, #tpu.memory_space<hbm>>) dst(%dma_wait3A_469 : memref<4096xf32, #tpu.memory_space<vmem>>)
    %parallel_loop3A_471 = arith.constant 0 : i32
    %parallel_loop3A_472 = arith.constant 256 : i32
    %parallel_loop3A_473 = arith.constant 1 : i32
    scf.for %parallel_loop3A_507 = %parallel_loop3A_471 to %parallel_loop3A_472 step %parallel_loop3A_473  : i32 {
      %parallel_loop3A_508 = arith.constant 16 : i32
      %parallel_loop3A_509 = arith.muli %parallel_loop3A_507, %parallel_loop3A_508 : i32
      %parallel_loop3A_510 = arith.constant 0 : i32
      %parallel_loop3A_511 = arith.constant 0 : i32
      %parallel_loop3A_512 = arith.index_cast %parallel_loop3A_510 : i32 to index
      %parallel_loop3A_513 = arith.index_cast %parallel_loop3A_511 : i32 to index
      %parallel_loop3A_514 = arith.index_cast %parallel_loop3A_509 : i32 to index
      %parallel_loop3A_515 = tpu.vector_load %arg6[%parallel_loop3A_512, %parallel_loop3A_513, %parallel_loop3A_514] {strides = array<i32>} : memref<2x2x4096xi32, #tpu.memory_space<vmem>>, vector<16xi32>,
      %parallel_loop3A_516 = arith.constant 16 : i32
      %parallel_loop3A_517 = arith.muli %parallel_loop3A_507, %parallel_loop3A_516 : i32
      %parallel_loop3A_518 = arith.constant 0 : i32
      %parallel_loop3A_519 = arith.constant 1 : i32
      %parallel_loop3A_520 = arith.index_cast %parallel_loop3A_518 : i32 to index
      %parallel_loop3A_521 = arith.index_cast %parallel_loop3A_519 : i32 to index
      %parallel_loop3A_522 = arith.index_cast %parallel_loop3A_517 : i32 to index
      %parallel_loop3A_523 = tpu.vector_load %arg6[%parallel_loop3A_520, %parallel_loop3A_521, %parallel_loop3A_522] {strides = array<i32>} : memref<2x2x4096xi32, #tpu.memory_space<vmem>>, vector<16xi32>,
      %parallel_loop3A_524 = arith.constant 16 : i32
      %parallel_loop3A_525 = arith.muli %parallel_loop3A_507, %parallel_loop3A_524 : i32
      %parallel_loop3A_526 = arith.constant 0 : i32
      %parallel_loop3A_527 = arith.index_cast %parallel_loop3A_526 : i32 to index
      %parallel_loop3A_528 = arith.index_cast %parallel_loop3A_525 : i32 to index
      %parallel_loop3A_529 = tpu.vector_load %arg7[%parallel_loop3A_527, %parallel_loop3A_528] {strides = array<i32>} : memref<2x4096xf32, #tpu.memory_space<vmem>>, vector<16xf32>,
      tpu.vector_store_idx %arg5[%parallel_loop3A_515, %parallel_loop3A_523], %parallel_loop3A_529 {add = true} : memref<256x256xf32, #tpu.memory_space<vmem>>[vector<16xi32>, vector<16xi32>], vector<16xf32>,
    } {sc.loop_unroll_factor = 4 : i64, sc.parallel_access}
    %add3A_474 = arith.constant 28672 : i32
    %add3A_475 = arith.addi %mul3A_2, %add3A_474 : i32
    %dma_wait3A_476 = arith.constant 1 : i32
    %dma_wait3A_477 = arith.constant 1 : i32
    %dma_wait3A_478 = arith.constant 0 : i32
    %dma_wait3A_479 = arith.constant 0 : i32
    %dma_wait3A_480 = tpu.memref_slice %arg6[%dma_wait3A_476, %dma_wait3A_478, %dma_wait3A_479] : memref<2x2x4096xi32, #tpu.memory_space<vmem>> -> memref<1x2x4096xi32, #tpu.memory_space<vmem>>
    %dma_wait3A_481 = tpu.memref_squeeze %dma_wait3A_480 : memref<1x2x4096xi32, #tpu.memory_space<vmem>> -> memref<2x4096xi32, #tpu.memory_space<vmem>>
    %dma_wait3A_482 = arith.constant 0 : i32
    %dma_wait3A_483 = tpu.memref_slice %arg2[%dma_wait3A_482, %add3A_475] : memref<2x1048576xi32, #tpu.memory_space<hbm>> -> memref<2x4096xi32, #tpu.memory_space<hbm>>
    %dma_wait3A_484 = tpu.memref_slice %arg8[%dma_wait3A_477] : memref<2x!tpu.dma_semaphore, #tpu.memory_space<semaphore_mem>> -> memref<1x!tpu.dma_semaphore, #tpu.memory_space<semaphore_mem>>
    %dma_wait3A_485 = tpu.memref_squeeze %dma_wait3A_484 : memref<1x!tpu.dma_semaphore, #tpu.memory_space<semaphore_mem>> -> memref<!tpu.dma_semaphore, #tpu.memory_space<semaphore_mem>>
    %dma_wait3A_486 = arith.constant 0 : i32
    %dma_wait3A_487 = arith.constant 0 : i32
    %dma_wait3A_488 = tpu.memref_slice %arg6[%dma_wait3A_476, %dma_wait3A_486, %dma_wait3A_487] : memref<2x2x4096xi32, #tpu.memory_space<vmem>> -> memref<1x2x4096xi32, #tpu.memory_space<vmem>>
    %dma_wait3A_489 = tpu.memref_squeeze %dma_wait3A_488 : memref<1x2x4096xi32, #tpu.memory_space<vmem>> -> memref<2x4096xi32, #tpu.memory_space<vmem>>
    %dma_wait3A_490 = arith.constant 0 : i32
    %dma_wait3A_491 = tpu.memref_slice %arg2[%dma_wait3A_490, %add3A_475] : memref<2x1048576xi32, #tpu.memory_space<hbm>> -> memref<2x4096xi32, #tpu.memory_space<hbm>>
    tpu.wait_dma2 semaphore(%dma_wait3A_485 : memref<!tpu.dma_semaphore, #tpu.memory_space<semaphore_mem>>) src(%dma_wait3A_491 : memref<2x4096xi32, #tpu.memory_space<hbm>>) dst(%dma_wait3A_489 : memref<2x4096xi32, #tpu.memory_space<vmem>>)
    %dma_wait3A_492 = arith.constant 1 : i32
    %dma_wait3A_493 = arith.constant 1 : i32
    %dma_wait3A_494 = arith.constant 0 : i32
    %dma_wait3A_495 = tpu.memref_slice %arg7[%dma_wait3A_492, %dma_wait3A_494] : memref<2x4096xf32, #tpu.memory_space<vmem>> -> memref<1x4096xf32, #tpu.memory_space<vmem>>
    %dma_wait3A_496 = tpu.memref_squeeze %dma_wait3A_495 : memref<1x4096xf32, #tpu.memory_space<vmem>> -> memref<4096xf32, #tpu.memory_space<vmem>>
    %dma_wait3A_497 = tpu.memref_slice %arg3[%add3A_475] : memref<1048576xf32, #tpu.memory_space<hbm>> -> memref<4096xf32, #tpu.memory_space<hbm>>
    %dma_wait3A_498 = tpu.memref_slice %arg8[%dma_wait3A_493] : memref<2x!tpu.dma_semaphore, #tpu.memory_space<semaphore_mem>> -> memref<1x!tpu.dma_semaphore, #tpu.memory_space<semaphore_mem>>
    %dma_wait3A_499 = tpu.memref_squeeze %dma_wait3A_498 : memref<1x!tpu.dma_semaphore, #tpu.memory_space<semaphore_mem>> -> memref<!tpu.dma_semaphore, #tpu.memory_space<semaphore_mem>>
    %dma_wait3A_500 = arith.constant 0 : i32
    %dma_wait3A_501 = tpu.memref_slice %arg7[%dma_wait3A_492, %dma_wait3A_500] : memref<2x4096xf32, #tpu.memory_space<vmem>> -> memref<1x4096xf32, #tpu.memory_space<vmem>>
    %dma_wait3A_502 = tpu.memref_squeeze %dma_wait3A_501 : memref<1x4096xf32, #tpu.memory_space<vmem>> -> memref<4096xf32, #tpu.memory_space<vmem>>
    %dma_wait3A_503 = tpu.memref_slice %arg3[%add3A_475] : memref<1048576xf32, #tpu.memory_space<hbm>> -> memref<4096xf32, #tpu.memory_space<hbm>>
    tpu.wait_dma2 semaphore(%dma_wait3A_499 : memref<!tpu.dma_semaphore, #tpu.memory_space<semaphore_mem>>) src(%dma_wait3A_503 : memref<4096xf32, #tpu.memory_space<hbm>>) dst(%dma_wait3A_502 : memref<4096xf32, #tpu.memory_space<vmem>>)
    %parallel_loop3A_504 = arith.constant 0 : i32
    %parallel_loop3A_505 = arith.constant 256 : i32
    %parallel_loop3A_506 = arith.constant 1 : i32
    scf.for %parallel_loop3A_507 = %parallel_loop3A_504 to %parallel_loop3A_505 step %parallel_loop3A_506  : i32 {
      %parallel_loop3A_508 = arith.constant 16 : i32
      %parallel_loop3A_509 = arith.muli %parallel_loop3A_507, %parallel_loop3A_508 : i32
      %parallel_loop3A_510 = arith.constant 1 : i32
      %parallel_loop3A_511 = arith.constant 0 : i32
      %parallel_loop3A_512 = arith.index_cast %parallel_loop3A_510 : i32 to index
      %parallel_loop3A_513 = arith.index_cast %parallel_loop3A_511 : i32 to index
      %parallel_loop3A_514 = arith.index_cast %parallel_loop3A_509 : i32 to index
      %parallel_loop3A_515 = tpu.vector_load %arg6[%parallel_loop3A_512, %parallel_loop3A_513, %parallel_loop3A_514] {strides = array<i32>} : memref<2x2x4096xi32, #tpu.memory_space<vmem>>, vector<16xi32>,
      %parallel_loop3A_516 = arith.constant 16 : i32
      %parallel_loop3A_517 = arith.muli %parallel_loop3A_507, %parallel_loop3A_516 : i32
      %parallel_loop3A_518 = arith.constant 1 : i32
      %parallel_loop3A_519 = arith.constant 1 : i32
      %parallel_loop3A_520 = arith.index_cast %parallel_loop3A_518 : i32 to index
      %parallel_loop3A_521 = arith.index_cast %parallel_loop3A_519 : i32 to index
      %parallel_loop3A_522 = arith.index_cast %parallel_loop3A_517 : i32 to index
      %parallel_loop3A_523 = tpu.vector_load %arg6[%parallel_loop3A_520, %parallel_loop3A_521, %parallel_loop3A_522] {strides = array<i32>} : memref<2x2x4096xi32, #tpu.memory_space<vmem>>, vector<16xi32>,
      %parallel_loop3A_524 = arith.constant 16 : i32
      %parallel_loop3A_525 = arith.muli %parallel_loop3A_507, %parallel_loop3A_524 : i32
      %parallel_loop3A_526 = arith.constant 1 : i32
      %parallel_loop3A_527 = arith.index_cast %parallel_loop3A_526 : i32 to index
      %parallel_loop3A_528 = arith.index_cast %parallel_loop3A_525 : i32 to index
      %parallel_loop3A_529 = tpu.vector_load %arg7[%parallel_loop3A_527, %parallel_loop3A_528] {strides = array<i32>} : memref<2x4096xf32, #tpu.memory_space<vmem>>, vector<16xf32>,
      tpu.vector_store_idx %arg5[%parallel_loop3A_515, %parallel_loop3A_523], %parallel_loop3A_529 {add = true} : memref<256x256xf32, #tpu.memory_space<vmem>>[vector<16xi32>, vector<16xi32>], vector<16xf32>,
    } {sc.loop_unroll_factor = 4 : i64, sc.parallel_access}
    "tpu.region"() ({
      %run_scoped3A = tpu.sem_alloc : memref<!tpu.dma_semaphore, #tpu.memory_space<semaphore_mem>>
      %dma_start3A_507 = arith.constant 0 : i32
      %dma_start3A_508 = arith.constant 0 : i32
      %dma_start3A_509 = tpu.memref_slice %arg4[%add3A, %dma_start3A_507, %dma_start3A_508] : memref<32x256x256xf32, #tpu.memory_space<hbm>> -> memref<1x256x256xf32, #tpu.memory_space<hbm>>
      %dma_start3A_510 = tpu.memref_squeeze %dma_start3A_509 : memref<1x256x256xf32, #tpu.memory_space<hbm>> -> memref<256x256xf32, #tpu.memory_space<hbm>>
      %dma_start3A_511 = arith.constant 0 : i32
      %dma_start3A_512 = arith.constant 0 : i32
      %dma_start3A_513 = tpu.memref_slice %arg4[%add3A, %dma_start3A_511, %dma_start3A_512] : memref<32x256x256xf32, #tpu.memory_space<hbm>> -> memref<1x256x256xf32, #tpu.memory_space<hbm>>
      %dma_start3A_514 = tpu.memref_squeeze %dma_start3A_513 : memref<1x256x256xf32, #tpu.memory_space<hbm>> -> memref<256x256xf32, #tpu.memory_space<hbm>>
      tpu.enqueue_dma source(%arg5 : memref<256x256xf32, #tpu.memory_space<vmem>>) target(%dma_start3A_514 : memref<256x256xf32, #tpu.memory_space<hbm>>) target_semaphore(%run_scoped3A : memref<!tpu.dma_semaphore, #tpu.memory_space<semaphore_mem>>)
      %dma_wait3A_515 = arith.constant 0 : i32
      %dma_wait3A_516 = arith.constant 0 : i32
      %dma_wait3A_517 = tpu.memref_slice %arg4[%add3A, %dma_wait3A_515, %dma_wait3A_516] : memref<32x256x256xf32, #tpu.memory_space<hbm>> -> memref<1x256x256xf32, #tpu.memory_space<hbm>>
      %dma_wait3A_518 = tpu.memref_squeeze %dma_wait3A_517 : memref<1x256x256xf32, #tpu.memory_space<hbm>> -> memref<256x256xf32, #tpu.memory_space<hbm>>
      %dma_wait3A_519 = arith.constant 0 : i32
      %dma_wait3A_520 = arith.constant 0 : i32
      %dma_wait3A_521 = tpu.memref_slice %arg4[%add3A, %dma_wait3A_519, %dma_wait3A_520] : memref<32x256x256xf32, #tpu.memory_space<hbm>> -> memref<1x256x256xf32, #tpu.memory_space<hbm>>
      %dma_wait3A_522 = tpu.memref_squeeze %dma_wait3A_521 : memref<1x256x256xf32, #tpu.memory_space<hbm>> -> memref<256x256xf32, #tpu.memory_space<hbm>>
      tpu.wait_dma2 semaphore(%run_scoped3A : memref<!tpu.dma_semaphore, #tpu.memory_space<semaphore_mem>>) src(%arg5 : memref<256x256xf32, #tpu.memory_space<vmem>>) dst(%dma_wait3A_522 : memref<256x256xf32, #tpu.memory_space<hbm>>)
      tpu.yield
    }) : () -> ()
    return
  }
}

module attributes {stable_mosaic.version = 14 : i64} {
  func.func @_tc_body(%arg0: i32, %arg1: memref<32x256x256xf32, #tpu.memory_space<vmem>>, %arg2: memref<256x256xf32, #tpu.memory_space<vmem>>, %arg3: memref<1x256xf32, #tpu.memory_space<vmem>>, %arg4: memref<16x256x256xf32, #tpu.memory_space<vmem>>, %arg5: memref<256x256xf32, #tpu.memory_space<vmem>>) attributes {dimension_semantics = [#tpu.dimension_semantics<arbitrary>], iteration_bounds = array<i64: 16>, scalar_prefetch = 0 : i64, scratch_operands = 1 : i64, tpu.core_type = #tpu.core_type<tc>, window_params = [{pipeline_mode = #tpu.pipeline_mode<synchronous>, transform_indices = @transform_0, window_bounds = array<i64: 32, 256, 256>}, {pipeline_mode = #tpu.pipeline_mode<synchronous>, transform_indices = @transform_1, window_bounds = array<i64: 256, 256>}, {pipeline_mode = #tpu.pipeline_mode<synchronous>, transform_indices = @transform_2, window_bounds = array<i64: 1, 256>}, {transform_indices = @transform_3, window_bounds = array<i64: 16, 256, 256>}]} {
    %eq3A = arith.constant 0 : i32
    %eq3A_0 = arith.cmpi eq, %arg0, %eq3A : i32
    %convert_element_type3A = arith.extui %eq3A_0 : i1 to i32
    %cond3A = arith.constant 0 : i32
    %cond3A_1 = arith.cmpi ne, %convert_element_type3A, %cond3A : i32
    scf.if %cond3A_1 {
      %get3A_9 = arith.constant 0 : index
      %get3A_10 = arith.constant 0 : index
      %get3A_11 = arith.constant 0 : index
      %get3A_12 = vector.load %arg1[%get3A_9, %get3A_10, %get3A_11] : memref<32x256x256xf32, #tpu.memory_space<vmem>>, vector<32x256x256xf32>
      %reduce_sum3A = arith.constant dense<0.000000e+00> : vector<256x256xf32>
      %reduce_sum3A_13 = vector.multi_reduction <add>, %get3A_12, %reduce_sum3A [0] : vector<32x256x256xf32> to vector<256x256xf32>
      %get3A_14 = arith.constant 0 : index
      %get3A_15 = arith.constant 0 : index
      %get3A_16 = vector.load %arg2[%get3A_14, %get3A_15] : memref<256x256xf32, #tpu.memory_space<vmem>>, vector<256x256xf32>
      %dot_general3A = arith.constant dense<0.000000e+00> : vector<256x256xf32>
      %dot_general3A_17 = tpu.matmul %reduce_sum3A_13, %get3A_16, %dot_general3A {dimension_numbers = #tpu.dot_dimension_numbers<[1], [0], [0], [1], [0, 0, 1, 1], [], []>, precision = #tpu.contract_precision<fp32>, transpose_lhs_hint = false} : vector<256x256xf32>, vector<256x256xf32>, vector<256x256xf32> -> vector<256x256xf32>
      %get3A_18 = arith.constant 0 : index
      %get3A_19 = arith.constant 0 : index
      %get3A_20 = vector.load %arg3[%get3A_18, %get3A_19] : memref<1x256xf32, #tpu.memory_space<vmem>>, vector<1x256xf32>
      %add3A = vector.broadcast %get3A_20 : vector<1x256xf32> to vector<256x256xf32>
      %add3A_21 = arith.addf %dot_general3A_17, %add3A : vector<256x256xf32>
      %swap3A_22 = arith.constant 0 : index
      %swap3A_23 = arith.constant 0 : index
      %swap3A_24 = vector.load %arg5[%swap3A_22, %swap3A_23] : memref<256x256xf32, #tpu.memory_space<vmem>>, vector<256x256xf32>
      tpu.vector_store %arg5[%swap3A_22, %swap3A_23], %add3A_21 {strides = array<i32>} : memref<256x256xf32, #tpu.memory_space<vmem>>, vector<256x256xf32>,
    } else {
    }
    %get3A = arith.constant 0 : index
    %get3A_2 = arith.constant 0 : index
    %get3A_3 = vector.load %arg5[%get3A, %get3A_2] : memref<256x256xf32, #tpu.memory_space<vmem>>, vector<256x256xf32>
    %broadcast_in_dim3A = vector.shape_cast %get3A_3 : vector<256x256xf32> to vector<1x256x256xf32>
    %broadcast_in_dim3A_4 = vector.shape_cast %broadcast_in_dim3A : vector<1x256x256xf32> to vector<1x256x256xf32>
    %broadcast_in_dim3A_5 = vector.broadcast %broadcast_in_dim3A_4 : vector<1x256x256xf32> to vector<16x256x256xf32>
    %swap3A = arith.constant 0 : index
    %swap3A_6 = arith.constant 0 : index
    %swap3A_7 = arith.constant 0 : index
    %swap3A_8 = vector.load %arg4[%swap3A, %swap3A_6, %swap3A_7] : memref<16x256x256xf32, #tpu.memory_space<vmem>>, vector<16x256x256xf32>
    tpu.vector_store %arg4[%swap3A, %swap3A_6, %swap3A_7], %broadcast_in_dim3A_5 {strides = array<i32>} : memref<16x256x256xf32, #tpu.memory_space<vmem>>, vector<16x256x256xf32>,
    return
  }
  func.func @transform_0(%arg0: i32) -> (i32, i32, i32) {
    %c0_i32 = arith.constant 0 : i32
    %c0_i32_0 = arith.constant 0 : i32
    %c0_i32_1 = arith.constant 0 : i32
    %c0_i32_2 = arith.constant 0 : i32
    return %c0_i32, %c0_i32_0, %c0_i32_1 : i32, i32, i32
  }
  func.func @transform_1(%arg0: i32) -> (i32, i32) {
    %c0_i32 = arith.constant 0 : i32
    %c0_i32_0 = arith.constant 0 : i32
    %c0_i32_1 = arith.constant 0 : i32
    return %c0_i32, %c0_i32_0 : i32, i32
  }
  func.func @transform_2(%arg0: i32) -> (i32, i32) {
    %c0_i32 = arith.constant 0 : i32
    %c0_i32_0 = arith.constant 0 : i32
    %c0_i32_1 = arith.constant 0 : i32
    return %c0_i32, %c0_i32_0 : i32, i32
  }
  func.func @transform_3(%arg0: i32) -> (i32, i32, i32) {
    %c0_i32 = arith.constant 0 : i32
    %c0_i32_0 = arith.constant 0 : i32
    %c0_i32_1 = arith.constant 0 : i32
    return %arg0, %c0_i32, %c0_i32_0 : i32, i32, i32
  }
}

</mosaic_0001>

<sc_bundles>
// kernel: kernel.4.cloned.1.call-start
scs
__scs_entry_jumppad:
0x0: {  	(pc) =	sbr.rel $0x88, $3  }
0x1: {  	(tag) =	ssettag $0x0;
	lr =	simm.s32 $0x1  }
0x2: {  	[smem:$0x3F9D] =	sst lr;
	_ =	strace $0xD0000000  }
0x3: {  	_ = 	snop  }
0x4: {  	_ = 	snop  }
0x5: {  	_ = 	snop  }
0x6: {  	_ = 	snop  }
0x7: {  	_ = 	snop  }
__scs_overlays_trampoline_lowered:
0x8: {  	[smem:$0x3FAC] =	sst s0  }
0x9: {  	[smem:$0x3FAD] =	sst s1  }
0xa: {  	[smem:$0x3FAE] =	sst s2  }
0xb: {  	[smem:$0x3FAF] =	sst s3  }
0xc: {  	[smem:$0x3FB0] =	sst s4  }
0xd: {  	[smem:$0x3FB1] =	sst s5  }
0xe: {  	[smem:$0x3FB2] =	sst s6  }
0xf: {  	[smem:$0x3FB3] =	sst s7  }
0x10: {  	[smem:$0x3FB4] =	sst s8  }
0x11: {  	[smem:$0x3FB5] =	sst s9;
	s0 =	simm.s32 @!p0 $0x0  }
0x12: {  	s1 =	sld [smem:$0x3F9B];
	s0 =	simm.s32 @p0 $0x1  }
0x13: {  	[smem:$0x3FB6] =	sst s0;
	s0 =	simm.s32 @!p1 $0x0  }
0x14: {  	s2 =	sld [smem:$0x3F9A];
	s0 =	simm.s32 @p1 $0x1  }
0x15: {  	[smem:$0x3FB7] =	sst s0;
	s0 =	simm.s32 @!p2 $0x0  }
0x16: {  	s3 =	sld [smem:$0x3FDB];
	s0 =	simm.s32 @p2 $0x1  }
0x17: {  	s4 =	simm.s32 $0x1BF5;
	[smem:$0x3FB9] =	sst s0  }
0x18: {  	s0 =	sld [smem:$0x3F9C];
	_ =	swait.ge [sflag:s4], $0x0  }
0x19: {  	s7 =	sld [smem:$0x3F9D]  }
0x1a: {  	s8 =	sadd.s32 $0xFFFFE003, lr  }
0x1b: {  	s9 =	sadd.s32 $0xFFFFFEF7, lr;
	s5 =	simm.s32 $0xFFFFFFFF;
	p2 =	slt.u32 s8, $0xFFFFF086  }
0x1c: {  	p1 =	slt.u32 s9, $0xF7A;
	s5 =	simm.s32 @!p2 $0x0  }
0x1d: {  	s5 =	simm.s32 @p1 $0x1;
	p0 =	seq.s32 s7, s2  }
0x1e: {  	s7 =	smul.u32 @!p0 $0xF7A, s2;
	p2 =	seq.s32 @!p0 s5, $0x0  }
0x1f: {  	s9 =	smul.u32 $0xF7A, s1;
	s8 =	simm.s32 @!p0 $0x1BF5;
	p2 =	por !p2, p0  }
0x20: {  	[sflag:s8] =	ssyncset.s32 @!p0 $0xFFFFF086;
	s6 =	sadd.s32 @!p0 s3, s7;
	s7 =	simm.s32 @!p0 $0x108  }
0x21: {  	s3 =	sadd.s32 s3, s9;
	s6 =	sadd.s32 @!p0 $0x88, s6;
	s7 =	simm.s32 @p2 $0x1082  }
0x22: {  	[simem:s7], [sflag:s8] =	dma.local @!p0 [hbm:s6], $0xF7A  }
0x23: {  	s9 =	sor.u32 $0xD0000000, s2;
	s6 =	simm.s32 $0x108;
	_ =	swait.ge @!p0 [sflag:s8], $0x0  }
0x24: {  	s3 =	sadd.s32 $0x88, s3;
	s6 =	simm.s32 @!p1 $0x1082;
	[sflag:s4] =	ssyncset.s32 $0xFFFFF086  }
0x25: {  	[simem:s6], [sflag:s4] =	dma.local [hbm:s3], $0xF7A  }
0x26: {  	[smem:$0x3F9D] =	sst s1;
	(tag) =	ssettag s2;
	_ =	strace s9  }
0x27: {  	s1 =	sld [smem:$0x3FAD]  }
0x28: {  	s2 =	sld [smem:$0x3FAE]  }
0x29: {  	s4 =	sld [smem:$0x3FB0]  }
0x2a: {  	p0 =	seq.s32 s5, $0x0;
	s5 =	sld [smem:$0x3FB1]  }
0x2b: {  	s6 =	sld [smem:$0x3FB2]  }
0x2c: {  	s7 =	sld [smem:$0x3FB3]  }
0x2d: {  	s3 =	simm.s32 $0x108;
	s8 =	sld [smem:$0x3FB4]  }
0x2e: {  	s3 =	simm.s32 @!p0 $0x1082;
	s9 =	sld [smem:$0x3FB5]  }
0x2f: {  	lr =	sadd.s32 s0, s3;
	s0 =	sld [smem:$0x3FAC]  }
0x30: {  	s3 =	sld [smem:$0x3FAF]  }
0x31: {  	[smem:$0x3FB8] =	sst s10  }
0x32: {  	s10 =	sld [smem:$0x3FB6];
	_ =	sdelay $0x3  }
0x33: {  	p0 =	seq.s32 s10, $0x1;
	s10 =	sld [smem:$0x3FB8];
	_ =	sdelay $0x3  }
0x34: {  	[smem:$0x3FB8] =	sst s10  }
0x35: {  	s10 =	sld [smem:$0x3FB7];
	_ =	sdelay $0x3  }
0x36: {  	p1 =	seq.s32 s10, $0x1;
	s10 =	sld [smem:$0x3FB8];
	_ =	sdelay $0x3  }
0x37: {  	[smem:$0x3FB8] =	sst s10  }
0x38: {  	s10 =	sld [smem:$0x3FB9]  }
0x39: {  	_ = 	snop;
	(pc) =	sbr.ind lr, $3  }
0x3a: {  	_ = 	snop  }
0x3b: {  	_ = 	snop  }
0x3c: {  	p2 =	seq.s32 s10, $0x1;
	s10 =	sld [smem:$0x3FB8]  }
0x3d: {  	_ =	shalt  }
0x3e: {  	_ =	shalt  }
0x3f: {  	_ =	shalt  }
0x40: {  	_ =	shalt  }
0x41: {  	_ =	shalt  }
0x42: {  	_ =	shalt  }
0x43: {  	_ =	shalt  }
0x44: {  	_ =	shalt  }
0x45: {  	_ =	shalt  }
0x46: {  	_ =	shalt  }
0x47: {  	_ =	shalt  }
0x48: {  	_ =	shalt  }
0x49: {  	_ =	shalt  }
0x4a: {  	_ =	shalt  }
0x4b: {  	_ =	shalt  }
0x4c: {  	_ =	shalt  }
0x4d: {  	_ =	shalt  }
0x4e: {  	_ =	shalt  }
0x4f: {  	_ =	shalt  }
0x50: {  	_ =	shalt  }
0x51: {  	_ =	shalt  }
0x52: {  	_ =	shalt  }
0x53: {  	_ =	shalt  }
0x54: {  	_ =	shalt  }
0x55: {  	_ =	shalt  }
0x56: {  	_ =	shalt  }
0x57: {  	_ =	shalt  }
0x58: {  	_ =	shalt  }
0x59: {  	_ =	shalt  }
0x5a: {  	_ =	shalt  }
0x5b: {  	_ =	shalt  }
0x5c: {  	_ =	shalt  }
0x5d: {  	_ =	shalt  }
0x5e: {  	_ =	shalt  }
0x5f: {  	_ =	shalt  }
0x60: {  	_ =	shalt  }
0x61: {  	_ =	shalt  }
0x62: {  	_ =	shalt  }
0x63: {  	_ =	shalt  }
0x64: {  	_ =	shalt  }
0x65: {  	_ =	shalt  }
0x66: {  	_ =	shalt  }
0x67: {  	_ =	shalt  }
0x68: {  	_ =	shalt  }
0x69: {  	_ =	shalt  }
0x6a: {  	_ =	shalt  }
0x6b: {  	_ =	shalt  }
0x6c: {  	_ =	shalt  }
0x6d: {  	_ =	shalt  }
0x6e: {  	_ =	shalt  }
0x6f: {  	_ =	shalt  }
0x70: {  	_ =	shalt  }
0x71: {  	_ =	shalt  }
0x72: {  	_ =	shalt  }
0x73: {  	_ =	shalt  }
0x74: {  	_ =	shalt  }
0x75: {  	_ =	shalt  }
0x76: {  	_ =	shalt  }
0x77: {  	_ =	shalt  }
0x78: {  	_ =	shalt  }
0x79: {  	_ =	shalt  }
0x7a: {  	_ =	shalt  }
0x7b: {  	_ =	shalt  }
0x7c: {  	_ =	shalt  }
0x7d: {  	_ =	shalt  }
0x7e: {  	_ =	shalt  }
0x7f: {  	_ =	shalt  }
0x80: {  	_ =	shalt  }
0x81: {  	_ =	shalt  }
0x82: {  	_ =	shalt  }
0x83: {  	_ =	shalt  }
0x84: {  	_ =	shalt  }
0x85: {  	_ =	shalt  }
0x86: {  	_ =	shalt  }
0x87: {  	_ =	shalt  }
.Lfunc_end0:
.L_simem_size_0:
called_computation_lowered:
.L_overlay_start_0:
0x88: {  	s2 =	sld [smem:$0x3FD9]  }
0x89: {  	s3 =	sld [smem:$0x3FFE];
	_ =	sdelay $0x1  }
0x8a: {  	s1 =	srdreg.scid  }
0x8b: {  	s0 =	sand.u32 $0x1, s1  }
0x8c: {  	s18 =	sshll.u32 s0, $0xA;
	s2 =	sadd.s32 s3, s2  }
0x8d: {  	s2 =	sadd.s32 s2, s18  }
0x8e: {  	[smem:$0x3FC4] =	sst s2  }
0x8f: {  	_ = 	snop  }
0x90: {  	s2 =	sld [smem:$0x3FC8]  }
0x91: {  	s19 =	sld [smem:$0x3FC7]  }
0x92: {  	s4 =	sld [smem:$0x3FD0];
	(tm) =	ssettm $0x1  }
0x93: {  	s5 =	sld [smem:$0x3FFB];
	_ =	sdelay $0x3  }
0x94: {  	_ =	strace s5  }
0x95: {  	s5 =	sld [smem:$0x3FFC];
	_ =	sdelay $0x3  }
0x96: {  	_ =	strace s5  }
0x97: {  	s5 =	sld [smem:$0x3FFD];
	_ =	sdelay $0x3  }
0x98: {  	_ =	strace s5  }
0x99: {  	_ =	strace $0x8FFFFFFF  }
0x9a: {  	s20 =	sld [smem:$0x3FDB];
	_ =	sdelay $0x1  }
0x9b: {  	s6 =	simm.s32 $_scs_section_size  }
0x9c: {  	s7 =	simm.s32 $_size__tile_overlayer_lowered;
	s8 =	simm.s32 $_tile_overlayer_lowered  }
0x9d: {  	s23 =	simm.s32 $0x1BFF;
	s22 =	sshll.u32 s8, $0x1;
	s5 =	sadd.s32 s6, s20  }
0x9e: {  	s9 =	simm.s32 $0x0;
	s21 =	sshll.u32 s7, $0x1;
	s7 =	sadd.s32 s22, s5  }
0x9f: {  	[timem:s9], [sflag:s23] =	dma.local [hbm:s7], s21  }
0xa0: {  	_ =	swait.ge [sflag:s23], s21  }
0xa1: {  	s6 =	ssub.s32 $0x0, s21;
	[sflag:s23] =	ssyncset.done $0x0  }
0xa2: {  	[sflag:s23] =	ssyncadd.s32 s6;
	_ =	sdelay $0x1  }
0xa3: {  	s24 =	simm.s32 $0x1B8B  }
0xa4: {  	_ =	swait.ge [sflag:s24], $0x1  }
0xa5: {  	[sflag:s24] =	ssyncset.done $0x0  }
0xa6: {  	s25 =	simm.s32 $0x1B8E;
	[sflag:s24] =	ssyncadd.s32 $0xFFFFFFFF  }
0xa7: {  	s26 =	simm.s32 $execute0_lowered;
	[smem:$0x3FD2] =	sst s25  }
0xa8: {  	s6 =	sshll.u32 s26, $0x1;
	_ =	strace $0x80000046;
	[dreg:$0x1] =	wrdreg $0xFFFFFFFF  }
0xa9: {  	s28 =	simm.s32 $_size_execute0_lowered;
	s5 =	sadd.s32 s5, s6;
	[dreg:$0x0] =	wrdreg $0x0  }
0xaa: {  	s6 =	sshll.u32 s28, $0x1;
	[dreg:$0x2] =	wrdreg s5  }
0xab: {  	[dreg:$0x3] =	wrdreg s6  }
0xac: {  	[dreg:$0x4] =	wrdreg $0xC0  }
0xad: {  	_ =	task [dreg:s9], $0x5FFFF  }
0xae: {  	[dreg:$0x1] =	wrdreg $0xFFFFFFFF  }
0xaf: {  	[dreg:$0x0] =	wrdreg $0x60  }
0xb0: {  	[dreg:$0x2] =	wrdreg s2  }
0xb1: {  	[dreg:$0x3] =	wrdreg s19  }
0xb2: {  	[dreg:$0x4] =	wrdreg s4  }
0xb3: {  	[dreg:$0x5] =	wrdreg $0x9  }
0xb4: {  	_ =	task.clear_ibuf [dreg:s9], $0x6FFFF;
	_ =	strace $0x90000046  }
0xb5: {  	s29 =	simm.s32 $0x9;
	_ =	strace $0x80000048  }
0xb6: {  	_ =	swait.ge [sflag:s29], $0x1  }
0xb7: {  	[sflag:s29] =	ssyncadd.s32 $0xFFFFFFFF  }
0xb8: {  	_ =	strace $0x90000048  }
0xb9: {  	_ =	sfence  }
0xba: {  	s30 =	sld [smem:$0x0];
	_ =	sdelay $0x2  }
0xbb: {  	s31 =	sshll.u32 s1, $0xD;
	s1 =	sshrl.u32 s1, $0x2  }
0xbc: {  	s3 =	sand.u32 $0x4000, s31;
	s1 =	sadd.s32 s1, s30  }
0xbd: {  	s0 =	sor.u32 s3, s0;
	s1 =	sshll.u32 s1, $0x11  }
0xbe: {  	s0 =	sor.u32 s1, s0  }
0xbf: {  	s0 =	sadd.s32 $0x8F2B, s0  }
0xc0: {  	[sflag:s0] =	ssyncadd.remote.s32 $0x1  }
0xc1: {  	_ =	sfence.sel $0xFFFF  }
0xc2: {  	[dreg:$0x0] =	wrdreg $0xFFFFFFFF;
	(pc) =	sbr.abs _section_cstart, $3  }
0xc3: {  	[dreg:$0x1] =	wrdreg $0xFFFFFFFF  }
0xc4: {  	_ =	task.clear_ibuf [dreg:s9], $0x2FFFF;
	_ =	strace $0x9FFFFFFF  }
0xc5: {  	(tm) =	ssettm $0x7FFFFFFF  }
tec
execute0_lowered:
.L_overlay_start_1:
0x0: {  	(tag) =	ssettag $0x1  }
0x1: {  	s17 =	rddreg [dreg:$0x0]  }
0x2: {  	s18 =	rddreg [dreg:$0x1]  }
0x3: {  	s19 =	rddreg [dreg:$0x2];
	s1 =	srdreg.scid  }
0x4: {  	s2 =	simm.s32 $0x0;
	s0 =	stileid.u32;
	s3 =	sand.u32 $0x1, s1  }
0x5: {  	[smem:$0x7FF] =	sst s2;
	s6 =	sshll.u32 s0, $0x1;
	s4 =	ssub.s32 $0x2, s3  }
0x6: {  	_ =	strace $0x80000047;
	s3 =	sor.u32 s3, s6;
	s5 =	sshrl.u32 s4, $0x1  }
0x7: {  	s21 =	sshll.u32 s3, $0xD;
	s12 =	sshll.u32 s3, $0xC;
	s15 =	sshll.u32 s3, $0x8  }
0x8: {  	s20 =	ssub.s32 s4, s5;
	s13 =	sadd.s32 s17, s21;
	s4 =	sadd.s32 s18, s12  }
0x9: {  	s14 =	sor.u32 $0x20, s15;
	s8 =	sor.u32 $0x40, s15;
	s9 =	sor.u32 $0x60, s15  }
0xa: {  	s26 =	sor.u32 $0x80, s15;
	s19 =	sadd.s32 s19, s21;
	s21 =	simm.s32 $0x10000  }
0xb: {  	[dreg:$0x4] =	wrdreg s13;
	s16 =	sshll.u32 s14, $0x5;
	s7 =	sshll.u32 s14, $0x4  }
0xc: {  	s23 =	sshll.u32 s8, $0x5;
	s8 =	sshll.u32 s8, $0x4;
	s10 =	sshll.u32 s9, $0x5  }
0xd: {  	s11 =	sshll.u32 s9, $0x4;
	s12 =	sshll.u32 s26, $0x5;
	s13 =	sshll.u32 s26, $0x4  }
0xe: {  	s14 =	sor.u32 $0xA0, s15;
	s20 =	smax.u32 s20, $0x1;
	s26 =	simm.s32 $0x0  }
0xf: {  	s22 =	sadd.s32 s17, s16;
	s6 =	sadd.s32 s18, s7;
	s24 =	sadd.s32 s17, s23  }
0x10: {  	s8 =	sadd.s32 s18, s8;
	s25 =	sadd.s32 s17, s10;
	s10 =	sadd.s32 s18, s11  }
0x11: {  	s28 =	sadd.s32 s17, s12;
	s12 =	sadd.s32 s18, s13;
	[dreg:$0x5] =	wrdreg s22  }
0x12: {  	s29 =	sshll.u32 s14, $0x5;
	s14 =	sshll.u32 s14, $0x4;
	[dreg:$0x6] =	wrdreg s24  }
0x13: {  	s16 =	sor.u32 $0xC0, s15;
	s23 =	sor.u32 $0xE0, s15;
	[dreg:$0x7] =	wrdreg s25  }
0x14: {  	[dreg:$0x8] =	wrdreg s28;
	s13 =	sadd.s32 s17, s29;
	s14 =	sadd.s32 s18, s14  }
0x15: {  	s22 =	sshll.u32 s16, $0x5;
	s16 =	sshll.u32 s16, $0x4;
	s30 =	sshll.u32 s23, $0x5  }
0x16: {  	s31 =	sshll.u32 s23, $0x4;
	s23 =	simm.s32 $0x1;
	s24 =	simm.s32 $0x2  }
0x17: {  	s25 =	simm.s32 $0x3;
	s15 =	sadd.s32 s17, s22;
	s16 =	sadd.s32 s18, s16  }
0x18: {  	v0 =	vimm.f32 $0.0e+00;
	s17 =	sadd.s32 s17, s30;
	s18 =	sadd.s32 s18, s31;
	s22 =	simm.s32 $0x12000  }
.LBB2_1:
0x19: {  	s0 =	rddreg [dreg:$0x4];
	s28 =	simm.s32 $0x14000;
	s29 =	simm.s32 $0x0  }
0x1a: {  	[tilespmem:s21], [sflag:$0x1] =	stream.linear.gather [hbm4b:s0+s2], $0x2000, $0x38;
	[tilespmem:$0x16000] =	vst v63  }
.LBB2_2:
0x1b: {  	p0 =	sne.s32 s29, $0x1F0  }
.Ltmp0:
0x1c: {  	_ = 	snop;
	(pc) =	sbr.rel @p0 .LBB2_2-.Ltmp0, $4  }
0x1d: {  	_ = 	snop  }
0x1e: {  	s31 =	sadd.s32 s29, s4;
	s30 =	simm.s32 $0x0  }
0x1f: {  	[tilespmem:s28], [sflag:$0x1] =	stream.linear.gather [hbm4b:s31+s30], $0x80, $0x38;
	[tilespmem:$0x16000] =	vst v63  }
0x20: {  	s29 =	sadd.s32 $0x10, s29;
	s28 =	sadd.s32 $0x100, s28  }
0x21: {  	s28 =	sand.u32 $0xF800, s30;
	s29 =	sand.u32 $0x300, s30  }
0x22: {  	s28 =	sor.u32 s29, s28  }
0x23: {  	[tilespmem:s28+$0x4F0] =	vst v0  }
0x24: {  	[tilespmem:s28+$0x0] =	vst v0  }
0x25: {  	[tilespmem:s28+$0x10] =	vst v0  }
0x26: {  	[tilespmem:s28+$0x20] =	vst v0  }
0x27: {  	[tilespmem:s28+$0x30] =	vst v0  }
0x28: {  	[tilespmem:s28+$0x40] =	vst v0  }
0x29: {  	[tilespmem:s28+$0x50] =	vst v0  }
0x2a: {  	[tilespmem:s28+$0x60] =	vst v0  }
0x2b: {  	[tilespmem:s28+$0x70] =	vst v0  }
0x2c: {  	[tilespmem:s28+$0x400] =	vst v0  }
0x2d: {  	[tilespmem:s28+$0x410] =	vst v0  }
0x2e: {  	[tilespmem:s28+$0x420] =	vst v0  }
0x2f: {  	[tilespmem:s28+$0x430] =	vst v0  }
0x30: {  	[tilespmem:s28+$0x440] =	vst v0  }
0x31: {  	[tilespmem:s28+$0x450] =	vst v0  }
0x32: {  	[tilespmem:s28+$0x460] =	vst v0  }
0x33: {  	[tilespmem:s28+$0x470] =	vst v0  }
0x34: {  	[tilespmem:s28+$0x80] =	vst v0  }
0x35: {  	[tilespmem:s28+$0x90] =	vst v0  }
0x36: {  	[tilespmem:s28+$0xA0] =	vst v0  }
0x37: {  	[tilespmem:s28+$0xB0] =	vst v0  }
0x38: {  	[tilespmem:s28+$0xC0] =	vst v0  }
0x39: {  	[tilespmem:s28+$0xD0] =	vst v0  }
0x3a: {  	[tilespmem:s28+$0xE0] =	vst v0  }
0x3b: {  	[tilespmem:s28+$0xF0] =	vst v0  }
0x3c: {  	[tilespmem:s28+$0x480] =	vst v0  }
0x3d: {  	[tilespmem:s28+$0x490] =	vst v0  }
0x3e: {  	[tilespmem:s28+$0x4A0] =	vst v0  }
0x3f: {  	[tilespmem:s28+$0x4B0] =	vst v0  }
0x40: {  	s30 =	simm.s32 $0x100;
	s31 =	simm.s32 $0x200;
	s29 =	simm.s32 $0x0;
	[tilespmem:s28+$0x4C0] =	vst v0  }
.LBB2_4:
0x41: {  	s0 =	sand.u32 $0xF800, s31;
	s1 =	sand.u32 $0x300, s30;
	s29 =	sadd.s32 $0x2, s29;
	[tilespmem:s28+$0x4D0] =	vst v0  }
0x42: {  	p0 =	slt.u32 s29, $0xFE;
	[tilespmem:s28+$0x4E0] =	vst v0;
	s28 =	sor.u32 s1, s0  }
0x43: {  	[tilespmem:s28+$0x4F0] =	vst v0  }
0x44: {  	[tilespmem:s28+$0x0] =	vst v0  }
0x45: {  	[tilespmem:s28+$0x10] =	vst v0  }
0x46: {  	[tilespmem:s28+$0x20] =	vst v0  }
0x47: {  	[tilespmem:s28+$0x30] =	vst v0  }
0x48: {  	[tilespmem:s28+$0x40] =	vst v0  }
0x49: {  	[tilespmem:s28+$0x50] =	vst v0  }
0x4a: {  	[tilespmem:s28+$0x60] =	vst v0  }
0x4b: {  	[tilespmem:s28+$0x70] =	vst v0  }
0x4c: {  	[tilespmem:s28+$0x400] =	vst v0  }
0x4d: {  	[tilespmem:s28+$0x410] =	vst v0  }
0x4e: {  	[tilespmem:s28+$0x420] =	vst v0  }
0x4f: {  	[tilespmem:s28+$0x430] =	vst v0  }
0x50: {  	[tilespmem:s28+$0x440] =	vst v0  }
0x51: {  	[tilespmem:s28+$0x450] =	vst v0  }
0x52: {  	[tilespmem:s28+$0x460] =	vst v0  }
0x53: {  	[tilespmem:s28+$0x470] =	vst v0  }
0x54: {  	[tilespmem:s28+$0x80] =	vst v0  }
0x55: {  	[tilespmem:s28+$0x90] =	vst v0  }
0x56: {  	[tilespmem:s28+$0xA0] =	vst v0  }
0x57: {  	[tilespmem:s28+$0xB0] =	vst v0  }
0x58: {  	[tilespmem:s28+$0xC0] =	vst v0  }
0x59: {  	[tilespmem:s28+$0xD0] =	vst v0  }
0x5a: {  	[tilespmem:s28+$0xE0] =	vst v0  }
0x5b: {  	[tilespmem:s28+$0xF0] =	vst v0  }
.Ltmp1:
0x5c: {  	[tilespmem:s28+$0x480] =	vst v0;
	(pc) =	sbr.rel @p0 .LBB2_4-.Ltmp1, $4  }
0x5d: {  	[tilespmem:s28+$0x490] =	vst v0  }
0x5e: {  	[tilespmem:s28+$0x4A0] =	vst v0  }
0x5f: {  	[tilespmem:s28+$0x4B0] =	vst v0  }
0x60: {  	s30 =	sadd.s32 $0x100, s30;
	s31 =	sadd.s32 $0x200, s31;
	[tilespmem:s28+$0x4C0] =	vst v0  }
0x61: {  	[tilespmem:s28+$0x4D0] =	vst v0  }
0x62: {  	[tilespmem:s28+$0x4E0] =	vst v0;
	s0 =	simm.s32 $0x0;
	s28 =	simm.s32 $0x14080;
	s29 =	simm.s32 $0x10  }
0x63: {  	s31 =	sadd.s32 $0x0, s6;
	s30 =	simm.s32 $0x14180;
	s1 =	rddreg [dreg:$0x5]  }
0x64: {  	[tilespmem:s22], [sflag:$0x2] =	stream.linear.gather [hbm4b:s1+s0], $0x2000, $0x38;
	[tilespmem:$0x16000] =	vst v63  }
.LBB2_6:
0x65: {  	[tilespmem:s28], [sflag:$0x2] =	stream.linear.gather [hbm4b:s31+s2], $0x80, $0x38;
	[tilespmem:$0x16000] =	vst v63  }
0x66: {  	s0 =	smov.u32 s29;
	s28 =	smov.u32 s30;
	p0 =	sne.s32 s29, $0x1F0  }
.Ltmp2:
0x67: {  	s29 =	sadd.s32 $0x10, s29;
	(pc) =	sbr.rel @p0 .LBB2_6-.Ltmp2, $2  }
0x68: {  	_ =	sdelay $0x2  }
0x69: {  	s30 =	sadd.s32 $0x100, s30;
	s31 =	sadd.s32 s0, s6  }
0x6a: {  	[tilespmem:s28], [sflag:$0x2] =	stream.linear.gather [hbm4b:s31+s2], $0x80, $0x38;
	[tilespmem:$0x16000] =	vst v63  }
0x6b: {  	_ =	swait.ge [sflag:s23], $0x2000  }
0x6c: {  	p0 =	por $0x0, $0x0;
	s0 =	simm.s32 $0x1;
	[sflag:s23] =	ssyncset.done $0x0  }
0x6d: {  	s1 =	simm.s32 $0x0;
	s0 =	simm.s32 @!p0 $0x0;
	[sflag:s23] =	ssyncadd.s32 $0xFFFFE000  }
0x6e: {  	s28 =	sand.u32 $0x40, s1;
	s0 =	sshll.u32 s0, $0x6;
	_ =	swait.ge [sflag:s23], $0x1000  }
0x6f: {  	s1 =	sand.u32 $0x1F00, s1;
	s0 =	sadd.s32 $0x0, s0;
	[sflag:s23] =	ssyncset.done $0x0  }
0x70: {  	s1 =	sor.u32 s28, s1;
	s28 =	sadd.s32 $0x30, s0;
	[sflag:s23] =	ssyncadd.s32 $0xFFFFF000  }
0x71: {  	s28 =	sor.u32 $0x80, s28;
	v1 =	vld [tilespmem:s1+$0x10030]  }
0x72: {  	s29 =	sadd.s32 $0x20, s0;
	v2 =	vld [tilespmem:s28+$0x10000]  }
0x73: {  	s29 =	sor.u32 $0x80, s29  }
0x74: {  	v7 =	vld [tilespmem:s29+$0x10000]  }
0x75: {  	s28 =	sadd.s32 $0x10, s0;
	s0 =	sor.u32 $0x80, s0;
	v8 =	vld [tilespmem:s1+$0x10000]  }
0x76: {  	s28 =	sor.u32 $0x80, s28;
	v6 =	vld [tilespmem:s0+$0x10000]  }
0x77: {  	v4 =	vld [tilespmem:s28+$0x10000];
	v3 =	vshll.u32 v1, $0x8;
	v5 =	vshll.u32 v2, $0x3  }
0x78: {  	p0 =	por !p0, !p0;
	v9 =	vld [tilespmem:s1+$0x10010];
	s0 =	simm.s32 $0x1;
	v1 =	vshll.u32 v1, $0x7;
	v3 =	vand.u32 $0xFFFFF800, v3;
	v5 =	vand.u32 $0xFFFFFC00, v5  }
0x79: {  	v10 =	vld [tilespmem:s1+$0x14030];
	s0 =	simm.s32 @!p0 $0x0;
	v1 =	vand.u32 $0x380, v1;
	v3 =	vadd.s32 v3, v5  }
0x7a: {  	s0 =	sshll.u32 s0, $0x6;
	v2 =	vand.u32 $0x7F, v2;
	v13 =	vshll.u32 v8, $0x8;
	v5 =	vld [tilespmem:s1+$0x10020];
	v1 =	vor.u32 v1, v3  }
0x7b: {  	s29 =	simm.s32 $0x40;
	s28 =	simm.s32 $0x80;
	s0 =	sadd.s32 $0x80, s0;
	v8 =	vshll.u32 v8, $0x7;
	v14 =	vshll.u32 v6, $0x3;
	v3 =	vld [tilespmem:s1+$0x14010];
	v11 =	vor.u32 v2, v1  }
0x7c: {  	s9 =	sand.u32 $0x40, s29;
	s30 =	sand.u32 $0x1F00, s28;
	s3 =	sadd.s32 $0x20, s0;
	v13 =	vand.u32 $0xFFFFF800, v13;
	v14 =	vand.u32 $0xFFFFFC00, v14;
	v1 =	vld [tilespmem:s1+$0x14000];
	v2 =	vshll.u32 v4, $0x3  }
0x7d: {  	v8 =	vand.u32 $0x380, v8;
	s3 =	sor.u32 $0x80, s3;
	v13 =	vadd.s32 v13, v14;
	v16 =	vand.u32 $0xFFFFFC00, v2;
	v2 =	vld [tilespmem:s1+$0x14020];
	s1 =	sor.u32 s9, s30;
	s30 =	sadd.s32 $0x30, s0  }
0x7e: {  	v8 =	vor.u32 v8, v13;
	v13 =	vand.u32 $0x7F, v4;
	v4 =	vld [tilespmem:s3+$0x10000];
	s30 =	sor.u32 $0x80, s30  }
0x7f: {  	v12 =	vshll.u32 v7, $0x3;
	v15 =	vshll.u32 v9, $0x8;
	v9 =	vshll.u32 v9, $0x7;
	v14 =	vld [tilespmem:s30+$0x10000]  }
0x80: {  	s11 =	sadd.s32 $0x10, s0;
	v12 =	vand.u32 $0xFFFFFC00, v12;
	v15 =	vand.u32 $0xFFFFF800, v15;
	v17 =	vshll.u32 v5, $0x8;
	[tilespmem:v11+s2+$0x0] =	vst.idx.add.f32.msk $0xffff, v10  }
0x81: {  	s31 =	sor.u32 $0x80, s11;
	v10 =	vand.u32 $0xFFFFF800, v17;
	v11 =	vadd.s32 v15, v16;
	v15 =	vld [tilespmem:s1+$0x10030];
	v16 =	vshll.u32 v5, $0x7  }
0x82: {  	v9 =	vand.u32 $0x380, v9;
	v5 =	vld [tilespmem:s31+$0x10000];
	v10 =	vadd.s32 v10, v12;
	v12 =	vand.u32 $0x380, v16  }
0x83: {  	s0 =	sor.u32 $0x80, s0;
	v23 =	vshll.u32 v4, $0x3;
	v9 =	vor.u32 v9, v11;
	v16 =	vld [tilespmem:s1+$0x10000];
	v11 =	vor.u32 v12, v10  }
0x84: {  	v12 =	vand.u32 $0x7F, v6;
	v6 =	vld [tilespmem:s0+$0x10000];
	v10 =	vor.u32 v13, v9;
	v9 =	vand.u32 $0x7F, v7  }
0x85: {  	v7 =	vor.u32 v12, v8;
	v8 =	vor.u32 v9, v11;
	v12 =	vld [tilespmem:s1+$0x10010];
	v11 =	vshll.u32 v14, $0x3  }
0x86: {  	v13 =	vld [tilespmem:s1+$0x10020];
	v14 =	vand.u32 $0x7F, v14;
	v17 =	vand.u32 $0xFFFFFC00, v11;
	v9 =	vshll.u32 v15, $0x8  }
0x87: {  	v11 =	vld [tilespmem:s1+$0x14000];
	v15 =	vshll.u32 v15, $0x7;
	v18 =	vshll.u32 v5, $0x3;
	v9 =	vand.u32 $0xFFFFF800, v9  }
0x88: {  	v15 =	vand.u32 $0x380, v15;
	v21 =	vshll.u32 v16, $0x8;
	v17 =	vadd.s32 v9, v17;
	v9 =	vld [tilespmem:s1+$0x14010]  }
0x89: {  	v19 =	vand.u32 $0xFFFFFC00, v18;
	v18 =	vand.u32 $0xFFFFFC00, v23;
	v17 =	vor.u32 v15, v17;
	v15 =	vld [tilespmem:s1+$0x14030]  }
0x8a: {  	p0 =	por !p0, !p0;
	s30 =	simm.s32 $0x4;
	v22 =	vshll.u32 v6, $0x3;
	v20 =	vshll.u32 v12, $0x8;
	v17 =	vor.u32 v14, v17;
	v14 =	vld [tilespmem:s1+$0x14020]  }
.LBB2_8:
0x8b: {  	s0 =	simm.s32 $0x1  }
0x8c: {  	s30 =	sadd.s32 $0x4, s30;
	v21 =	vand.u32 $0xFFFFF800, v21;
	v22 =	vand.u32 $0xFFFFFC00, v22;
	v23 =	vshll.u32 v13, $0x8;
	s28 =	sadd.s32 $0x80, s28;
	[tilespmem:v10+s2+$0x0] =	vst.idx.add.f32.msk $0xffff, v3;
	s0 =	simm.s32 @!p0 $0x0  }
0x8d: {  	v3 =	vshll.u32 v16, $0x7;
	v10 =	vand.u32 $0xFFFFF800, v20;
	s29 =	sadd.s32 $0x40, s29;
	p1 =	slt.u32 s30, $0xFC;
	v16 =	vand.u32 $0xFFFFF800, v23;
	s0 =	sshll.u32 s0, $0x6;
	[tilespmem:v8+s2+$0x0] =	vst.idx.add.f32.msk $0xffff, v2  }
0x8e: {  	s1 =	sand.u32 $0x40, s29;
	s3 =	sand.u32 $0x1F00, s28;
	v8 =	vadd.s32 v10, v19;
	v19 =	vshll.u32 v12, $0x7;
	v10 =	vshll.u32 v13, $0x7;
	s0 =	sadd.s32 s0, s28;
	[tilespmem:v7+s2+$0x0] =	vst.idx.add.f32.msk $0xffff, v1;
	v1 =	vmovc v11  }
0x8f: {  	s31 =	sor.u32 s1, s3;
	v13 =	vand.u32 $0x380, v3;
	v7 =	vadd.s32 v21, v22;
	v11 =	vadd.s32 v16, v18;
	s1 =	sadd.s32 $0x10, s0;
	s3 =	sadd.s32 $0x30, s0;
	[tilespmem:v17+s2+$0x0] =	vst.idx.add.f32.msk $0xffff, v15  }
0x90: {  	v12 =	vand.u32 $0x380, v19;
	v10 =	vand.u32 $0x380, v10;
	v3 =	vmovc v9;
	s5 =	sadd.s32 $0x20, s0;
	v7 =	vor.u32 v13, v7;
	v2 =	vmovc v14;
	s1 =	sor.u32 $0x80, s1;
	v15 =	vld [tilespmem:s31+$0x10030];
	s3 =	sor.u32 $0x80, s3  }
0x91: {  	v9 =	vand.u32 $0x7F, v5;
	s0 =	sor.u32 $0x80, s0;
	v8 =	vor.u32 v12, v8;
	v11 =	vor.u32 v10, v11;
	s5 =	sor.u32 $0x80, s5;
	v14 =	vld [tilespmem:s3+$0x10000]  }
0x92: {  	v6 =	vand.u32 $0x7F, v6;
	v10 =	vor.u32 v9, v8;
	v8 =	vand.u32 $0x7F, v4;
	v5 =	vld [tilespmem:s1+$0x10000]  }
0x93: {  	v7 =	vor.u32 v6, v7;
	v8 =	vor.u32 v8, v11;
	v4 =	vld [tilespmem:s5+$0x10000]  }
0x94: {  	v6 =	vld [tilespmem:s0+$0x10000]  }
0x95: {  	v16 =	vld [tilespmem:s31+$0x10000]  }
0x96: {  	v9 =	vshll.u32 v15, $0x8;
	v12 =	vld [tilespmem:s31+$0x10010];
	v11 =	vshll.u32 v14, $0x3  }
.Ltmp3:
0x97: {  	v15 =	vshll.u32 v15, $0x7;
	v9 =	vand.u32 $0xFFFFF800, v9;
	v13 =	vld [tilespmem:s31+$0x10020];
	v17 =	vand.u32 $0xFFFFFC00, v11;
	(pc) =	sbr.rel @p1 .LBB2_8-.Ltmp3, $4  }
0x98: {  	v15 =	vand.u32 $0x380, v15;
	v18 =	vshll.u32 v5, $0x3;
	v11 =	vld [tilespmem:s31+$0x14000];
	v17 =	vadd.s32 v9, v17  }
0x99: {  	v14 =	vand.u32 $0x7F, v14;
	v23 =	vshll.u32 v4, $0x3;
	v9 =	vld [tilespmem:s31+$0x14010];
	v17 =	vor.u32 v15, v17  }
0x9a: {  	v22 =	vshll.u32 v6, $0x3;
	v21 =	vshll.u32 v16, $0x8;
	v15 =	vld [tilespmem:s31+$0x14030];
	v17 =	vor.u32 v14, v17  }
0x9b: {  	p0 =	por !p0, !p0;
	v19 =	vand.u32 $0xFFFFFC00, v18;
	v18 =	vand.u32 $0xFFFFFC00, v23;
	v20 =	vshll.u32 v12, $0x8;
	v14 =	vld [tilespmem:s31+$0x14020]  }
0x9c: {  	v21 =	vand.u32 $0xFFFFF800, v21  }
0x9d: {  	v22 =	vand.u32 $0xFFFFFC00, v22;
	v23 =	vshll.u32 v13, $0x8;
	v20 =	vand.u32 $0xFFFFF800, v20  }
0x9e: {  	v16 =	vshll.u32 v16, $0x7;
	v12 =	vshll.u32 v12, $0x7;
	v62 =	vshll.u32 v13, $0x7  }
0x9f: {  	v5 =	vand.u32 $0x7F, v5;
	v6 =	vand.u32 $0x7F, v6;
	v23 =	vand.u32 $0xFFFFF800, v23  }
0xa0: {  	v19 =	vadd.s32 v20, v19;
	v63 =	vadd.s32 v21, v22;
	v12 =	vand.u32 $0x380, v12  }
0xa1: {  	[tilespmem:v10+s2+$0x0] =	vst.idx.add.f32.msk $0xffff, v3;
	v16 =	vand.u32 $0x380, v16;
	v13 =	vand.u32 $0x380, v62;
	v12 =	vor.u32 v12, v19  }
0xa2: {  	v18 =	vadd.s32 v23, v18;
	v3 =	vor.u32 v16, v63;
	v5 =	vor.u32 v5, v12  }
0xa3: {  	v4 =	vand.u32 $0x7F, v4;
	[tilespmem:v8+s2+$0x0] =	vst.idx.add.f32.msk $0xffff, v2;
	v13 =	vor.u32 v13, v18;
	v2 =	vor.u32 v6, v3  }
0xa4: {  	v4 =	vor.u32 v4, v13  }
0xa5: {  	[tilespmem:v7+s2+$0x0] =	vst.idx.add.f32.msk $0xffff, v1  }
0xa6: {  	[tilespmem:v17+s2+$0x0] =	vst.idx.add.f32.msk $0xffff, v15  }
0xa7: {  	[tilespmem:v5+s2+$0x0] =	vst.idx.add.f32.msk $0xffff, v9  }
0xa8: {  	[tilespmem:v2+s2+$0x0] =	vst.idx.add.f32.msk $0xffff, v11  }
0xa9: {  	s0 =	simm.s32 $0x0;
	s28 =	simm.s32 $0x14000;
	s29 =	simm.s32 $0x10;
	[tilespmem:v4+s2+$0x0] =	vst.idx.add.f32.msk $0xffff, v14  }
0xaa: {  	s31 =	sadd.s32 $0x0, s8;
	s30 =	simm.s32 $0x14100;
	s1 =	rddreg [dreg:$0x6]  }
0xab: {  	[tilespmem:s21], [sflag:$0x1] =	stream.linear.gather [hbm4b:s1+s0], $0x2000, $0x38;
	[tilespmem:$0x16000] =	vst v63  }
.LBB2_10:
0xac: {  	[tilespmem:s28], [sflag:$0x1] =	stream.linear.gather [hbm4b:s31+s2], $0x80, $0x38;
	[tilespmem:$0x16000] =	vst v63  }
0xad: {  	s0 =	smov.u32 s29;
	s28 =	smov.u32 s30;
	p0 =	sne.s32 s29, $0x1F0  }
.Ltmp4:
0xae: {  	s29 =	sadd.s32 $0x10, s29;
	(pc) =	sbr.rel @p0 .LBB2_10-.Ltmp4, $2  }
0xaf: {  	_ =	sdelay $0x2  }
0xb0: {  	s30 =	sadd.s32 $0x100, s30;
	s31 =	sadd.s32 s0, s8  }
0xb1: {  	[tilespmem:s28], [sflag:$0x1] =	stream.linear.gather [hbm4b:s31+s2], $0x80, $0x38;
	[tilespmem:$0x16000] =	vst v63  }
0xb2: {  	_ =	swait.ge [sflag:s24], $0x2000  }
0xb3: {  	[sflag:s24] =	ssyncset.done $0x0  }
0xb4: {  	s0 =	simm.s32 $0x0;
	[sflag:s24] =	ssyncadd.s32 $0xFFFFE000  }
0xb5: {  	s1 =	sand.u32 $0x40, s0;
	s0 =	sand.u32 $0x1F00, s0;
	_ =	swait.ge [sflag:s24], $0x1000  }
0xb6: {  	s3 =	sor.u32 $0x12000, s0;
	s5 =	sor.u32 $0x30, s1;
	[sflag:s24] =	ssyncset.done $0x0  }
0xb7: {  	s0 =	sor.u32 $0x12080, s0;
	s28 =	sor.u32 s5, s3;
	[sflag:s24] =	ssyncadd.s32 $0xFFFFF000  }
0xb8: {  	s5 =	sor.u32 s5, s0;
	v1 =	vld [tilespmem:s28+$0x0]  }
0xb9: {  	v2 =	vld [tilespmem:s5+$0x0];
	_ =	sdelay $0x1  }
0xba: {  	p0 =	por $0x0, $0x0;
	s9 =	sor.u32 s1, s3  }
0xbb: {  	s29 =	sor.u32 s1, s0;
	s28 =	sor.u32 $0x10, s1;
	v3 =	vld [tilespmem:s9+$0x0];
	s5 =	simm.s32 $0x1  }
0xbc: {  	v4 =	vld [tilespmem:s29+$0x0];
	s30 =	sor.u32 s28, s3;
	s5 =	simm.s32 @!p0 $0x0  }
0xbd: {  	s1 =	sor.u32 $0x20, s1;
	s28 =	sor.u32 s28, s0;
	v5 =	vld [tilespmem:s30+$0x0];
	s5 =	sshll.u32 s5, $0x6;
	v6 =	vshll.u32 v1, $0x8;
	v7 =	vshll.u32 v2, $0x3  }
0xbe: {  	s3 =	sor.u32 s1, s3;
	v8 =	vld [tilespmem:s28+$0x0];
	s5 =	sadd.s32 $0x0, s5;
	v1 =	vshll.u32 v1, $0x7;
	v6 =	vand.u32 $0xFFFFF800, v6;
	v7 =	vand.u32 $0xFFFFFC00, v7  }
0xbf: {  	s9 =	simm.s32 $0x80;
	s0 =	sor.u32 s1, s0;
	v9 =	vld [tilespmem:s3+$0x0];
	s11 =	sadd.s32 $0x30, s5;
	v1 =	vand.u32 $0x380, v1;
	v6 =	vadd.s32 v6, v7  }
0xc0: {  	s3 =	sadd.s32 $0x10, s5;
	s7 =	sadd.s32 $0x20, s5;
	s1 =	sor.u32 $0x80, s11;
	v2 =	vand.u32 $0x7F, v2;
	v7 =	vld [tilespmem:s0+$0x0];
	v1 =	vor.u32 v1, v6  }
0xc1: {  	s5 =	sor.u32 $0x80, s5;
	v10 =	vshll.u32 v4, $0x3;
	s11 =	simm.s32 $0x40;
	v6 =	vld [tilespmem:s1+$0x14000];
	s1 =	sor.u32 $0x80, s3;
	v2 =	vor.u32 v2, v1  }
0xc2: {  	v4 =	vand.u32 $0x7F, v4;
	v10 =	vand.u32 $0xFFFFFC00, v10;
	s0 =	sor.u32 $0x80, s7;
	s3 =	sand.u32 $0x40, s11;
	v12 =	vld [tilespmem:s1+$0x14000];
	s1 =	sand.u32 $0x1F00, s9  }
0xc3: {  	v16 =	vld [tilespmem:s5+$0x14000];
	v11 =	vshll.u32 v5, $0x8;
	v13 =	vshll.u32 v8, $0x3;
	v1 =	vshll.u32 v3, $0x8;
	s7 =	sor.u32 $0x30, s3;
	s11 =	sor.u32 $0x12000, s1;
	s1 =	sor.u32 $0x12080, s1  }
0xc4: {  	v11 =	vand.u32 $0xFFFFF800, v11;
	v13 =	vand.u32 $0xFFFFFC00, v13;
	v14 =	vand.u32 $0xFFFFF800, v1;
	v1 =	vld [tilespmem:s0+$0x14000];
	s5 =	sor.u32 s7, s1  }
0xc5: {  	v15 =	vshll.u32 v9, $0x8;
	v5 =	vshll.u32 v5, $0x7;
	v11 =	vadd.s32 v11, v13;
	v13 =	vld [tilespmem:s5+$0x0]  }
0xc6: {  	v9 =	vshll.u32 v9, $0x7;
	v15 =	vand.u32 $0xFFFFF800, v15;
	v3 =	vshll.u32 v3, $0x7;
	s28 =	sor.u32 s7, s11;
	[tilespmem:v2+s2+$0x0] =	vst.idx.add.f32.msk $0xffff, v6  }
0xc7: {  	v3 =	vand.u32 $0x380, v3;
	v17 =	vshll.u32 v7, $0x3;
	v2 =	vadd.s32 v14, v10;
	v10 =	vld [tilespmem:s28+$0x0];
	s28 =	sor.u32 s3, s11  }
0xc8: {  	s9 =	sor.u32 $0x10, s3;
	s29 =	sor.u32 s3, s1;
	v17 =	vand.u32 $0xFFFFFC00, v17;
	v2 =	vor.u32 v3, v2;
	v3 =	vand.u32 $0x380, v5;
	v6 =	vld [tilespmem:s28+$0x0]  }
0xc9: {  	p0 =	por !p0, !p0;
	s28 =	sor.u32 s9, s11;
	v3 =	vor.u32 v3, v11;
	v11 =	vor.u32 v4, v2;
	v4 =	vand.u32 $0x7F, v8;
	v2 =	vld [tilespmem:s29+$0x0]  }
0xca: {  	v9 =	vand.u32 $0x380, v9;
	s0 =	sor.u32 $0x20, s3;
	s5 =	sor.u32 s9, s1;
	v5 =	vadd.s32 v15, v17;
	v8 =	vld [tilespmem:s28+$0x0];
	s28 =	simm.s32 $0x1;
	v14 =	vor.u32 v4, v3  }
0xcb: {  	s3 =	sor.u32 s0, s11;
	v4 =	vor.u32 v9, v5;
	v5 =	vand.u32 $0x7F, v7;
	s28 =	simm.s32 @!p0 $0x0;
	v3 =	vld [tilespmem:s5+$0x0]  }
0xcc: {  	s0 =	sor.u32 s0, s1;
	v9 =	vld [tilespmem:s3+$0x0];
	v15 =	vshll.u32 v13, $0x3;
	v5 =	vor.u32 v5, v4;
	s11 =	sshll.u32 s28, $0x6;
	v7 =	vshll.u32 v10, $0x8  }
0xcd: {  	v4 =	vld [tilespmem:s0+$0x0];
	v15 =	vand.u32 $0xFFFFFC00, v15;
	s1 =	sadd.s32 $0x80, s11;
	v10 =	vshll.u32 v10, $0x7;
	v7 =	vand.u32 $0xFFFFF800, v7  }
0xce: {  	v13 =	vand.u32 $0x7F, v13;
	s5 =	sadd.s32 $0x30, s1;
	v10 =	vand.u32 $0x380, v10;
	v7 =	vadd.s32 v7, v15;
	[tilespmem:v11+s2+$0x0] =	vst.idx.add.f32.msk $0xffff, v16  }
0xcf: {  	v17 =	vshll.u32 v6, $0x8;
	s9 =	sadd.s32 $0x20, s1;
	v11 =	vshll.u32 v2, $0x3;
	s0 =	sor.u32 $0x80, s5;
	v7 =	vor.u32 v10, v7;
	[tilespmem:v14+s2+$0x0] =	vst.idx.add.f32.msk $0xffff, v12  }
0xd0: {  	s7 =	sadd.s32 $0x10, s1;
	s11 =	sor.u32 $0x80, s9;
	v15 =	vand.u32 $0xFFFFF800, v17;
	v14 =	vshll.u32 v8, $0x8;
	v10 =	vld [tilespmem:s0+$0x14000];
	v12 =	vor.u32 v13, v7  }
0xd1: {  	s30 =	simm.s32 $0x80;
	s3 =	sor.u32 $0x80, s7;
	v18 =	vshll.u32 v3, $0x3;
	v16 =	vand.u32 $0xFFFFFC00, v11;
	v17 =	vshll.u32 v9, $0x8;
	v11 =	vld [tilespmem:s11+$0x14000]  }
0xd2: {  	s29 =	simm.s32 $0x100;
	s28 =	simm.s32 $0x4;
	s31 =	sor.u32 $0x80, s1;
	v7 =	vld [tilespmem:s3+$0x14000];
	v13 =	vand.u32 $0xFFFFF800, v14;
	v14 =	vand.u32 $0xFFFFFC00, v18;
	v18 =	vshll.u32 v4, $0x3  }
.LBB2_12:
0xd3: {  	s0 =	sand.u32 $0x40, s30;
	s1 =	sand.u32 $0x1F00, s29;
	v19 =	vld [tilespmem:s31+$0x14000];
	v6 =	vshll.u32 v6, $0x7;
	v17 =	vand.u32 $0xFFFFF800, v17;
	v18 =	vand.u32 $0xFFFFFC00, v18  }
0xd4: {  	s28 =	sadd.s32 $0x4, s28;
	v15 =	vadd.s32 v15, v16;
	v8 =	vshll.u32 v8, $0x7;
	v9 =	vshll.u32 v9, $0x7;
	s3 =	sor.u32 $0x12000, s1;
	s5 =	sor.u32 $0x30, s0;
	[tilespmem:v5+s2+$0x0] =	vst.idx.add.f32.msk $0xffff, v1  }
0xd5: {  	s1 =	sor.u32 $0x12080, s1;
	p1 =	slt.u32 s28, $0xFC;
	v16 =	vand.u32 $0x380, v6;
	v5 =	vadd.s32 v13, v14;
	v6 =	vadd.s32 v17, v18;
	s31 =	sor.u32 s5, s3;
	[tilespmem:v12+s2+$0x0] =	vst.idx.add.f32.msk $0xffff, v10  }
0xd6: {  	s7 =	sor.u32 $0x10, s0;
	s9 =	sor.u32 $0x20, s0;
	v14 =	vand.u32 $0x380, v8;
	v8 =	vand.u32 $0x380, v9;
	s5 =	sor.u32 s5, s1;
	v12 =	vor.u32 v16, v15;
	v10 =	vld [tilespmem:s31+$0x0]  }
0xd7: {  	v2 =	vand.u32 $0x7F, v2;
	s11 =	sor.u32 s7, s3;
	v5 =	vor.u32 v14, v5;
	v8 =	vor.u32 v8, v6;
	s31 =	sor.u32 s0, s3;
	s0 =	sor.u32 s0, s1;
	v13 =	vld [tilespmem:s5+$0x0];
	v1 =	vmovc v11  }
0xd8: {  	v3 =	vand.u32 $0x7F, v3;
	v4 =	vand.u32 $0x7F, v4;
	s3 =	sor.u32 s9, s3;
	s5 =	sor.u32 s7, s1;
	s1 =	sor.u32 s9, s1;
	v11 =	vor.u32 v2, v12;
	v6 =	vld [tilespmem:s31+$0x0]  }
0xd9: {  	p0 =	por !p0, !p0;
	v12 =	vor.u32 v3, v5;
	v5 =	vor.u32 v4, v8;
	v2 =	vld [tilespmem:s0+$0x0];
	s0 =	simm.s32 $0x1  }
0xda: {  	v8 =	vld [tilespmem:s11+$0x0];
	s0 =	simm.s32 @!p0 $0x0  }
0xdb: {  	v3 =	vld [tilespmem:s5+$0x0];
	s0 =	sshll.u32 s0, $0x6  }
0xdc: {  	v14 =	vshll.u32 v10, $0x8;
	v9 =	vld [tilespmem:s3+$0x0];
	v15 =	vshll.u32 v13, $0x3;
	s0 =	sadd.s32 s0, s29  }
0xdd: {  	v10 =	vshll.u32 v10, $0x7;
	v14 =	vand.u32 $0xFFFFF800, v14;
	v4 =	vld [tilespmem:s1+$0x0];
	v15 =	vand.u32 $0xFFFFFC00, v15;
	s1 =	sadd.s32 $0x10, s0  }
.Ltmp5:
0xde: {  	v10 =	vand.u32 $0x380, v10;
	v16 =	vshll.u32 v6, $0x8;
	s3 =	sadd.s32 $0x20, s0;
	s5 =	sadd.s32 $0x30, s0;
	v14 =	vadd.s32 v14, v15;
	[tilespmem:v11+s2+$0x0] =	vst.idx.add.f32.msk $0xffff, v19;
	(pc) =	sbr.rel @p1 .LBB2_12-.Ltmp5, $4  }
0xdf: {  	v13 =	vand.u32 $0x7F, v13;
	v11 =	vshll.u32 v2, $0x3;
	s1 =	sor.u32 $0x80, s1;
	s3 =	sor.u32 $0x80, s3;
	s5 =	sor.u32 $0x80, s5;
	v14 =	vor.u32 v10, v14;
	[tilespmem:v12+s2+$0x0] =	vst.idx.add.f32.msk $0xffff, v7  }
0xe0: {  	s31 =	sor.u32 $0x80, s0;
	v18 =	vshll.u32 v8, $0x8;
	v19 =	vshll.u32 v3, $0x3;
	v10 =	vld [tilespmem:s5+$0x14000];
	v12 =	vor.u32 v13, v14  }
0xe1: {  	v15 =	vand.u32 $0xFFFFF800, v16;
	v16 =	vand.u32 $0xFFFFFC00, v11;
	v7 =	vld [tilespmem:s1+$0x14000];
	v17 =	vshll.u32 v9, $0x8  }
0xe2: {  	s30 =	sadd.s32 $0x40, s30;
	s29 =	sadd.s32 $0x80, s29;
	v13 =	vand.u32 $0xFFFFF800, v18;
	v14 =	vand.u32 $0xFFFFFC00, v19;
	v11 =	vld [tilespmem:s3+$0x14000];
	v18 =	vshll.u32 v4, $0x3  }
0xe3: {  	v6 =	vshll.u32 v6, $0x7  }
0xe4: {  	v17 =	vand.u32 $0xFFFFF800, v17;
	v18 =	vand.u32 $0xFFFFFC00, v18;
	v15 =	vadd.s32 v15, v16  }
0xe5: {  	v8 =	vshll.u32 v8, $0x7;
	v9 =	vshll.u32 v9, $0x7;
	v13 =	vadd.s32 v13, v14  }
0xe6: {  	v2 =	vand.u32 $0x7F, v2;
	v3 =	vand.u32 $0x7F, v3;
	v6 =	vand.u32 $0x380, v6  }
0xe7: {  	v61 =	vadd.s32 v17, v18;
	v8 =	vand.u32 $0x380, v8;
	v6 =	vor.u32 v6, v15  }
0xe8: {  	v62 =	vld [tilespmem:s31+$0x14000];
	v9 =	vand.u32 $0x380, v9;
	v8 =	vor.u32 v8, v13;
	v2 =	vor.u32 v2, v6  }
0xe9: {  	v4 =	vand.u32 $0x7F, v4;
	v63 =	vor.u32 v9, v61;
	v3 =	vor.u32 v3, v8  }
0xea: {  	v4 =	vor.u32 v4, v63  }
0xeb: {  	[tilespmem:v5+s2+$0x0] =	vst.idx.add.f32.msk $0xffff, v1  }
0xec: {  	[tilespmem:v12+s2+$0x0] =	vst.idx.add.f32.msk $0xffff, v10  }
0xed: {  	[tilespmem:v2+s2+$0x0] =	vst.idx.add.f32.msk $0xffff, v62  }
0xee: {  	[tilespmem:v3+s2+$0x0] =	vst.idx.add.f32.msk $0xffff, v7  }
0xef: {  	s0 =	simm.s32 $0x0;
	s28 =	simm.s32 $0x14080;
	s29 =	simm.s32 $0x10;
	[tilespmem:v4+s2+$0x0] =	vst.idx.add.f32.msk $0xffff, v11  }
0xf0: {  	s31 =	sadd.s32 $0x0, s10;
	s30 =	simm.s32 $0x14180;
	s1 =	rddreg [dreg:$0x7]  }
0xf1: {  	[tilespmem:s22], [sflag:$0x2] =	stream.linear.gather [hbm4b:s1+s0], $0x2000, $0x38;
	[tilespmem:$0x16000] =	vst v63  }
.LBB2_14:
0xf2: {  	[tilespmem:s28], [sflag:$0x2] =	stream.linear.gather [hbm4b:s31+s2], $0x80, $0x38;
	[tilespmem:$0x16000] =	vst v63  }
0xf3: {  	s0 =	smov.u32 s29;
	s28 =	smov.u32 s30;
	p0 =	sne.s32 s29, $0x1F0  }
.Ltmp6:
0xf4: {  	s29 =	sadd.s32 $0x10, s29;
	(pc) =	sbr.rel @p0 .LBB2_14-.Ltmp6, $2  }
0xf5: {  	_ =	sdelay $0x2  }
0xf6: {  	s30 =	sadd.s32 $0x100, s30;
	s31 =	sadd.s32 s0, s10  }
0xf7: {  	[tilespmem:s28], [sflag:$0x2] =	stream.linear.gather [hbm4b:s31+s2], $0x80, $0x38;
	[tilespmem:$0x16000] =	vst v63  }
0xf8: {  	_ =	swait.ge [sflag:s23], $0x2000  }
0xf9: {  	p0 =	por $0x0, $0x0;
	s0 =	simm.s32 $0x1;
	[sflag:s23] =	ssyncset.done $0x0  }
0xfa: {  	s1 =	simm.s32 $0x0;
	s0 =	simm.s32 @!p0 $0x0;
	[sflag:s23] =	ssyncadd.s32 $0xFFFFE000  }
0xfb: {  	s3 =	sand.u32 $0x40, s1;
	s0 =	sshll.u32 s0, $0x6;
	_ =	swait.ge [sflag:s23], $0x1000  }
0xfc: {  	s1 =	sand.u32 $0x1F00, s1;
	s0 =	sadd.s32 $0x0, s0;
	[sflag:s23] =	ssyncset.done $0x0  }
0xfd: {  	s1 =	sor.u32 s3, s1;
	s11 =	sadd.s32 $0x30, s0;
	[sflag:s23] =	ssyncadd.s32 $0xFFFFF000  }
0xfe: {  	s3 =	sor.u32 $0x80, s11;
	v1 =	vld [tilespmem:s1+$0x10030]  }
0xff: {  	s5 =	sadd.s32 $0x20, s0;
	v2 =	vld [tilespmem:s3+$0x10000]  }
0x100: {  	s5 =	sor.u32 $0x80, s5  }
0x101: {  	s31 =	sadd.s32 $0x10, s0;
	s0 =	sor.u32 $0x80, s0;
	v7 =	vld [tilespmem:s5+$0x10000]  }
0x102: {  	v6 =	vld [tilespmem:s0+$0x10000]  }
0x103: {  	s3 =	sor.u32 $0x80, s31;
	v8 =	vld [tilespmem:s1+$0x10000]  }
0x104: {  	v4 =	vld [tilespmem:s3+$0x10000];
	v3 =	vshll.u32 v1, $0x8;
	v5 =	vshll.u32 v2, $0x3  }
0x105: {  	p0 =	por !p0, !p0;
	v9 =	vld [tilespmem:s1+$0x10010];
	s0 =	simm.s32 $0x1;
	v1 =	vshll.u32 v1, $0x7;
	v3 =	vand.u32 $0xFFFFF800, v3;
	v5 =	vand.u32 $0xFFFFFC00, v5  }
0x106: {  	v10 =	vld [tilespmem:s1+$0x14030];
	s0 =	simm.s32 @!p0 $0x0;
	v1 =	vand.u32 $0x380, v1;
	v3 =	vadd.s32 v3, v5  }
0x107: {  	s0 =	sshll.u32 s0, $0x6;
	v2 =	vand.u32 $0x7F, v2;
	v5 =	vld [tilespmem:s1+$0x10020];
	v1 =	vor.u32 v1, v3  }
0x108: {  	s28 =	simm.s32 $0x80;
	s29 =	simm.s32 $0x40;
	s0 =	sadd.s32 $0x80, s0;
	v12 =	vshll.u32 v7, $0x3;
	v13 =	vshll.u32 v8, $0x8;
	v3 =	vld [tilespmem:s1+$0x14010];
	v11 =	vor.u32 v2, v1  }
0x109: {  	s7 =	sand.u32 $0x1F00, s28;
	s5 =	sand.u32 $0x40, s29;
	s9 =	sadd.s32 $0x30, s0;
	v14 =	vshll.u32 v6, $0x3;
	v8 =	vshll.u32 v8, $0x7;
	v1 =	vld [tilespmem:s1+$0x14000];
	v2 =	vshll.u32 v4, $0x3  }
0x10a: {  	s3 =	sor.u32 $0x80, s9;
	v13 =	vand.u32 $0xFFFFF800, v13;
	v14 =	vand.u32 $0xFFFFFC00, v14;
	v16 =	vand.u32 $0xFFFFFC00, v2;
	v2 =	vld [tilespmem:s1+$0x14020];
	s1 =	sor.u32 s5, s7;
	s7 =	sadd.s32 $0x20, s0  }
0x10b: {  	v15 =	vshll.u32 v9, $0x8;
	v8 =	vand.u32 $0x380, v8;
	v13 =	vadd.s32 v13, v14;
	v14 =	vld [tilespmem:s3+$0x10000];
	s31 =	sor.u32 $0x80, s7  }
0x10c: {  	v9 =	vshll.u32 v9, $0x7;
	v8 =	vor.u32 v8, v13;
	v13 =	vand.u32 $0x7F, v4;
	v4 =	vld [tilespmem:s31+$0x10000]  }
0x10d: {  	s11 =	sadd.s32 $0x10, s0;
	v12 =	vand.u32 $0xFFFFFC00, v12;
	v15 =	vand.u32 $0xFFFFF800, v15;
	v17 =	vshll.u32 v5, $0x8;
	[tilespmem:v11+s2+$0x0] =	vst.idx.add.f32.msk $0xffff, v10  }
0x10e: {  	s5 =	sor.u32 $0x80, s11;
	v10 =	vand.u32 $0xFFFFF800, v17;
	v11 =	vadd.s32 v15, v16;
	v15 =	vld [tilespmem:s1+$0x10030];
	v16 =	vshll.u32 v5, $0x7  }
0x10f: {  	v9 =	vand.u32 $0x380, v9;
	v5 =	vld [tilespmem:s5+$0x10000];
	v10 =	vadd.s32 v10, v12;
	v12 =	vand.u32 $0x380, v16  }
0x110: {  	s0 =	sor.u32 $0x80, s0;
	v9 =	vor.u32 v9, v11;
	v16 =	vld [tilespmem:s1+$0x10000];
	v11 =	vor.u32 v12, v10;
	v12 =	vand.u32 $0x7F, v6  }
0x111: {  	v6 =	vld [tilespmem:s0+$0x10000];
	v10 =	vor.u32 v13, v9;
	v9 =	vand.u32 $0x7F, v7;
	v7 =	vor.u32 v12, v8  }
0x112: {  	v8 =	vor.u32 v9, v11;
	v12 =	vld [tilespmem:s1+$0x10010];
	v11 =	vshll.u32 v14, $0x3;
	v23 =	vshll.u32 v4, $0x3  }
0x113: {  	v13 =	vld [tilespmem:s1+$0x10020];
	v14 =	vand.u32 $0x7F, v14;
	v17 =	vand.u32 $0xFFFFFC00, v11;
	v9 =	vshll.u32 v15, $0x8  }
0x114: {  	v11 =	vld [tilespmem:s1+$0x14000];
	v15 =	vshll.u32 v15, $0x7;
	v18 =	vshll.u32 v5, $0x3;
	v9 =	vand.u32 $0xFFFFF800, v9  }
0x115: {  	v15 =	vand.u32 $0x380, v15;
	v21 =	vshll.u32 v16, $0x8;
	v17 =	vadd.s32 v9, v17;
	v9 =	vld [tilespmem:s1+$0x14010]  }
0x116: {  	v19 =	vand.u32 $0xFFFFFC00, v18;
	v18 =	vand.u32 $0xFFFFFC00, v23;
	v17 =	vor.u32 v15, v17;
	v15 =	vld [tilespmem:s1+$0x14030]  }
0x117: {  	s30 =	simm.s32 $0x4;
	p0 =	por !p0, !p0;
	v22 =	vshll.u32 v6, $0x3;
	v20 =	vshll.u32 v12, $0x8;
	v17 =	vor.u32 v14, v17;
	v14 =	vld [tilespmem:s1+$0x14020]  }
.LBB2_16:
0x118: {  	s0 =	simm.s32 $0x1  }
0x119: {  	s30 =	sadd.s32 $0x4, s30;
	v21 =	vand.u32 $0xFFFFF800, v21;
	v22 =	vand.u32 $0xFFFFFC00, v22;
	v23 =	vshll.u32 v13, $0x8;
	s28 =	sadd.s32 $0x80, s28;
	[tilespmem:v10+s2+$0x0] =	vst.idx.add.f32.msk $0xffff, v3;
	s0 =	simm.s32 @!p0 $0x0  }
0x11a: {  	v3 =	vshll.u32 v16, $0x7;
	v10 =	vand.u32 $0xFFFFF800, v20;
	s29 =	sadd.s32 $0x40, s29;
	p1 =	slt.u32 s30, $0xFC;
	v16 =	vand.u32 $0xFFFFF800, v23;
	s0 =	sshll.u32 s0, $0x6;
	[tilespmem:v8+s2+$0x0] =	vst.idx.add.f32.msk $0xffff, v2  }
0x11b: {  	s1 =	sand.u32 $0x40, s29;
	s3 =	sand.u32 $0x1F00, s28;
	v8 =	vadd.s32 v10, v19;
	v19 =	vshll.u32 v12, $0x7;
	v10 =	vshll.u32 v13, $0x7;
	s0 =	sadd.s32 s0, s28;
	[tilespmem:v7+s2+$0x0] =	vst.idx.add.f32.msk $0xffff, v1;
	v1 =	vmovc v11  }
0x11c: {  	s31 =	sor.u32 s1, s3;
	v13 =	vand.u32 $0x380, v3;
	v7 =	vadd.s32 v21, v22;
	v11 =	vadd.s32 v16, v18;
	s1 =	sadd.s32 $0x10, s0;
	s3 =	sadd.s32 $0x30, s0;
	[tilespmem:v17+s2+$0x0] =	vst.idx.add.f32.msk $0xffff, v15  }
0x11d: {  	v12 =	vand.u32 $0x380, v19;
	v10 =	vand.u32 $0x380, v10;
	v3 =	vmovc v9;
	s5 =	sadd.s32 $0x20, s0;
	v7 =	vor.u32 v13, v7;
	v2 =	vmovc v14;
	s1 =	sor.u32 $0x80, s1;
	v15 =	vld [tilespmem:s31+$0x10030];
	s3 =	sor.u32 $0x80, s3  }
0x11e: {  	v9 =	vand.u32 $0x7F, v5;
	s0 =	sor.u32 $0x80, s0;
	v8 =	vor.u32 v12, v8;
	v11 =	vor.u32 v10, v11;
	s5 =	sor.u32 $0x80, s5;
	v14 =	vld [tilespmem:s3+$0x10000]  }
0x11f: {  	v6 =	vand.u32 $0x7F, v6;
	v10 =	vor.u32 v9, v8;
	v8 =	vand.u32 $0x7F, v4;
	v5 =	vld [tilespmem:s1+$0x10000]  }
0x120: {  	v7 =	vor.u32 v6, v7;
	v8 =	vor.u32 v8, v11;
	v4 =	vld [tilespmem:s5+$0x10000]  }
0x121: {  	v6 =	vld [tilespmem:s0+$0x10000]  }
0x122: {  	v16 =	vld [tilespmem:s31+$0x10000]  }
0x123: {  	v9 =	vshll.u32 v15, $0x8;
	v12 =	vld [tilespmem:s31+$0x10010];
	v11 =	vshll.u32 v14, $0x3  }
.Ltmp7:
0x124: {  	v15 =	vshll.u32 v15, $0x7;
	v9 =	vand.u32 $0xFFFFF800, v9;
	v13 =	vld [tilespmem:s31+$0x10020];
	v17 =	vand.u32 $0xFFFFFC00, v11;
	(pc) =	sbr.rel @p1 .LBB2_16-.Ltmp7, $4  }
0x125: {  	v15 =	vand.u32 $0x380, v15;
	v18 =	vshll.u32 v5, $0x3;
	v11 =	vld [tilespmem:s31+$0x14000];
	v17 =	vadd.s32 v9, v17  }
0x126: {  	v14 =	vand.u32 $0x7F, v14;
	v23 =	vshll.u32 v4, $0x3;
	v9 =	vld [tilespmem:s31+$0x14010];
	v17 =	vor.u32 v15, v17  }
0x127: {  	v22 =	vshll.u32 v6, $0x3;
	v21 =	vshll.u32 v16, $0x8;
	v15 =	vld [tilespmem:s31+$0x14030];
	v17 =	vor.u32 v14, v17  }
0x128: {  	p0 =	por !p0, !p0;
	v19 =	vand.u32 $0xFFFFFC00, v18;
	v18 =	vand.u32 $0xFFFFFC00, v23;
	v20 =	vshll.u32 v12, $0x8;
	v14 =	vld [tilespmem:s31+$0x14020]  }
0x129: {  	v21 =	vand.u32 $0xFFFFF800, v21  }
0x12a: {  	v22 =	vand.u32 $0xFFFFFC00, v22;
	v23 =	vshll.u32 v13, $0x8;
	v20 =	vand.u32 $0xFFFFF800, v20  }
0x12b: {  	v16 =	vshll.u32 v16, $0x7;
	v12 =	vshll.u32 v12, $0x7;
	v62 =	vshll.u32 v13, $0x7  }
0x12c: {  	v5 =	vand.u32 $0x7F, v5;
	v6 =	vand.u32 $0x7F, v6;
	v23 =	vand.u32 $0xFFFFF800, v23  }
0x12d: {  	v19 =	vadd.s32 v20, v19;
	v63 =	vadd.s32 v21, v22;
	v12 =	vand.u32 $0x380, v12  }
0x12e: {  	[tilespmem:v10+s2+$0x0] =	vst.idx.add.f32.msk $0xffff, v3;
	v16 =	vand.u32 $0x380, v16;
	v13 =	vand.u32 $0x380, v62;
	v12 =	vor.u32 v12, v19  }
0x12f: {  	v18 =	vadd.s32 v23, v18;
	v3 =	vor.u32 v16, v63;
	v5 =	vor.u32 v5, v12  }
0x130: {  	v4 =	vand.u32 $0x7F, v4;
	[tilespmem:v8+s2+$0x0] =	vst.idx.add.f32.msk $0xffff, v2;
	v13 =	vor.u32 v13, v18;
	v2 =	vor.u32 v6, v3  }
0x131: {  	v4 =	vor.u32 v4, v13  }
0x132: {  	[tilespmem:v7+s2+$0x0] =	vst.idx.add.f32.msk $0xffff, v1  }
0x133: {  	[tilespmem:v17+s2+$0x0] =	vst.idx.add.f32.msk $0xffff, v15  }
0x134: {  	[tilespmem:v5+s2+$0x0] =	vst.idx.add.f32.msk $0xffff, v9  }
0x135: {  	[tilespmem:v2+s2+$0x0] =	vst.idx.add.f32.msk $0xffff, v11  }
0x136: {  	s0 =	simm.s32 $0x0;
	s28 =	simm.s32 $0x14000;
	s29 =	simm.s32 $0x10;
	[tilespmem:v4+s2+$0x0] =	vst.idx.add.f32.msk $0xffff, v14  }
0x137: {  	s31 =	sadd.s32 $0x0, s12;
	s30 =	simm.s32 $0x14100;
	s1 =	rddreg [dreg:$0x8]  }
0x138: {  	[tilespmem:s21], [sflag:$0x1] =	stream.linear.gather [hbm4b:s1+s0], $0x2000, $0x38;
	[tilespmem:$0x16000] =	vst v63  }
.LBB2_18:
0x139: {  	[tilespmem:s28], [sflag:$0x1] =	stream.linear.gather [hbm4b:s31+s2], $0x80, $0x38;
	[tilespmem:$0x16000] =	vst v63  }
0x13a: {  	s0 =	smov.u32 s29;
	s28 =	smov.u32 s30;
	p0 =	sne.s32 s29, $0x1F0  }
.Ltmp8:
0x13b: {  	s29 =	sadd.s32 $0x10, s29;
	(pc) =	sbr.rel @p0 .LBB2_18-.Ltmp8, $2  }
0x13c: {  	_ =	sdelay $0x2  }
0x13d: {  	s30 =	sadd.s32 $0x100, s30;
	s31 =	sadd.s32 s0, s12  }
0x13e: {  	[tilespmem:s28], [sflag:$0x1] =	stream.linear.gather [hbm4b:s31+s2], $0x80, $0x38;
	[tilespmem:$0x16000] =	vst v63  }
0x13f: {  	_ =	swait.ge [sflag:s24], $0x2000  }
0x140: {  	[sflag:s24] =	ssyncset.done $0x0  }
0x141: {  	s0 =	simm.s32 $0x0;
	[sflag:s24] =	ssyncadd.s32 $0xFFFFE000  }
0x142: {  	s1 =	sand.u32 $0x40, s0;
	s0 =	sand.u32 $0x1F00, s0;
	_ =	swait.ge [sflag:s24], $0x1000  }
0x143: {  	s3 =	sor.u32 $0x12000, s0;
	s5 =	sor.u32 $0x30, s1;
	[sflag:s24] =	ssyncset.done $0x0  }
0x144: {  	s0 =	sor.u32 $0x12080, s0;
	s7 =	sor.u32 s5, s3;
	[sflag:s24] =	ssyncadd.s32 $0xFFFFF000  }
0x145: {  	s5 =	sor.u32 s5, s0;
	v1 =	vld [tilespmem:s7+$0x0]  }
0x146: {  	v2 =	vld [tilespmem:s5+$0x0]  }
0x147: {  	p0 =	por $0x0, $0x0;
	s11 =	sor.u32 s1, s3;
	s5 =	simm.s32 $0x1  }
0x148: {  	s9 =	sor.u32 s1, s0;
	s7 =	sor.u32 $0x10, s1;
	v3 =	vld [tilespmem:s11+$0x0];
	s5 =	simm.s32 @!p0 $0x0  }
0x149: {  	v4 =	vld [tilespmem:s9+$0x0];
	s11 =	sor.u32 s7, s3;
	s5 =	sshll.u32 s5, $0x6  }
0x14a: {  	s1 =	sor.u32 $0x20, s1;
	s7 =	sor.u32 s7, s0;
	v5 =	vld [tilespmem:s11+$0x0];
	s5 =	sadd.s32 $0x0, s5  }
0x14b: {  	s3 =	sor.u32 s1, s3;
	v8 =	vld [tilespmem:s7+$0x0];
	s11 =	sadd.s32 $0x10, s5;
	v6 =	vshll.u32 v1, $0x8;
	v7 =	vshll.u32 v2, $0x3  }
0x14c: {  	s0 =	sor.u32 s1, s0;
	v9 =	vld [tilespmem:s3+$0x0];
	v1 =	vshll.u32 v1, $0x7;
	s1 =	sor.u32 $0x80, s11;
	v6 =	vand.u32 $0xFFFFF800, v6;
	v7 =	vand.u32 $0xFFFFFC00, v7  }
0x14d: {  	s7 =	sadd.s32 $0x30, s5;
	v1 =	vand.u32 $0x380, v1;
	v12 =	vld [tilespmem:s1+$0x14000];
	v6 =	vadd.s32 v6, v7  }
0x14e: {  	s3 =	sadd.s32 $0x20, s5;
	s9 =	sor.u32 $0x80, s7;
	v2 =	vand.u32 $0x7F, v2;
	v7 =	vld [tilespmem:s0+$0x0];
	v1 =	vor.u32 v1, v6  }
0x14f: {  	s7 =	simm.s32 $0x80;
	s0 =	sor.u32 $0x80, s3;
	v6 =	vld [tilespmem:s9+$0x14000];
	s9 =	simm.s32 $0x40;
	v2 =	vor.u32 v2, v1;
	v1 =	vshll.u32 v3, $0x8  }
0x150: {  	s5 =	sor.u32 $0x80, s5;
	v10 =	vshll.u32 v4, $0x3;
	s1 =	sand.u32 $0x1F00, s7;
	v14 =	vand.u32 $0xFFFFF800, v1;
	v1 =	vld [tilespmem:s0+$0x14000];
	s0 =	sand.u32 $0x40, s9  }
0x151: {  	v4 =	vand.u32 $0x7F, v4;
	v11 =	vshll.u32 v5, $0x8;
	v13 =	vshll.u32 v8, $0x3;
	s3 =	sor.u32 $0x12000, s1;
	s1 =	sor.u32 $0x12080, s1;
	s11 =	sor.u32 $0x30, s0  }
0x152: {  	v16 =	vld [tilespmem:s5+$0x14000];
	v10 =	vand.u32 $0xFFFFFC00, v10;
	v11 =	vand.u32 $0xFFFFF800, v11;
	v13 =	vand.u32 $0xFFFFFC00, v13;
	s5 =	sor.u32 s11, s1  }
0x153: {  	v15 =	vshll.u32 v9, $0x8;
	v5 =	vshll.u32 v5, $0x7;
	v11 =	vadd.s32 v11, v13;
	v13 =	vld [tilespmem:s5+$0x0]  }
0x154: {  	v9 =	vshll.u32 v9, $0x7;
	v15 =	vand.u32 $0xFFFFF800, v15;
	v3 =	vshll.u32 v3, $0x7;
	s9 =	sor.u32 s11, s3;
	[tilespmem:v2+s2+$0x0] =	vst.idx.add.f32.msk $0xffff, v6  }
0x155: {  	v3 =	vand.u32 $0x380, v3;
	v17 =	vshll.u32 v7, $0x3;
	s11 =	sor.u32 s0, s3;
	v2 =	vadd.s32 v14, v10;
	v10 =	vld [tilespmem:s9+$0x0]  }
0x156: {  	v17 =	vand.u32 $0xFFFFFC00, v17;
	s5 =	sor.u32 $0x10, s0;
	s9 =	sor.u32 s0, s1;
	v6 =	vld [tilespmem:s11+$0x0];
	v2 =	vor.u32 v3, v2;
	v3 =	vand.u32 $0x380, v5  }
0x157: {  	p0 =	por !p0, !p0;
	s11 =	sor.u32 s5, s3;
	v3 =	vor.u32 v3, v11;
	v11 =	vor.u32 v4, v2;
	v4 =	vand.u32 $0x7F, v8;
	v2 =	vld [tilespmem:s9+$0x0]  }
0x158: {  	s7 =	simm.s32 $0x1;
	v9 =	vand.u32 $0x380, v9;
	s0 =	sor.u32 $0x20, s0;
	s5 =	sor.u32 s5, s1;
	v5 =	vadd.s32 v15, v17;
	v8 =	vld [tilespmem:s11+$0x0];
	v14 =	vor.u32 v4, v3  }
0x159: {  	s7 =	simm.s32 @!p0 $0x0;
	s3 =	sor.u32 s0, s3;
	v4 =	vor.u32 v9, v5;
	v5 =	vand.u32 $0x7F, v7;
	v3 =	vld [tilespmem:s5+$0x0]  }
0x15a: {  	s0 =	sor.u32 s0, s1;
	s11 =	sshll.u32 s7, $0x6;
	v9 =	vld [tilespmem:s3+$0x0];
	v5 =	vor.u32 v5, v4;
	v15 =	vshll.u32 v13, $0x3;
	v7 =	vshll.u32 v10, $0x8  }
0x15b: {  	s1 =	sadd.s32 $0x80, s11;
	v4 =	vld [tilespmem:s0+$0x0];
	v15 =	vand.u32 $0xFFFFFC00, v15;
	v10 =	vshll.u32 v10, $0x7;
	v7 =	vand.u32 $0xFFFFF800, v7  }
0x15c: {  	s5 =	sadd.s32 $0x30, s1;
	v13 =	vand.u32 $0x7F, v13;
	v10 =	vand.u32 $0x380, v10;
	v7 =	vadd.s32 v7, v15;
	[tilespmem:v11+s2+$0x0] =	vst.idx.add.f32.msk $0xffff, v16  }
0x15d: {  	s9 =	sadd.s32 $0x20, s1;
	v17 =	vshll.u32 v6, $0x8;
	s0 =	sor.u32 $0x80, s5;
	v11 =	vshll.u32 v2, $0x3;
	v7 =	vor.u32 v10, v7;
	[tilespmem:v14+s2+$0x0] =	vst.idx.add.f32.msk $0xffff, v12  }
0x15e: {  	s7 =	sadd.s32 $0x10, s1;
	s11 =	sor.u32 $0x80, s9;
	v15 =	vand.u32 $0xFFFFF800, v17;
	v14 =	vshll.u32 v8, $0x8;
	v10 =	vld [tilespmem:s0+$0x14000];
	v12 =	vor.u32 v13, v7  }
0x15f: {  	s28 =	simm.s32 $0x4;
	s3 =	sor.u32 $0x80, s7;
	v18 =	vshll.u32 v3, $0x3;
	v16 =	vand.u32 $0xFFFFFC00, v11;
	v17 =	vshll.u32 v9, $0x8;
	v11 =	vld [tilespmem:s11+$0x14000]  }
0x160: {  	s29 =	simm.s32 $0x100;
	s30 =	simm.s32 $0x80;
	s31 =	sor.u32 $0x80, s1;
	v7 =	vld [tilespmem:s3+$0x14000];
	v13 =	vand.u32 $0xFFFFF800, v14;
	v14 =	vand.u32 $0xFFFFFC00, v18;
	v18 =	vshll.u32 v4, $0x3  }
.LBB2_20:
0x161: {  	s0 =	sand.u32 $0x40, s30;
	s1 =	sand.u32 $0x1F00, s29;
	v19 =	vld [tilespmem:s31+$0x14000];
	v6 =	vshll.u32 v6, $0x7;
	v17 =	vand.u32 $0xFFFFF800, v17;
	v18 =	vand.u32 $0xFFFFFC00, v18  }
0x162: {  	s28 =	sadd.s32 $0x4, s28;
	v15 =	vadd.s32 v15, v16;
	v8 =	vshll.u32 v8, $0x7;
	v9 =	vshll.u32 v9, $0x7;
	s3 =	sor.u32 $0x12000, s1;
	s5 =	sor.u32 $0x30, s0;
	[tilespmem:v5+s2+$0x0] =	vst.idx.add.f32.msk $0xffff, v1  }
0x163: {  	s1 =	sor.u32 $0x12080, s1;
	p1 =	slt.u32 s28, $0xFC;
	v16 =	vand.u32 $0x380, v6;
	v5 =	vadd.s32 v13, v14;
	v6 =	vadd.s32 v17, v18;
	s7 =	sor.u32 s5, s3;
	[tilespmem:v12+s2+$0x0] =	vst.idx.add.f32.msk $0xffff, v10  }
0x164: {  	s9 =	sor.u32 $0x10, s0;
	s11 =	sor.u32 $0x20, s0;
	v14 =	vand.u32 $0x380, v8;
	v8 =	vand.u32 $0x380, v9;
	s5 =	sor.u32 s5, s1;
	v12 =	vor.u32 v16, v15;
	v10 =	vld [tilespmem:s7+$0x0]  }
0x165: {  	v2 =	vand.u32 $0x7F, v2;
	s31 =	sor.u32 s9, s3;
	v5 =	vor.u32 v14, v5;
	v8 =	vor.u32 v8, v6;
	s7 =	sor.u32 s0, s3;
	s0 =	sor.u32 s0, s1;
	v13 =	vld [tilespmem:s5+$0x0];
	v1 =	vmovc v11  }
0x166: {  	v3 =	vand.u32 $0x7F, v3;
	v4 =	vand.u32 $0x7F, v4;
	s3 =	sor.u32 s11, s3;
	s5 =	sor.u32 s9, s1;
	s1 =	sor.u32 s11, s1;
	v11 =	vor.u32 v2, v12;
	v6 =	vld [tilespmem:s7+$0x0]  }
0x167: {  	p0 =	por !p0, !p0;
	v12 =	vor.u32 v3, v5;
	v5 =	vor.u32 v4, v8;
	v2 =	vld [tilespmem:s0+$0x0];
	s0 =	simm.s32 $0x1  }
0x168: {  	v8 =	vld [tilespmem:s31+$0x0];
	s0 =	simm.s32 @!p0 $0x0  }
0x169: {  	v3 =	vld [tilespmem:s5+$0x0];
	s0 =	sshll.u32 s0, $0x6  }
0x16a: {  	v14 =	vshll.u32 v10, $0x8;
	v9 =	vld [tilespmem:s3+$0x0];
	v15 =	vshll.u32 v13, $0x3;
	s0 =	sadd.s32 s0, s29  }
0x16b: {  	v10 =	vshll.u32 v10, $0x7;
	v14 =	vand.u32 $0xFFFFF800, v14;
	v4 =	vld [tilespmem:s1+$0x0];
	v15 =	vand.u32 $0xFFFFFC00, v15;
	s1 =	sadd.s32 $0x10, s0  }
.Ltmp9:
0x16c: {  	v10 =	vand.u32 $0x380, v10;
	v16 =	vshll.u32 v6, $0x8;
	s3 =	sadd.s32 $0x20, s0;
	s5 =	sadd.s32 $0x30, s0;
	v14 =	vadd.s32 v14, v15;
	[tilespmem:v11+s2+$0x0] =	vst.idx.add.f32.msk $0xffff, v19;
	(pc) =	sbr.rel @p1 .LBB2_20-.Ltmp9, $4  }
0x16d: {  	v13 =	vand.u32 $0x7F, v13;
	v11 =	vshll.u32 v2, $0x3;
	s1 =	sor.u32 $0x80, s1;
	s3 =	sor.u32 $0x80, s3;
	s5 =	sor.u32 $0x80, s5;
	v14 =	vor.u32 v10, v14;
	[tilespmem:v12+s2+$0x0] =	vst.idx.add.f32.msk $0xffff, v7  }
0x16e: {  	s31 =	sor.u32 $0x80, s0;
	v18 =	vshll.u32 v8, $0x8;
	v19 =	vshll.u32 v3, $0x3;
	v10 =	vld [tilespmem:s5+$0x14000];
	v12 =	vor.u32 v13, v14  }
0x16f: {  	v15 =	vand.u32 $0xFFFFF800, v16;
	v16 =	vand.u32 $0xFFFFFC00, v11;
	v7 =	vld [tilespmem:s1+$0x14000];
	v17 =	vshll.u32 v9, $0x8  }
0x170: {  	s30 =	sadd.s32 $0x40, s30;
	s29 =	sadd.s32 $0x80, s29;
	v13 =	vand.u32 $0xFFFFF800, v18;
	v14 =	vand.u32 $0xFFFFFC00, v19;
	v11 =	vld [tilespmem:s3+$0x14000];
	v18 =	vshll.u32 v4, $0x3  }
0x171: {  	v6 =	vshll.u32 v6, $0x7  }
0x172: {  	v17 =	vand.u32 $0xFFFFF800, v17;
	v18 =	vand.u32 $0xFFFFFC00, v18;
	v15 =	vadd.s32 v15, v16  }
0x173: {  	v8 =	vshll.u32 v8, $0x7;
	v9 =	vshll.u32 v9, $0x7;
	v13 =	vadd.s32 v13, v14  }
0x174: {  	v2 =	vand.u32 $0x7F, v2;
	v3 =	vand.u32 $0x7F, v3;
	v6 =	vand.u32 $0x380, v6  }
0x175: {  	v61 =	vadd.s32 v17, v18;
	v8 =	vand.u32 $0x380, v8;
	v6 =	vor.u32 v6, v15  }
0x176: {  	v62 =	vld [tilespmem:s31+$0x14000];
	v9 =	vand.u32 $0x380, v9;
	v8 =	vor.u32 v8, v13;
	v2 =	vor.u32 v2, v6  }
0x177: {  	v4 =	vand.u32 $0x7F, v4;
	v63 =	vor.u32 v9, v61;
	v3 =	vor.u32 v3, v8  }
0x178: {  	v4 =	vor.u32 v4, v63  }
0x179: {  	[tilespmem:v5+s2+$0x0] =	vst.idx.add.f32.msk $0xffff, v1  }
0x17a: {  	[tilespmem:v12+s2+$0x0] =	vst.idx.add.f32.msk $0xffff, v10  }
0x17b: {  	[tilespmem:v2+s2+$0x0] =	vst.idx.add.f32.msk $0xffff, v62  }
0x17c: {  	s0 =	simm.s32 $0x0;
	s28 =	simm.s32 $0x14080;
	[tilespmem:v3+s2+$0x0] =	vst.idx.add.f32.msk $0xffff, v7  }
0x17d: {  	s29 =	simm.s32 $0x10;
	s31 =	sadd.s32 $0x0, s14;
	s30 =	simm.s32 $0x14180;
	[tilespmem:v4+s2+$0x0] =	vst.idx.add.f32.msk $0xffff, v11  }
0x17e: {  	[tilespmem:s22], [sflag:$0x2] =	stream.linear.gather [hbm4b:s13+s0], $0x2000, $0x38;
	[tilespmem:$0x16000] =	vst v63  }
.LBB2_22:
0x17f: {  	[tilespmem:s28], [sflag:$0x2] =	stream.linear.gather [hbm4b:s31+s2], $0x80, $0x38;
	[tilespmem:$0x16000] =	vst v63  }
0x180: {  	s0 =	smov.u32 s29;
	s28 =	smov.u32 s30;
	p0 =	sne.s32 s29, $0x1F0  }
.Ltmp10:
0x181: {  	s29 =	sadd.s32 $0x10, s29;
	(pc) =	sbr.rel @p0 .LBB2_22-.Ltmp10, $2  }
0x182: {  	_ =	sdelay $0x2  }
0x183: {  	s30 =	sadd.s32 $0x100, s30;
	s31 =	sadd.s32 s0, s14  }
0x184: {  	[tilespmem:s28], [sflag:$0x2] =	stream.linear.gather [hbm4b:s31+s2], $0x80, $0x38;
	[tilespmem:$0x16000] =	vst v63  }
0x185: {  	_ =	swait.ge [sflag:s23], $0x2000  }
0x186: {  	p0 =	por $0x0, $0x0;
	s0 =	simm.s32 $0x1;
	[sflag:s23] =	ssyncset.done $0x0  }
0x187: {  	s1 =	simm.s32 $0x0;
	s0 =	simm.s32 @!p0 $0x0;
	[sflag:s23] =	ssyncadd.s32 $0xFFFFE000  }
0x188: {  	s3 =	sand.u32 $0x40, s1;
	s0 =	sshll.u32 s0, $0x6;
	_ =	swait.ge [sflag:s23], $0x1000  }
0x189: {  	s1 =	sand.u32 $0x1F00, s1;
	s0 =	sadd.s32 $0x0, s0;
	[sflag:s23] =	ssyncset.done $0x0  }
0x18a: {  	s1 =	sor.u32 s3, s1;
	s11 =	sadd.s32 $0x30, s0;
	[sflag:s23] =	ssyncadd.s32 $0xFFFFF000  }
0x18b: {  	s3 =	sor.u32 $0x80, s11;
	v1 =	vld [tilespmem:s1+$0x10030]  }
0x18c: {  	s5 =	sadd.s32 $0x20, s0;
	v2 =	vld [tilespmem:s3+$0x10000]  }
0x18d: {  	s5 =	sor.u32 $0x80, s5  }
0x18e: {  	s31 =	sadd.s32 $0x10, s0;
	s0 =	sor.u32 $0x80, s0;
	v7 =	vld [tilespmem:s5+$0x10000]  }
0x18f: {  	v6 =	vld [tilespmem:s0+$0x10000]  }
0x190: {  	s3 =	sor.u32 $0x80, s31;
	v8 =	vld [tilespmem:s1+$0x10000]  }
0x191: {  	v4 =	vld [tilespmem:s3+$0x10000];
	v3 =	vshll.u32 v1, $0x8;
	v5 =	vshll.u32 v2, $0x3  }
0x192: {  	p0 =	por !p0, !p0;
	v9 =	vld [tilespmem:s1+$0x10010];
	s0 =	simm.s32 $0x1;
	v1 =	vshll.u32 v1, $0x7;
	v3 =	vand.u32 $0xFFFFF800, v3;
	v5 =	vand.u32 $0xFFFFFC00, v5  }
0x193: {  	v10 =	vld [tilespmem:s1+$0x14030];
	s0 =	simm.s32 @!p0 $0x0;
	v1 =	vand.u32 $0x380, v1;
	v3 =	vadd.s32 v3, v5  }
0x194: {  	s0 =	sshll.u32 s0, $0x6;
	v2 =	vand.u32 $0x7F, v2;
	v5 =	vld [tilespmem:s1+$0x10020];
	v1 =	vor.u32 v1, v3  }
0x195: {  	s28 =	simm.s32 $0x80;
	s29 =	simm.s32 $0x40;
	s0 =	sadd.s32 $0x80, s0;
	v12 =	vshll.u32 v7, $0x3;
	v13 =	vshll.u32 v8, $0x8;
	v3 =	vld [tilespmem:s1+$0x14010];
	v11 =	vor.u32 v2, v1  }
0x196: {  	s7 =	sand.u32 $0x1F00, s28;
	s5 =	sand.u32 $0x40, s29;
	s9 =	sadd.s32 $0x30, s0;
	v14 =	vshll.u32 v6, $0x3;
	v8 =	vshll.u32 v8, $0x7;
	v1 =	vld [tilespmem:s1+$0x14000];
	v2 =	vshll.u32 v4, $0x3  }
0x197: {  	s3 =	sor.u32 $0x80, s9;
	v13 =	vand.u32 $0xFFFFF800, v13;
	v14 =	vand.u32 $0xFFFFFC00, v14;
	v16 =	vand.u32 $0xFFFFFC00, v2;
	v2 =	vld [tilespmem:s1+$0x14020];
	s1 =	sor.u32 s5, s7;
	s7 =	sadd.s32 $0x20, s0  }
0x198: {  	v15 =	vshll.u32 v9, $0x8;
	v8 =	vand.u32 $0x380, v8;
	v13 =	vadd.s32 v13, v14;
	v14 =	vld [tilespmem:s3+$0x10000];
	s31 =	sor.u32 $0x80, s7  }
0x199: {  	v9 =	vshll.u32 v9, $0x7;
	v8 =	vor.u32 v8, v13;
	v13 =	vand.u32 $0x7F, v4;
	v4 =	vld [tilespmem:s31+$0x10000]  }
0x19a: {  	s11 =	sadd.s32 $0x10, s0;
	v12 =	vand.u32 $0xFFFFFC00, v12;
	v15 =	vand.u32 $0xFFFFF800, v15;
	v17 =	vshll.u32 v5, $0x8;
	[tilespmem:v11+s2+$0x0] =	vst.idx.add.f32.msk $0xffff, v10  }
0x19b: {  	s5 =	sor.u32 $0x80, s11;
	v10 =	vand.u32 $0xFFFFF800, v17;
	v11 =	vadd.s32 v15, v16;
	v15 =	vld [tilespmem:s1+$0x10030];
	v16 =	vshll.u32 v5, $0x7  }
0x19c: {  	v9 =	vand.u32 $0x380, v9;
	v5 =	vld [tilespmem:s5+$0x10000];
	v10 =	vadd.s32 v10, v12;
	v12 =	vand.u32 $0x380, v16  }
0x19d: {  	s0 =	sor.u32 $0x80, s0;
	v9 =	vor.u32 v9, v11;
	v16 =	vld [tilespmem:s1+$0x10000];
	v11 =	vor.u32 v12, v10;
	v12 =	vand.u32 $0x7F, v6  }
0x19e: {  	v6 =	vld [tilespmem:s0+$0x10000];
	v10 =	vor.u32 v13, v9;
	v9 =	vand.u32 $0x7F, v7;
	v7 =	vor.u32 v12, v8  }
0x19f: {  	v8 =	vor.u32 v9, v11;
	v12 =	vld [tilespmem:s1+$0x10010];
	v11 =	vshll.u32 v14, $0x3;
	v23 =	vshll.u32 v4, $0x3  }
0x1a0: {  	v13 =	vld [tilespmem:s1+$0x10020];
	v14 =	vand.u32 $0x7F, v14;
	v17 =	vand.u32 $0xFFFFFC00, v11;
	v9 =	vshll.u32 v15, $0x8  }
0x1a1: {  	v11 =	vld [tilespmem:s1+$0x14000];
	v15 =	vshll.u32 v15, $0x7;
	v18 =	vshll.u32 v5, $0x3;
	v9 =	vand.u32 $0xFFFFF800, v9  }
0x1a2: {  	v15 =	vand.u32 $0x380, v15;
	v21 =	vshll.u32 v16, $0x8;
	v17 =	vadd.s32 v9, v17;
	v9 =	vld [tilespmem:s1+$0x14010]  }
0x1a3: {  	v19 =	vand.u32 $0xFFFFFC00, v18;
	v18 =	vand.u32 $0xFFFFFC00, v23;
	v17 =	vor.u32 v15, v17;
	v15 =	vld [tilespmem:s1+$0x14030]  }
0x1a4: {  	s30 =	simm.s32 $0x4;
	p0 =	por !p0, !p0;
	v22 =	vshll.u32 v6, $0x3;
	v20 =	vshll.u32 v12, $0x8;
	v17 =	vor.u32 v14, v17;
	v14 =	vld [tilespmem:s1+$0x14020]  }
.LBB2_24:
0x1a5: {  	s0 =	simm.s32 $0x1  }
0x1a6: {  	s30 =	sadd.s32 $0x4, s30;
	v21 =	vand.u32 $0xFFFFF800, v21;
	v22 =	vand.u32 $0xFFFFFC00, v22;
	v23 =	vshll.u32 v13, $0x8;
	s28 =	sadd.s32 $0x80, s28;
	[tilespmem:v10+s2+$0x0] =	vst.idx.add.f32.msk $0xffff, v3;
	s0 =	simm.s32 @!p0 $0x0  }
0x1a7: {  	v3 =	vshll.u32 v16, $0x7;
	v10 =	vand.u32 $0xFFFFF800, v20;
	s29 =	sadd.s32 $0x40, s29;
	p1 =	slt.u32 s30, $0xFC;
	v16 =	vand.u32 $0xFFFFF800, v23;
	s0 =	sshll.u32 s0, $0x6;
	[tilespmem:v8+s2+$0x0] =	vst.idx.add.f32.msk $0xffff, v2  }
0x1a8: {  	s1 =	sand.u32 $0x40, s29;
	s3 =	sand.u32 $0x1F00, s28;
	v8 =	vadd.s32 v10, v19;
	v19 =	vshll.u32 v12, $0x7;
	v10 =	vshll.u32 v13, $0x7;
	s0 =	sadd.s32 s0, s28;
	[tilespmem:v7+s2+$0x0] =	vst.idx.add.f32.msk $0xffff, v1;
	v1 =	vmovc v11  }
0x1a9: {  	s31 =	sor.u32 s1, s3;
	v13 =	vand.u32 $0x380, v3;
	v7 =	vadd.s32 v21, v22;
	v11 =	vadd.s32 v16, v18;
	s1 =	sadd.s32 $0x10, s0;
	s3 =	sadd.s32 $0x30, s0;
	[tilespmem:v17+s2+$0x0] =	vst.idx.add.f32.msk $0xffff, v15  }
0x1aa: {  	v12 =	vand.u32 $0x380, v19;
	v10 =	vand.u32 $0x380, v10;
	v3 =	vmovc v9;
	s5 =	sadd.s32 $0x20, s0;
	v7 =	vor.u32 v13, v7;
	v2 =	vmovc v14;
	s1 =	sor.u32 $0x80, s1;
	v15 =	vld [tilespmem:s31+$0x10030];
	s3 =	sor.u32 $0x80, s3  }
0x1ab: {  	v9 =	vand.u32 $0x7F, v5;
	s0 =	sor.u32 $0x80, s0;
	v8 =	vor.u32 v12, v8;
	v11 =	vor.u32 v10, v11;
	s5 =	sor.u32 $0x80, s5;
	v14 =	vld [tilespmem:s3+$0x10000]  }
0x1ac: {  	v6 =	vand.u32 $0x7F, v6;
	v10 =	vor.u32 v9, v8;
	v8 =	vand.u32 $0x7F, v4;
	v5 =	vld [tilespmem:s1+$0x10000]  }
0x1ad: {  	v7 =	vor.u32 v6, v7;
	v8 =	vor.u32 v8, v11;
	v4 =	vld [tilespmem:s5+$0x10000]  }
0x1ae: {  	v6 =	vld [tilespmem:s0+$0x10000]  }
0x1af: {  	v16 =	vld [tilespmem:s31+$0x10000]  }
0x1b0: {  	v9 =	vshll.u32 v15, $0x8;
	v12 =	vld [tilespmem:s31+$0x10010];
	v11 =	vshll.u32 v14, $0x3  }
.Ltmp11:
0x1b1: {  	v15 =	vshll.u32 v15, $0x7;
	v9 =	vand.u32 $0xFFFFF800, v9;
	v13 =	vld [tilespmem:s31+$0x10020];
	v17 =	vand.u32 $0xFFFFFC00, v11;
	(pc) =	sbr.rel @p1 .LBB2_24-.Ltmp11, $4  }
0x1b2: {  	v15 =	vand.u32 $0x380, v15;
	v18 =	vshll.u32 v5, $0x3;
	v11 =	vld [tilespmem:s31+$0x14000];
	v17 =	vadd.s32 v9, v17  }
0x1b3: {  	v14 =	vand.u32 $0x7F, v14;
	v23 =	vshll.u32 v4, $0x3;
	v9 =	vld [tilespmem:s31+$0x14010];
	v17 =	vor.u32 v15, v17  }
0x1b4: {  	v22 =	vshll.u32 v6, $0x3;
	v21 =	vshll.u32 v16, $0x8;
	v15 =	vld [tilespmem:s31+$0x14030];
	v17 =	vor.u32 v14, v17  }
0x1b5: {  	p0 =	por !p0, !p0;
	v19 =	vand.u32 $0xFFFFFC00, v18;
	v18 =	vand.u32 $0xFFFFFC00, v23;
	v20 =	vshll.u32 v12, $0x8;
	v14 =	vld [tilespmem:s31+$0x14020]  }
0x1b6: {  	v21 =	vand.u32 $0xFFFFF800, v21  }
0x1b7: {  	v22 =	vand.u32 $0xFFFFFC00, v22;
	v23 =	vshll.u32 v13, $0x8;
	v20 =	vand.u32 $0xFFFFF800, v20  }
0x1b8: {  	v16 =	vshll.u32 v16, $0x7;
	v12 =	vshll.u32 v12, $0x7;
	v62 =	vshll.u32 v13, $0x7  }
0x1b9: {  	v5 =	vand.u32 $0x7F, v5;
	v6 =	vand.u32 $0x7F, v6;
	v23 =	vand.u32 $0xFFFFF800, v23  }
0x1ba: {  	v19 =	vadd.s32 v20, v19;
	v63 =	vadd.s32 v21, v22;
	v12 =	vand.u32 $0x380, v12  }
0x1bb: {  	[tilespmem:v10+s2+$0x0] =	vst.idx.add.f32.msk $0xffff, v3;
	v16 =	vand.u32 $0x380, v16;
	v13 =	vand.u32 $0x380, v62;
	v12 =	vor.u32 v12, v19  }
0x1bc: {  	v18 =	vadd.s32 v23, v18;
	v3 =	vor.u32 v16, v63;
	v5 =	vor.u32 v5, v12  }
0x1bd: {  	v4 =	vand.u32 $0x7F, v4;
	[tilespmem:v8+s2+$0x0] =	vst.idx.add.f32.msk $0xffff, v2;
	v13 =	vor.u32 v13, v18;
	v2 =	vor.u32 v6, v3  }
0x1be: {  	v4 =	vor.u32 v4, v13  }
0x1bf: {  	[tilespmem:v7+s2+$0x0] =	vst.idx.add.f32.msk $0xffff, v1  }
0x1c0: {  	[tilespmem:v17+s2+$0x0] =	vst.idx.add.f32.msk $0xffff, v15  }
0x1c1: {  	[tilespmem:v5+s2+$0x0] =	vst.idx.add.f32.msk $0xffff, v9  }
0x1c2: {  	s0 =	simm.s32 $0x0;
	s28 =	simm.s32 $0x14000;
	[tilespmem:v2+s2+$0x0] =	vst.idx.add.f32.msk $0xffff, v11  }
0x1c3: {  	s29 =	simm.s32 $0x10;
	s31 =	sadd.s32 $0x0, s16;
	s30 =	simm.s32 $0x14100;
	[tilespmem:v4+s2+$0x0] =	vst.idx.add.f32.msk $0xffff, v14  }
0x1c4: {  	[tilespmem:s21], [sflag:$0x1] =	stream.linear.gather [hbm4b:s15+s0], $0x2000, $0x38;
	[tilespmem:$0x16000] =	vst v63  }
.LBB2_26:
0x1c5: {  	[tilespmem:s28], [sflag:$0x1] =	stream.linear.gather [hbm4b:s31+s2], $0x80, $0x38;
	[tilespmem:$0x16000] =	vst v63  }
0x1c6: {  	s0 =	smov.u32 s29;
	s28 =	smov.u32 s30;
	p0 =	sne.s32 s29, $0x1F0  }
.Ltmp12:
0x1c7: {  	s29 =	sadd.s32 $0x10, s29;
	(pc) =	sbr.rel @p0 .LBB2_26-.Ltmp12, $2  }
0x1c8: {  	_ =	sdelay $0x2  }
0x1c9: {  	s30 =	sadd.s32 $0x100, s30;
	s31 =	sadd.s32 s0, s16  }
0x1ca: {  	[tilespmem:s28], [sflag:$0x1] =	stream.linear.gather [hbm4b:s31+s2], $0x80, $0x38;
	[tilespmem:$0x16000] =	vst v63  }
0x1cb: {  	_ =	swait.ge [sflag:s24], $0x2000  }
0x1cc: {  	[sflag:s24] =	ssyncset.done $0x0  }
0x1cd: {  	s0 =	simm.s32 $0x0;
	[sflag:s24] =	ssyncadd.s32 $0xFFFFE000  }
0x1ce: {  	s1 =	sand.u32 $0x40, s0;
	s0 =	sand.u32 $0x1F00, s0;
	_ =	swait.ge [sflag:s24], $0x1000  }
0x1cf: {  	s3 =	sor.u32 $0x12000, s0;
	s5 =	sor.u32 $0x30, s1;
	[sflag:s24] =	ssyncset.done $0x0  }
0x1d0: {  	s0 =	sor.u32 $0x12080, s0;
	s7 =	sor.u32 s5, s3;
	[sflag:s24] =	ssyncadd.s32 $0xFFFFF000  }
0x1d1: {  	s5 =	sor.u32 s5, s0;
	v1 =	vld [tilespmem:s7+$0x0]  }
0x1d2: {  	v2 =	vld [tilespmem:s5+$0x0]  }
0x1d3: {  	p0 =	por $0x0, $0x0;
	s11 =	sor.u32 s1, s3;
	s5 =	simm.s32 $0x1  }
0x1d4: {  	s9 =	sor.u32 s1, s0;
	s7 =	sor.u32 $0x10, s1;
	v3 =	vld [tilespmem:s11+$0x0];
	s5 =	simm.s32 @!p0 $0x0  }
0x1d5: {  	v4 =	vld [tilespmem:s9+$0x0];
	s11 =	sor.u32 s7, s3;
	s5 =	sshll.u32 s5, $0x6  }
0x1d6: {  	s1 =	sor.u32 $0x20, s1;
	s7 =	sor.u32 s7, s0;
	v5 =	vld [tilespmem:s11+$0x0];
	s5 =	sadd.s32 $0x0, s5  }
0x1d7: {  	s3 =	sor.u32 s1, s3;
	v8 =	vld [tilespmem:s7+$0x0];
	s11 =	sadd.s32 $0x10, s5;
	v6 =	vshll.u32 v1, $0x8;
	v7 =	vshll.u32 v2, $0x3  }
0x1d8: {  	s0 =	sor.u32 s1, s0;
	v9 =	vld [tilespmem:s3+$0x0];
	v1 =	vshll.u32 v1, $0x7;
	s1 =	sor.u32 $0x80, s11;
	v6 =	vand.u32 $0xFFFFF800, v6;
	v7 =	vand.u32 $0xFFFFFC00, v7  }
0x1d9: {  	s7 =	sadd.s32 $0x30, s5;
	v1 =	vand.u32 $0x380, v1;
	v12 =	vld [tilespmem:s1+$0x14000];
	v6 =	vadd.s32 v6, v7  }
0x1da: {  	s3 =	sadd.s32 $0x20, s5;
	s9 =	sor.u32 $0x80, s7;
	v2 =	vand.u32 $0x7F, v2;
	v7 =	vld [tilespmem:s0+$0x0];
	v1 =	vor.u32 v1, v6  }
0x1db: {  	s7 =	simm.s32 $0x80;
	s0 =	sor.u32 $0x80, s3;
	v6 =	vld [tilespmem:s9+$0x14000];
	s9 =	simm.s32 $0x40;
	v2 =	vor.u32 v2, v1;
	v1 =	vshll.u32 v3, $0x8  }
0x1dc: {  	s5 =	sor.u32 $0x80, s5;
	v10 =	vshll.u32 v4, $0x3;
	s1 =	sand.u32 $0x1F00, s7;
	v14 =	vand.u32 $0xFFFFF800, v1;
	v1 =	vld [tilespmem:s0+$0x14000];
	s0 =	sand.u32 $0x40, s9  }
0x1dd: {  	v4 =	vand.u32 $0x7F, v4;
	v11 =	vshll.u32 v5, $0x8;
	v13 =	vshll.u32 v8, $0x3;
	s3 =	sor.u32 $0x12000, s1;
	s1 =	sor.u32 $0x12080, s1;
	s11 =	sor.u32 $0x30, s0  }
0x1de: {  	v16 =	vld [tilespmem:s5+$0x14000];
	v10 =	vand.u32 $0xFFFFFC00, v10;
	v11 =	vand.u32 $0xFFFFF800, v11;
	v13 =	vand.u32 $0xFFFFFC00, v13;
	s5 =	sor.u32 s11, s1  }
0x1df: {  	v15 =	vshll.u32 v9, $0x8;
	v5 =	vshll.u32 v5, $0x7;
	v11 =	vadd.s32 v11, v13;
	v13 =	vld [tilespmem:s5+$0x0]  }
0x1e0: {  	v9 =	vshll.u32 v9, $0x7;
	v15 =	vand.u32 $0xFFFFF800, v15;
	v3 =	vshll.u32 v3, $0x7;
	s9 =	sor.u32 s11, s3;
	[tilespmem:v2+s2+$0x0] =	vst.idx.add.f32.msk $0xffff, v6  }
0x1e1: {  	v3 =	vand.u32 $0x380, v3;
	v17 =	vshll.u32 v7, $0x3;
	s11 =	sor.u32 s0, s3;
	v2 =	vadd.s32 v14, v10;
	v10 =	vld [tilespmem:s9+$0x0]  }
0x1e2: {  	v17 =	vand.u32 $0xFFFFFC00, v17;
	s5 =	sor.u32 $0x10, s0;
	s9 =	sor.u32 s0, s1;
	v6 =	vld [tilespmem:s11+$0x0];
	v2 =	vor.u32 v3, v2;
	v3 =	vand.u32 $0x380, v5  }
0x1e3: {  	p0 =	por !p0, !p0;
	s11 =	sor.u32 s5, s3;
	v3 =	vor.u32 v3, v11;
	v11 =	vor.u32 v4, v2;
	v4 =	vand.u32 $0x7F, v8;
	v2 =	vld [tilespmem:s9+$0x0]  }
0x1e4: {  	s7 =	simm.s32 $0x1;
	v9 =	vand.u32 $0x380, v9;
	s0 =	sor.u32 $0x20, s0;
	s5 =	sor.u32 s5, s1;
	v5 =	vadd.s32 v15, v17;
	v8 =	vld [tilespmem:s11+$0x0];
	v14 =	vor.u32 v4, v3  }
0x1e5: {  	s7 =	simm.s32 @!p0 $0x0;
	s3 =	sor.u32 s0, s3;
	v4 =	vor.u32 v9, v5;
	v5 =	vand.u32 $0x7F, v7;
	v3 =	vld [tilespmem:s5+$0x0]  }
0x1e6: {  	s0 =	sor.u32 s0, s1;
	s11 =	sshll.u32 s7, $0x6;
	v9 =	vld [tilespmem:s3+$0x0];
	v5 =	vor.u32 v5, v4;
	v15 =	vshll.u32 v13, $0x3;
	v7 =	vshll.u32 v10, $0x8  }
0x1e7: {  	s1 =	sadd.s32 $0x80, s11;
	v4 =	vld [tilespmem:s0+$0x0];
	v15 =	vand.u32 $0xFFFFFC00, v15;
	v10 =	vshll.u32 v10, $0x7;
	v7 =	vand.u32 $0xFFFFF800, v7  }
0x1e8: {  	s5 =	sadd.s32 $0x30, s1;
	v13 =	vand.u32 $0x7F, v13;
	v10 =	vand.u32 $0x380, v10;
	v7 =	vadd.s32 v7, v15;
	[tilespmem:v11+s2+$0x0] =	vst.idx.add.f32.msk $0xffff, v16  }
0x1e9: {  	s9 =	sadd.s32 $0x20, s1;
	v17 =	vshll.u32 v6, $0x8;
	s0 =	sor.u32 $0x80, s5;
	v11 =	vshll.u32 v2, $0x3;
	v7 =	vor.u32 v10, v7;
	[tilespmem:v14+s2+$0x0] =	vst.idx.add.f32.msk $0xffff, v12  }
0x1ea: {  	s7 =	sadd.s32 $0x10, s1;
	s11 =	sor.u32 $0x80, s9;
	v15 =	vand.u32 $0xFFFFF800, v17;
	v14 =	vshll.u32 v8, $0x8;
	v10 =	vld [tilespmem:s0+$0x14000];
	v12 =	vor.u32 v13, v7  }
0x1eb: {  	s28 =	simm.s32 $0x4;
	s3 =	sor.u32 $0x80, s7;
	v18 =	vshll.u32 v3, $0x3;
	v16 =	vand.u32 $0xFFFFFC00, v11;
	v17 =	vshll.u32 v9, $0x8;
	v11 =	vld [tilespmem:s11+$0x14000]  }
0x1ec: {  	s29 =	simm.s32 $0x100;
	s30 =	simm.s32 $0x80;
	s31 =	sor.u32 $0x80, s1;
	v7 =	vld [tilespmem:s3+$0x14000];
	v13 =	vand.u32 $0xFFFFF800, v14;
	v14 =	vand.u32 $0xFFFFFC00, v18;
	v18 =	vshll.u32 v4, $0x3  }
.LBB2_28:
0x1ed: {  	s0 =	sand.u32 $0x40, s30;
	s1 =	sand.u32 $0x1F00, s29;
	v19 =	vld [tilespmem:s31+$0x14000];
	v6 =	vshll.u32 v6, $0x7;
	v17 =	vand.u32 $0xFFFFF800, v17;
	v18 =	vand.u32 $0xFFFFFC00, v18  }
0x1ee: {  	s28 =	sadd.s32 $0x4, s28;
	v15 =	vadd.s32 v15, v16;
	v8 =	vshll.u32 v8, $0x7;
	v9 =	vshll.u32 v9, $0x7;
	s3 =	sor.u32 $0x12000, s1;
	s5 =	sor.u32 $0x30, s0;
	[tilespmem:v5+s2+$0x0] =	vst.idx.add.f32.msk $0xffff, v1  }
0x1ef: {  	s1 =	sor.u32 $0x12080, s1;
	p1 =	slt.u32 s28, $0xFC;
	v16 =	vand.u32 $0x380, v6;
	v5 =	vadd.s32 v13, v14;
	v6 =	vadd.s32 v17, v18;
	s7 =	sor.u32 s5, s3;
	[tilespmem:v12+s2+$0x0] =	vst.idx.add.f32.msk $0xffff, v10  }
0x1f0: {  	s9 =	sor.u32 $0x10, s0;
	s11 =	sor.u32 $0x20, s0;
	v14 =	vand.u32 $0x380, v8;
	v8 =	vand.u32 $0x380, v9;
	s5 =	sor.u32 s5, s1;
	v12 =	vor.u32 v16, v15;
	v10 =	vld [tilespmem:s7+$0x0]  }
0x1f1: {  	v2 =	vand.u32 $0x7F, v2;
	s31 =	sor.u32 s9, s3;
	v5 =	vor.u32 v14, v5;
	v8 =	vor.u32 v8, v6;
	s7 =	sor.u32 s0, s3;
	s0 =	sor.u32 s0, s1;
	v13 =	vld [tilespmem:s5+$0x0];
	v1 =	vmovc v11  }
0x1f2: {  	v3 =	vand.u32 $0x7F, v3;
	v4 =	vand.u32 $0x7F, v4;
	s3 =	sor.u32 s11, s3;
	s5 =	sor.u32 s9, s1;
	s1 =	sor.u32 s11, s1;
	v11 =	vor.u32 v2, v12;
	v6 =	vld [tilespmem:s7+$0x0]  }
0x1f3: {  	p0 =	por !p0, !p0;
	v12 =	vor.u32 v3, v5;
	v5 =	vor.u32 v4, v8;
	v2 =	vld [tilespmem:s0+$0x0];
	s0 =	simm.s32 $0x1  }
0x1f4: {  	v8 =	vld [tilespmem:s31+$0x0];
	s0 =	simm.s32 @!p0 $0x0  }
0x1f5: {  	v3 =	vld [tilespmem:s5+$0x0];
	s0 =	sshll.u32 s0, $0x6  }
0x1f6: {  	v14 =	vshll.u32 v10, $0x8;
	v9 =	vld [tilespmem:s3+$0x0];
	v15 =	vshll.u32 v13, $0x3;
	s0 =	sadd.s32 s0, s29  }
0x1f7: {  	v10 =	vshll.u32 v10, $0x7;
	v14 =	vand.u32 $0xFFFFF800, v14;
	v4 =	vld [tilespmem:s1+$0x0];
	v15 =	vand.u32 $0xFFFFFC00, v15;
	s1 =	sadd.s32 $0x10, s0  }
.Ltmp13:
0x1f8: {  	v10 =	vand.u32 $0x380, v10;
	v16 =	vshll.u32 v6, $0x8;
	s3 =	sadd.s32 $0x20, s0;
	s5 =	sadd.s32 $0x30, s0;
	v14 =	vadd.s32 v14, v15;
	[tilespmem:v11+s2+$0x0] =	vst.idx.add.f32.msk $0xffff, v19;
	(pc) =	sbr.rel @p1 .LBB2_28-.Ltmp13, $4  }
0x1f9: {  	v13 =	vand.u32 $0x7F, v13;
	v11 =	vshll.u32 v2, $0x3;
	s1 =	sor.u32 $0x80, s1;
	s3 =	sor.u32 $0x80, s3;
	s5 =	sor.u32 $0x80, s5;
	v14 =	vor.u32 v10, v14;
	[tilespmem:v12+s2+$0x0] =	vst.idx.add.f32.msk $0xffff, v7  }
0x1fa: {  	s31 =	sor.u32 $0x80, s0;
	v18 =	vshll.u32 v8, $0x8;
	v19 =	vshll.u32 v3, $0x3;
	v10 =	vld [tilespmem:s5+$0x14000];
	v12 =	vor.u32 v13, v14  }
0x1fb: {  	v15 =	vand.u32 $0xFFFFF800, v16;
	v16 =	vand.u32 $0xFFFFFC00, v11;
	v7 =	vld [tilespmem:s1+$0x14000];
	v17 =	vshll.u32 v9, $0x8  }
0x1fc: {  	s30 =	sadd.s32 $0x40, s30;
	s29 =	sadd.s32 $0x80, s29;
	v13 =	vand.u32 $0xFFFFF800, v18;
	v14 =	vand.u32 $0xFFFFFC00, v19;
	v11 =	vld [tilespmem:s3+$0x14000];
	v18 =	vshll.u32 v4, $0x3  }
0x1fd: {  	v6 =	vshll.u32 v6, $0x7  }
0x1fe: {  	v17 =	vand.u32 $0xFFFFF800, v17;
	v18 =	vand.u32 $0xFFFFFC00, v18;
	v15 =	vadd.s32 v15, v16  }
0x1ff: {  	v8 =	vshll.u32 v8, $0x7;
	v9 =	vshll.u32 v9, $0x7;
	v13 =	vadd.s32 v13, v14  }
0x200: {  	v2 =	vand.u32 $0x7F, v2;
	v3 =	vand.u32 $0x7F, v3;
	v6 =	vand.u32 $0x380, v6  }
0x201: {  	v61 =	vadd.s32 v17, v18;
	v8 =	vand.u32 $0x380, v8;
	v6 =	vor.u32 v6, v15  }
0x202: {  	v62 =	vld [tilespmem:s31+$0x14000];
	v9 =	vand.u32 $0x380, v9;
	v8 =	vor.u32 v8, v13;
	v2 =	vor.u32 v2, v6  }
0x203: {  	v4 =	vand.u32 $0x7F, v4;
	v63 =	vor.u32 v9, v61;
	v3 =	vor.u32 v3, v8  }
0x204: {  	v4 =	vor.u32 v4, v63  }
0x205: {  	[tilespmem:v5+s2+$0x0] =	vst.idx.add.f32.msk $0xffff, v1  }
0x206: {  	[tilespmem:v12+s2+$0x0] =	vst.idx.add.f32.msk $0xffff, v10  }
0x207: {  	[tilespmem:v2+s2+$0x0] =	vst.idx.add.f32.msk $0xffff, v62  }
0x208: {  	s0 =	simm.s32 $0x0;
	s28 =	simm.s32 $0x14080;
	[tilespmem:v3+s2+$0x0] =	vst.idx.add.f32.msk $0xffff, v7  }
0x209: {  	s29 =	simm.s32 $0x10;
	s31 =	sadd.s32 $0x0, s18;
	s30 =	simm.s32 $0x14180;
	[tilespmem:v4+s2+$0x0] =	vst.idx.add.f32.msk $0xffff, v11  }
0x20a: {  	[tilespmem:s22], [sflag:$0x2] =	stream.linear.gather [hbm4b:s17+s0], $0x2000, $0x38;
	[tilespmem:$0x16000] =	vst v63  }
.LBB2_30:
0x20b: {  	[tilespmem:s28], [sflag:$0x2] =	stream.linear.gather [hbm4b:s31+s2], $0x80, $0x38;
	[tilespmem:$0x16000] =	vst v63  }
0x20c: {  	s0 =	smov.u32 s29;
	s28 =	smov.u32 s30;
	p0 =	sne.s32 s29, $0x1F0  }
.Ltmp14:
0x20d: {  	s29 =	sadd.s32 $0x10, s29;
	(pc) =	sbr.rel @p0 .LBB2_30-.Ltmp14, $2  }
0x20e: {  	_ =	sdelay $0x2  }
0x20f: {  	s30 =	sadd.s32 $0x100, s30;
	s31 =	sadd.s32 s0, s18  }
0x210: {  	[tilespmem:s28], [sflag:$0x2] =	stream.linear.gather [hbm4b:s31+s2], $0x80, $0x38;
	[tilespmem:$0x16000] =	vst v63  }
0x211: {  	_ =	swait.ge [sflag:s23], $0x2000  }
0x212: {  	p0 =	por $0x0, $0x0;
	s0 =	simm.s32 $0x1;
	[sflag:s23] =	ssyncset.done $0x0  }
0x213: {  	s1 =	simm.s32 $0x0;
	s0 =	simm.s32 @!p0 $0x0;
	[sflag:s23] =	ssyncadd.s32 $0xFFFFE000  }
0x214: {  	s3 =	sand.u32 $0x40, s1;
	s0 =	sshll.u32 s0, $0x6;
	_ =	swait.ge [sflag:s23], $0x1000  }
0x215: {  	s1 =	sand.u32 $0x1F00, s1;
	s0 =	sadd.s32 $0x0, s0;
	[sflag:s23] =	ssyncset.done $0x0  }
0x216: {  	s1 =	sor.u32 s3, s1;
	s11 =	sadd.s32 $0x30, s0;
	[sflag:s23] =	ssyncadd.s32 $0xFFFFF000  }
0x217: {  	s3 =	sor.u32 $0x80, s11;
	v1 =	vld [tilespmem:s1+$0x10030]  }
0x218: {  	s5 =	sadd.s32 $0x20, s0;
	v2 =	vld [tilespmem:s3+$0x10000]  }
0x219: {  	s5 =	sor.u32 $0x80, s5  }
0x21a: {  	s31 =	sadd.s32 $0x10, s0;
	s0 =	sor.u32 $0x80, s0;
	v7 =	vld [tilespmem:s5+$0x10000]  }
0x21b: {  	v6 =	vld [tilespmem:s0+$0x10000]  }
0x21c: {  	s3 =	sor.u32 $0x80, s31;
	v8 =	vld [tilespmem:s1+$0x10000]  }
0x21d: {  	v4 =	vld [tilespmem:s3+$0x10000];
	v3 =	vshll.u32 v1, $0x8;
	v5 =	vshll.u32 v2, $0x3  }
0x21e: {  	p0 =	por !p0, !p0;
	v9 =	vld [tilespmem:s1+$0x10010];
	s0 =	simm.s32 $0x1;
	v1 =	vshll.u32 v1, $0x7;
	v3 =	vand.u32 $0xFFFFF800, v3;
	v5 =	vand.u32 $0xFFFFFC00, v5  }
0x21f: {  	v10 =	vld [tilespmem:s1+$0x14030];
	s0 =	simm.s32 @!p0 $0x0;
	v1 =	vand.u32 $0x380, v1;
	v3 =	vadd.s32 v3, v5  }
0x220: {  	s0 =	sshll.u32 s0, $0x6;
	v2 =	vand.u32 $0x7F, v2;
	v5 =	vld [tilespmem:s1+$0x10020];
	v1 =	vor.u32 v1, v3  }
0x221: {  	s28 =	simm.s32 $0x80;
	s29 =	simm.s32 $0x40;
	s0 =	sadd.s32 $0x80, s0;
	v12 =	vshll.u32 v7, $0x3;
	v13 =	vshll.u32 v8, $0x8;
	v3 =	vld [tilespmem:s1+$0x14010];
	v11 =	vor.u32 v2, v1  }
0x222: {  	s7 =	sand.u32 $0x1F00, s28;
	s5 =	sand.u32 $0x40, s29;
	s9 =	sadd.s32 $0x30, s0;
	v14 =	vshll.u32 v6, $0x3;
	v8 =	vshll.u32 v8, $0x7;
	v1 =	vld [tilespmem:s1+$0x14000];
	v2 =	vshll.u32 v4, $0x3  }
0x223: {  	s3 =	sor.u32 $0x80, s9;
	v13 =	vand.u32 $0xFFFFF800, v13;
	v14 =	vand.u32 $0xFFFFFC00, v14;
	v16 =	vand.u32 $0xFFFFFC00, v2;
	v2 =	vld [tilespmem:s1+$0x14020];
	s1 =	sor.u32 s5, s7;
	s7 =	sadd.s32 $0x20, s0  }
0x224: {  	v15 =	vshll.u32 v9, $0x8;
	v8 =	vand.u32 $0x380, v8;
	v13 =	vadd.s32 v13, v14;
	v14 =	vld [tilespmem:s3+$0x10000];
	s31 =	sor.u32 $0x80, s7  }
0x225: {  	v9 =	vshll.u32 v9, $0x7;
	v8 =	vor.u32 v8, v13;
	v13 =	vand.u32 $0x7F, v4;
	v4 =	vld [tilespmem:s31+$0x10000]  }
0x226: {  	s11 =	sadd.s32 $0x10, s0;
	v12 =	vand.u32 $0xFFFFFC00, v12;
	v15 =	vand.u32 $0xFFFFF800, v15;
	v17 =	vshll.u32 v5, $0x8;
	[tilespmem:v11+s2+$0x0] =	vst.idx.add.f32.msk $0xffff, v10  }
0x227: {  	s5 =	sor.u32 $0x80, s11;
	v10 =	vand.u32 $0xFFFFF800, v17;
	v11 =	vadd.s32 v15, v16;
	v15 =	vld [tilespmem:s1+$0x10030];
	v16 =	vshll.u32 v5, $0x7  }
0x228: {  	v9 =	vand.u32 $0x380, v9;
	v5 =	vld [tilespmem:s5+$0x10000];
	v10 =	vadd.s32 v10, v12;
	v12 =	vand.u32 $0x380, v16  }
0x229: {  	s0 =	sor.u32 $0x80, s0;
	v9 =	vor.u32 v9, v11;
	v16 =	vld [tilespmem:s1+$0x10000];
	v11 =	vor.u32 v12, v10;
	v12 =	vand.u32 $0x7F, v6  }
0x22a: {  	v6 =	vld [tilespmem:s0+$0x10000];
	v10 =	vor.u32 v13, v9;
	v9 =	vand.u32 $0x7F, v7;
	v7 =	vor.u32 v12, v8  }
0x22b: {  	v8 =	vor.u32 v9, v11;
	v12 =	vld [tilespmem:s1+$0x10010];
	v11 =	vshll.u32 v14, $0x3;
	v23 =	vshll.u32 v4, $0x3  }
0x22c: {  	v13 =	vld [tilespmem:s1+$0x10020];
	v14 =	vand.u32 $0x7F, v14;
	v17 =	vand.u32 $0xFFFFFC00, v11;
	v9 =	vshll.u32 v15, $0x8  }
0x22d: {  	v11 =	vld [tilespmem:s1+$0x14000];
	v15 =	vshll.u32 v15, $0x7;
	v18 =	vshll.u32 v5, $0x3;
	v9 =	vand.u32 $0xFFFFF800, v9  }
0x22e: {  	v15 =	vand.u32 $0x380, v15;
	v21 =	vshll.u32 v16, $0x8;
	v17 =	vadd.s32 v9, v17;
	v9 =	vld [tilespmem:s1+$0x14010]  }
0x22f: {  	v19 =	vand.u32 $0xFFFFFC00, v18;
	v18 =	vand.u32 $0xFFFFFC00, v23;
	v17 =	vor.u32 v15, v17;
	v15 =	vld [tilespmem:s1+$0x14030]  }
0x230: {  	s30 =	simm.s32 $0x4;
	p0 =	por !p0, !p0;
	v22 =	vshll.u32 v6, $0x3;
	v20 =	vshll.u32 v12, $0x8;
	v17 =	vor.u32 v14, v17;
	v14 =	vld [tilespmem:s1+$0x14020]  }
.LBB2_32:
0x231: {  	s0 =	simm.s32 $0x1  }
0x232: {  	s30 =	sadd.s32 $0x4, s30;
	v21 =	vand.u32 $0xFFFFF800, v21;
	v22 =	vand.u32 $0xFFFFFC00, v22;
	v23 =	vshll.u32 v13, $0x8;
	s28 =	sadd.s32 $0x80, s28;
	[tilespmem:v10+s2+$0x0] =	vst.idx.add.f32.msk $0xffff, v3;
	s0 =	simm.s32 @!p0 $0x0  }
0x233: {  	v3 =	vshll.u32 v16, $0x7;
	v10 =	vand.u32 $0xFFFFF800, v20;
	s29 =	sadd.s32 $0x40, s29;
	p1 =	slt.u32 s30, $0xFC;
	v16 =	vand.u32 $0xFFFFF800, v23;
	s0 =	sshll.u32 s0, $0x6;
	[tilespmem:v8+s2+$0x0] =	vst.idx.add.f32.msk $0xffff, v2  }
0x234: {  	s1 =	sand.u32 $0x40, s29;
	s3 =	sand.u32 $0x1F00, s28;
	v8 =	vadd.s32 v10, v19;
	v19 =	vshll.u32 v12, $0x7;
	v10 =	vshll.u32 v13, $0x7;
	s0 =	sadd.s32 s0, s28;
	[tilespmem:v7+s2+$0x0] =	vst.idx.add.f32.msk $0xffff, v1;
	v1 =	vmovc v11  }
0x235: {  	s31 =	sor.u32 s1, s3;
	v13 =	vand.u32 $0x380, v3;
	v7 =	vadd.s32 v21, v22;
	v11 =	vadd.s32 v16, v18;
	s1 =	sadd.s32 $0x10, s0;
	s3 =	sadd.s32 $0x30, s0;
	[tilespmem:v17+s2+$0x0] =	vst.idx.add.f32.msk $0xffff, v15  }
0x236: {  	v12 =	vand.u32 $0x380, v19;
	v10 =	vand.u32 $0x380, v10;
	v3 =	vmovc v9;
	s5 =	sadd.s32 $0x20, s0;
	v7 =	vor.u32 v13, v7;
	v2 =	vmovc v14;
	s1 =	sor.u32 $0x80, s1;
	v15 =	vld [tilespmem:s31+$0x10030];
	s3 =	sor.u32 $0x80, s3  }
0x237: {  	v9 =	vand.u32 $0x7F, v5;
	s0 =	sor.u32 $0x80, s0;
	v8 =	vor.u32 v12, v8;
	v11 =	vor.u32 v10, v11;
	s5 =	sor.u32 $0x80, s5;
	v14 =	vld [tilespmem:s3+$0x10000]  }
0x238: {  	v6 =	vand.u32 $0x7F, v6;
	v10 =	vor.u32 v9, v8;
	v8 =	vand.u32 $0x7F, v4;
	v5 =	vld [tilespmem:s1+$0x10000]  }
0x239: {  	v7 =	vor.u32 v6, v7;
	v8 =	vor.u32 v8, v11;
	v4 =	vld [tilespmem:s5+$0x10000]  }
0x23a: {  	v6 =	vld [tilespmem:s0+$0x10000]  }
0x23b: {  	v16 =	vld [tilespmem:s31+$0x10000]  }
0x23c: {  	v9 =	vshll.u32 v15, $0x8;
	v12 =	vld [tilespmem:s31+$0x10010];
	v11 =	vshll.u32 v14, $0x3  }
.Ltmp15:
0x23d: {  	v15 =	vshll.u32 v15, $0x7;
	v9 =	vand.u32 $0xFFFFF800, v9;
	v13 =	vld [tilespmem:s31+$0x10020];
	v17 =	vand.u32 $0xFFFFFC00, v11;
	(pc) =	sbr.rel @p1 .LBB2_32-.Ltmp15, $4  }
0x23e: {  	v15 =	vand.u32 $0x380, v15;
	v18 =	vshll.u32 v5, $0x3;
	v11 =	vld [tilespmem:s31+$0x14000];
	v17 =	vadd.s32 v9, v17  }
0x23f: {  	v14 =	vand.u32 $0x7F, v14;
	v23 =	vshll.u32 v4, $0x3;
	v9 =	vld [tilespmem:s31+$0x14010];
	v17 =	vor.u32 v15, v17  }
0x240: {  	v22 =	vshll.u32 v6, $0x3;
	v21 =	vshll.u32 v16, $0x8;
	v15 =	vld [tilespmem:s31+$0x14030];
	v17 =	vor.u32 v14, v17  }
0x241: {  	p0 =	por !p0, !p0;
	v19 =	vand.u32 $0xFFFFFC00, v18;
	v18 =	vand.u32 $0xFFFFFC00, v23;
	v20 =	vshll.u32 v12, $0x8;
	v14 =	vld [tilespmem:s31+$0x14020]  }
0x242: {  	v21 =	vand.u32 $0xFFFFF800, v21  }
0x243: {  	v22 =	vand.u32 $0xFFFFFC00, v22;
	v23 =	vshll.u32 v13, $0x8;
	v20 =	vand.u32 $0xFFFFF800, v20  }
0x244: {  	v16 =	vshll.u32 v16, $0x7;
	v12 =	vshll.u32 v12, $0x7;
	v13 =	vshll.u32 v13, $0x7  }
0x245: {  	v5 =	vand.u32 $0x7F, v5;
	v6 =	vand.u32 $0x7F, v6;
	v23 =	vand.u32 $0xFFFFF800, v23  }
0x246: {  	v19 =	vadd.s32 v20, v19;
	v20 =	vadd.s32 v21, v22;
	v12 =	vand.u32 $0x380, v12  }
0x247: {  	[tilespmem:v10+s2+$0x0] =	vst.idx.add.f32.msk $0xffff, v3;
	v16 =	vand.u32 $0x380, v16;
	v13 =	vand.u32 $0x380, v13;
	v12 =	vor.u32 v12, v19  }
0x248: {  	v18 =	vadd.s32 v23, v18;
	v3 =	vor.u32 v16, v20;
	v5 =	vor.u32 v5, v12  }
0x249: {  	v4 =	vand.u32 $0x7F, v4;
	[tilespmem:v8+s2+$0x0] =	vst.idx.add.f32.msk $0xffff, v2;
	v13 =	vor.u32 v13, v18;
	v2 =	vor.u32 v6, v3  }
0x24a: {  	v4 =	vor.u32 v4, v13  }
0x24b: {  	[tilespmem:v7+s2+$0x0] =	vst.idx.add.f32.msk $0xffff, v1  }
0x24c: {  	[tilespmem:v17+s2+$0x0] =	vst.idx.add.f32.msk $0xffff, v15  }
0x24d: {  	[tilespmem:v5+s2+$0x0] =	vst.idx.add.f32.msk $0xffff, v9  }
0x24e: {  	[tilespmem:v2+s2+$0x0] =	vst.idx.add.f32.msk $0xffff, v11  }
0x24f: {  	[tilespmem:v4+s2+$0x0] =	vst.idx.add.f32.msk $0xffff, v14  }
0x250: {  	_ =	swait.ge [sflag:s24], $0x2000  }
0x251: {  	[sflag:s24] =	ssyncset.done $0x0  }
0x252: {  	s0 =	simm.s32 $0x0;
	[sflag:s24] =	ssyncadd.s32 $0xFFFFE000  }
0x253: {  	s1 =	sand.u32 $0x40, s0;
	s0 =	sand.u32 $0x1F00, s0;
	_ =	swait.ge [sflag:s24], $0x1000  }
0x254: {  	s3 =	sor.u32 $0x12000, s0;
	s5 =	sor.u32 $0x30, s1;
	[sflag:s24] =	ssyncset.done $0x0  }
0x255: {  	s0 =	sor.u32 $0x12080, s0;
	s7 =	sor.u32 s5, s3;
	[sflag:s24] =	ssyncadd.s32 $0xFFFFF000  }
0x256: {  	s5 =	sor.u32 s5, s0;
	v1 =	vld [tilespmem:s7+$0x0]  }
0x257: {  	v2 =	vld [tilespmem:s5+$0x0]  }
0x258: {  	p0 =	por $0x0, $0x0;
	s11 =	sor.u32 s1, s3;
	s5 =	simm.s32 $0x1  }
0x259: {  	s9 =	sor.u32 s1, s0;
	s7 =	sor.u32 $0x10, s1;
	v3 =	vld [tilespmem:s11+$0x0];
	s5 =	simm.s32 @!p0 $0x0  }
0x25a: {  	v4 =	vld [tilespmem:s9+$0x0];
	s11 =	sor.u32 s7, s3;
	s5 =	sshll.u32 s5, $0x6  }
0x25b: {  	s1 =	sor.u32 $0x20, s1;
	s7 =	sor.u32 s7, s0;
	v5 =	vld [tilespmem:s11+$0x0];
	s5 =	sadd.s32 $0x0, s5  }
0x25c: {  	s3 =	sor.u32 s1, s3;
	v8 =	vld [tilespmem:s7+$0x0];
	s11 =	sadd.s32 $0x10, s5;
	v6 =	vshll.u32 v1, $0x8;
	v7 =	vshll.u32 v2, $0x3  }
0x25d: {  	s0 =	sor.u32 s1, s0;
	v9 =	vld [tilespmem:s3+$0x0];
	v1 =	vshll.u32 v1, $0x7;
	s1 =	sor.u32 $0x80, s11;
	v6 =	vand.u32 $0xFFFFF800, v6;
	v7 =	vand.u32 $0xFFFFFC00, v7  }
0x25e: {  	s7 =	sadd.s32 $0x30, s5;
	v1 =	vand.u32 $0x380, v1;
	v12 =	vld [tilespmem:s1+$0x14000];
	v6 =	vadd.s32 v6, v7  }
0x25f: {  	s3 =	sadd.s32 $0x20, s5;
	s9 =	sor.u32 $0x80, s7;
	v2 =	vand.u32 $0x7F, v2;
	v7 =	vld [tilespmem:s0+$0x0];
	v1 =	vor.u32 v1, v6  }
0x260: {  	s7 =	simm.s32 $0x80;
	s0 =	sor.u32 $0x80, s3;
	v6 =	vld [tilespmem:s9+$0x14000];
	s9 =	simm.s32 $0x40;
	v2 =	vor.u32 v2, v1;
	v1 =	vshll.u32 v3, $0x8  }
0x261: {  	s5 =	sor.u32 $0x80, s5;
	v10 =	vshll.u32 v4, $0x3;
	s1 =	sand.u32 $0x1F00, s7;
	v14 =	vand.u32 $0xFFFFF800, v1;
	v1 =	vld [tilespmem:s0+$0x14000];
	s0 =	sand.u32 $0x40, s9  }
0x262: {  	v4 =	vand.u32 $0x7F, v4;
	v11 =	vshll.u32 v5, $0x8;
	v13 =	vshll.u32 v8, $0x3;
	s3 =	sor.u32 $0x12000, s1;
	s1 =	sor.u32 $0x12080, s1;
	s11 =	sor.u32 $0x30, s0  }
0x263: {  	v16 =	vld [tilespmem:s5+$0x14000];
	v10 =	vand.u32 $0xFFFFFC00, v10;
	v11 =	vand.u32 $0xFFFFF800, v11;
	v13 =	vand.u32 $0xFFFFFC00, v13;
	s5 =	sor.u32 s11, s1  }
0x264: {  	v15 =	vshll.u32 v9, $0x8;
	v5 =	vshll.u32 v5, $0x7;
	v11 =	vadd.s32 v11, v13;
	v13 =	vld [tilespmem:s5+$0x0]  }
0x265: {  	v9 =	vshll.u32 v9, $0x7;
	v15 =	vand.u32 $0xFFFFF800, v15;
	v3 =	vshll.u32 v3, $0x7;
	s9 =	sor.u32 s11, s3;
	[tilespmem:v2+s2+$0x0] =	vst.idx.add.f32.msk $0xffff, v6  }
0x266: {  	v3 =	vand.u32 $0x380, v3;
	v17 =	vshll.u32 v7, $0x3;
	s11 =	sor.u32 s0, s3;
	v2 =	vadd.s32 v14, v10;
	v10 =	vld [tilespmem:s9+$0x0]  }
0x267: {  	v17 =	vand.u32 $0xFFFFFC00, v17;
	s5 =	sor.u32 $0x10, s0;
	s9 =	sor.u32 s0, s1;
	v6 =	vld [tilespmem:s11+$0x0];
	v2 =	vor.u32 v3, v2;
	v3 =	vand.u32 $0x380, v5  }
0x268: {  	p0 =	por !p0, !p0;
	s11 =	sor.u32 s5, s3;
	v3 =	vor.u32 v3, v11;
	v11 =	vor.u32 v4, v2;
	v4 =	vand.u32 $0x7F, v8;
	v2 =	vld [tilespmem:s9+$0x0]  }
0x269: {  	s7 =	simm.s32 $0x1;
	v9 =	vand.u32 $0x380, v9;
	s0 =	sor.u32 $0x20, s0;
	s5 =	sor.u32 s5, s1;
	v5 =	vadd.s32 v15, v17;
	v8 =	vld [tilespmem:s11+$0x0];
	v14 =	vor.u32 v4, v3  }
0x26a: {  	s7 =	simm.s32 @!p0 $0x0;
	s3 =	sor.u32 s0, s3;
	v4 =	vor.u32 v9, v5;
	v5 =	vand.u32 $0x7F, v7;
	v3 =	vld [tilespmem:s5+$0x0]  }
0x26b: {  	s0 =	sor.u32 s0, s1;
	s11 =	sshll.u32 s7, $0x6;
	v9 =	vld [tilespmem:s3+$0x0];
	v5 =	vor.u32 v5, v4;
	v15 =	vshll.u32 v13, $0x3;
	v7 =	vshll.u32 v10, $0x8  }
0x26c: {  	s1 =	sadd.s32 $0x80, s11;
	v4 =	vld [tilespmem:s0+$0x0];
	v15 =	vand.u32 $0xFFFFFC00, v15;
	v10 =	vshll.u32 v10, $0x7;
	v7 =	vand.u32 $0xFFFFF800, v7  }
0x26d: {  	s5 =	sadd.s32 $0x30, s1;
	v13 =	vand.u32 $0x7F, v13;
	v10 =	vand.u32 $0x380, v10;
	v7 =	vadd.s32 v7, v15;
	[tilespmem:v11+s2+$0x0] =	vst.idx.add.f32.msk $0xffff, v16  }
0x26e: {  	s9 =	sadd.s32 $0x20, s1;
	v17 =	vshll.u32 v6, $0x8;
	s0 =	sor.u32 $0x80, s5;
	v11 =	vshll.u32 v2, $0x3;
	v7 =	vor.u32 v10, v7;
	[tilespmem:v14+s2+$0x0] =	vst.idx.add.f32.msk $0xffff, v12  }
0x26f: {  	s7 =	sadd.s32 $0x10, s1;
	s11 =	sor.u32 $0x80, s9;
	v15 =	vand.u32 $0xFFFFF800, v17;
	v14 =	vshll.u32 v8, $0x8;
	v10 =	vld [tilespmem:s0+$0x14000];
	v12 =	vor.u32 v13, v7  }
0x270: {  	s28 =	simm.s32 $0x4;
	s3 =	sor.u32 $0x80, s7;
	v18 =	vshll.u32 v3, $0x3;
	v16 =	vand.u32 $0xFFFFFC00, v11;
	v17 =	vshll.u32 v9, $0x8;
	v11 =	vld [tilespmem:s11+$0x14000]  }
0x271: {  	s29 =	simm.s32 $0x100;
	s30 =	simm.s32 $0x80;
	s31 =	sor.u32 $0x80, s1;
	v7 =	vld [tilespmem:s3+$0x14000];
	v13 =	vand.u32 $0xFFFFF800, v14;
	v14 =	vand.u32 $0xFFFFFC00, v18;
	v18 =	vshll.u32 v4, $0x3  }
.LBB2_34:
0x272: {  	s0 =	sand.u32 $0x40, s30;
	s1 =	sand.u32 $0x1F00, s29;
	v19 =	vld [tilespmem:s31+$0x14000];
	v6 =	vshll.u32 v6, $0x7;
	v17 =	vand.u32 $0xFFFFF800, v17;
	v18 =	vand.u32 $0xFFFFFC00, v18  }
0x273: {  	s28 =	sadd.s32 $0x4, s28;
	v15 =	vadd.s32 v15, v16;
	v8 =	vshll.u32 v8, $0x7;
	v9 =	vshll.u32 v9, $0x7;
	s3 =	sor.u32 $0x12000, s1;
	s5 =	sor.u32 $0x30, s0;
	[tilespmem:v5+s2+$0x0] =	vst.idx.add.f32.msk $0xffff, v1  }
0x274: {  	s1 =	sor.u32 $0x12080, s1;
	p1 =	slt.u32 s28, $0xFC;
	v16 =	vand.u32 $0x380, v6;
	v5 =	vadd.s32 v13, v14;
	v6 =	vadd.s32 v17, v18;
	s7 =	sor.u32 s5, s3;
	[tilespmem:v12+s2+$0x0] =	vst.idx.add.f32.msk $0xffff, v10  }
0x275: {  	s9 =	sor.u32 $0x10, s0;
	s11 =	sor.u32 $0x20, s0;
	v14 =	vand.u32 $0x380, v8;
	v8 =	vand.u32 $0x380, v9;
	s5 =	sor.u32 s5, s1;
	v12 =	vor.u32 v16, v15;
	v10 =	vld [tilespmem:s7+$0x0]  }
0x276: {  	v2 =	vand.u32 $0x7F, v2;
	s31 =	sor.u32 s9, s3;
	v5 =	vor.u32 v14, v5;
	v8 =	vor.u32 v8, v6;
	s7 =	sor.u32 s0, s3;
	s0 =	sor.u32 s0, s1;
	v13 =	vld [tilespmem:s5+$0x0];
	v1 =	vmovc v11  }
0x277: {  	v3 =	vand.u32 $0x7F, v3;
	v4 =	vand.u32 $0x7F, v4;
	s3 =	sor.u32 s11, s3;
	s5 =	sor.u32 s9, s1;
	s1 =	sor.u32 s11, s1;
	v11 =	vor.u32 v2, v12;
	v6 =	vld [tilespmem:s7+$0x0]  }
0x278: {  	p0 =	por !p0, !p0;
	v12 =	vor.u32 v3, v5;
	v5 =	vor.u32 v4, v8;
	v2 =	vld [tilespmem:s0+$0x0];
	s0 =	simm.s32 $0x1  }
0x279: {  	v8 =	vld [tilespmem:s31+$0x0];
	s0 =	simm.s32 @!p0 $0x0  }
0x27a: {  	v3 =	vld [tilespmem:s5+$0x0];
	s0 =	sshll.u32 s0, $0x6  }
0x27b: {  	v14 =	vshll.u32 v10, $0x8;
	v9 =	vld [tilespmem:s3+$0x0];
	v15 =	vshll.u32 v13, $0x3;
	s0 =	sadd.s32 s0, s29  }
0x27c: {  	v10 =	vshll.u32 v10, $0x7;
	v14 =	vand.u32 $0xFFFFF800, v14;
	v4 =	vld [tilespmem:s1+$0x0];
	v15 =	vand.u32 $0xFFFFFC00, v15;
	s1 =	sadd.s32 $0x10, s0  }
.Ltmp16:
0x27d: {  	v10 =	vand.u32 $0x380, v10;
	v16 =	vshll.u32 v6, $0x8;
	s3 =	sadd.s32 $0x20, s0;
	s5 =	sadd.s32 $0x30, s0;
	v14 =	vadd.s32 v14, v15;
	[tilespmem:v11+s2+$0x0] =	vst.idx.add.f32.msk $0xffff, v19;
	(pc) =	sbr.rel @p1 .LBB2_34-.Ltmp16, $4  }
0x27e: {  	v13 =	vand.u32 $0x7F, v13;
	v11 =	vshll.u32 v2, $0x3;
	s1 =	sor.u32 $0x80, s1;
	s3 =	sor.u32 $0x80, s3;
	s5 =	sor.u32 $0x80, s5;
	v14 =	vor.u32 v10, v14;
	[tilespmem:v12+s2+$0x0] =	vst.idx.add.f32.msk $0xffff, v7  }
0x27f: {  	s31 =	sor.u32 $0x80, s0;
	v18 =	vshll.u32 v8, $0x8;
	v19 =	vshll.u32 v3, $0x3;
	v10 =	vld [tilespmem:s5+$0x14000];
	v12 =	vor.u32 v13, v14  }
0x280: {  	v15 =	vand.u32 $0xFFFFF800, v16;
	v16 =	vand.u32 $0xFFFFFC00, v11;
	v7 =	vld [tilespmem:s1+$0x14000];
	v17 =	vshll.u32 v9, $0x8  }
0x281: {  	s30 =	sadd.s32 $0x40, s30;
	s29 =	sadd.s32 $0x80, s29;
	v13 =	vand.u32 $0xFFFFF800, v18;
	v14 =	vand.u32 $0xFFFFFC00, v19;
	v11 =	vld [tilespmem:s3+$0x14000];
	v18 =	vshll.u32 v4, $0x3  }
0x282: {  	v6 =	vshll.u32 v6, $0x7  }
0x283: {  	v17 =	vand.u32 $0xFFFFF800, v17;
	v18 =	vand.u32 $0xFFFFFC00, v18;
	v15 =	vadd.s32 v15, v16  }
0x284: {  	v8 =	vshll.u32 v8, $0x7;
	v9 =	vshll.u32 v9, $0x7;
	v13 =	vadd.s32 v13, v14  }
0x285: {  	v2 =	vand.u32 $0x7F, v2;
	v3 =	vand.u32 $0x7F, v3;
	v6 =	vand.u32 $0x380, v6  }
0x286: {  	v61 =	vadd.s32 v17, v18;
	v8 =	vand.u32 $0x380, v8;
	v6 =	vor.u32 v6, v15  }
0x287: {  	v62 =	vld [tilespmem:s31+$0x14000];
	v9 =	vand.u32 $0x380, v9;
	v8 =	vor.u32 v8, v13;
	v2 =	vor.u32 v2, v6  }
0x288: {  	v4 =	vand.u32 $0x7F, v4;
	v63 =	vor.u32 v9, v61;
	v3 =	vor.u32 v3, v8  }
0x289: {  	v4 =	vor.u32 v4, v63  }
0x28a: {  	[tilespmem:v5+s2+$0x0] =	vst.idx.add.f32.msk $0xffff, v1  }
0x28b: {  	[tilespmem:v12+s2+$0x0] =	vst.idx.add.f32.msk $0xffff, v10  }
0x28c: {  	s26 =	sadd.s32 $0x1, s26;
	[tilespmem:v2+s2+$0x0] =	vst.idx.add.f32.msk $0xffff, v62  }
0x28d: {  	p0 =	sne.s32 s26, s20;
	[tilespmem:v3+s2+$0x0] =	vst.idx.add.f32.msk $0xffff, v7  }
.Ltmp17:
0x28e: {  	[tilespmem:v4+s2+$0x0] =	vst.idx.add.f32.msk $0xffff, v11;
	(pc) =	sbr.rel @p0 .LBB2_1-.Ltmp17, $4  }
0x28f: {  	[hbm4b:s19+s2] =	stream.linear.scatter [tilespmem:s2], [sflag:$0x3], $0x10000, $0x38;
	[tilespmem:$0x16000] =	vst v63  }
0x290: {  	_ =	swait.ge [sflag:s25], $0x10000  }
0x291: {  	[sflag:s25] =	ssyncset.done $0x0  }
0x292: {  	[sflag:s25] =	ssyncadd.s32 $0xFFFF0000  }
0x293: {  	_ =	sfence.sel $0x180000  }
0x294: {  	[bflag:$0x0] =	sbarrier.arrive $0xFFFF  }
0x295: {  	_ =	strace $0x90000047  }
0x296: {  	s0 =	stileid.u32;
	[bflag:$0x2] =	sbarrier.arrive $0xFFFF  }
0x297: {  	p0 =	sne.s32 s0, $0x0;
	s0 =	rddreg [dreg:$0x3]  }
0x298: {  	s0 =	sadd.s32 @!p0 $0x100000, s0  }
0x299: {  	[sflag:s0] =	ssyncadd.tile.s32 @!p0 $0x1;
	_ =	shalt  }
.Lfunc_end2:
_tile_overlayer_lowered:
.L_overlay_start_2:
0x29a: {  	(tag) =	ssettag $0x2  }
0x29b: {  	s0 =	rddreg [dreg:$0x0];
	s2 =	stileid.u32  }
0x29c: {  	s1 =	rddreg [dreg:$0x1];
	p0 =	sne.s32 s2, $0x0  }
0x29d: {  	s3 =	rddreg [dreg:$0x2];
	[bflag:$0x3] =	sbarrier.arrive $0xFFFF;
	s2 =	simm.s32 @!p0 $0x1C03  }
0x29e: {  	[timem:s3], [sflag:s2] =	dma.local @!p0 [hbm:s0], s1  }
0x29f: {  	s0 =	simm.s32 @!p0 $0x3  }
0x2a0: {  	_ =	swait.ge @!p0 [sflag:s0], s1  }
0x2a1: {  	s1 =	ssub.s32 @!p0 $0x0, s1;
	[sflag:s0] =	ssyncset.done @!p0 $0x0  }
0x2a2: {  	[sflag:s0] =	ssyncadd.s32 @!p0 s1  }
0x2a3: {  	[bflag:$0x3] =	sbarrier.arrive $0xFFFF  }
0x2a4: {  	_ =	shalt  }

</sc_bundles>
